<compile_context>
chip_gen: v7x
topology: tpu7x:2x2x1
jax: 0.10.2.dev20260603
libtpu: 0.0.44.dev20260713+nightly
codegen_flags: <defaults>
</compile_context>

<pallas_src>
import functools

import jax
import jax.numpy as jnp
from jax import lax
from jax.experimental import pallas as pl
from jax.experimental.pallas import tpu as pltpu
from jax.experimental.pallas import tpu_sc as plsc

NC = 2
NS = 16
NW = NC * NS


def _gemm_gid_body(n_nodes, x_ref, w_ref, s_ref, r_ref, o_ref, g_ref):
    o_ref[...] = jnp.dot(x_ref[...], w_ref[0],
                         preferred_element_type=jnp.float32)

    @pl.when(jnp.logical_and(pl.program_id(0) == 0, pl.program_id(1) == 0))
    def _():
        g_ref[...] = r_ref[...] * n_nodes + s_ref[...]


def _relation_gemm_gid(x, weight, src, rel, bn):
    n, d_in = x.shape
    r, _, d_out = weight.shape
    e = src.shape[0]
    nbn = n // bn
    return pl.pallas_call(
        functools.partial(_gemm_gid_body, n),
        grid=(nbn, r),
        in_specs=[
            pl.BlockSpec((bn, d_in), lambda i, j: (i, 0)),
            pl.BlockSpec((1, d_in, d_out), lambda i, j: (j, 0, 0)),
            pl.BlockSpec((e,), lambda i, j: (0,)),
            pl.BlockSpec((e,), lambda i, j: (0,)),
        ],
        out_specs=[
            pl.BlockSpec((bn, d_out), lambda i, j, _nbn=nbn: (j * _nbn + i, 0)),
            pl.BlockSpec((e,), lambda i, j: (0,)),
        ],
        out_shape=[
            jax.ShapeDtypeStruct((r * n, d_out), jnp.float32),
            jax.ShapeDtypeStruct((e,), jnp.int32),
        ],
    )(x, weight, src, rel)


def _add_body(p_ref, o_ref):
    o_ref[...] = p_ref[0] + p_ref[1]


def _pair_add(p, bn):
    _, n, d = p.shape
    return pl.pallas_call(
        _add_body,
        grid=(n // bn,),
        in_specs=[pl.BlockSpec((2, bn, d), lambda i: (0, i, 0))],
        out_specs=pl.BlockSpec((bn, d), lambda i: (i, 0)),
        out_shape=jax.ShapeDtypeStruct((n, d), jnp.float32),
    )(p)


def _make_sc_scatter(n_nodes, d, n_edges):
    ept = n_edges // NW
    b = 80
    nch = -(-ept // b)
    nch += (5 - nch) % 6
    ept_p = nch * b
    rpt_a = (n_nodes // NS) & ~7
    rpt_z = n_nodes - rpt_a * (NS - 1)
    assert ept * NW == n_edges and nch % 6 == 5 and nch >= 17
    assert b % 8 == 0 and ept_p % 8 == 0 and rpt_a % 8 == 0

    mesh = plsc.VectorSubcoreMesh(core_axis_name="c", subcore_axis_name="s",
                                  num_cores=NC, num_subcores=NS)

    @functools.partial(
        pl.kernel,
        out_type=jax.ShapeDtypeStruct((NC, n_nodes, d), jnp.float32),
        mesh=mesh,
        scratch_types=[
            pltpu.VMEM((ept_p,), jnp.int32),
            pltpu.VMEM((6, b), jnp.int32),
            pltpu.VMEM((3, b, d), jnp.float32),
            pltpu.VMEM_SHARED((n_nodes + NS, d), jnp.float32),
            pltpu.SemaphoreType.DMA,
            pltpu.SemaphoreType.DMA,
            (pltpu.SemaphoreType.DMA,) * 3,
            (pltpu.SemaphoreType.DMA,) * 3,
        ],
    )
    def sc_scatter(y_hbm, g_hbm, dst_hbm, zeros_hbm, out_hbm,
                   gid, didr, rows, h_sh, sem_i, sem_d, sg, ss):
        cid = lax.axis_index("c")
        sid = lax.axis_index("s")
        wid = cid * NS + sid
        base = wid * ept_p

        cp_g = pltpu.async_copy(g_hbm.at[pl.ds(base, ept_p)], gid, sem_i)

        def fire_d(c, slot):
            pltpu.async_copy(dst_hbm.at[pl.ds(base + c * b, b)],
                             didr.at[slot], sem_d)

        def wait_d():
            pltpu.make_async_copy(dst_hbm.at[pl.ds(base, b)],
                                  didr.at[0], sem_d).wait()

        @pl.when(sid < NS - 1)
        def _():
            pltpu.sync_copy(zeros_hbm.at[pl.ds(sid * rpt_a, rpt_a)],
                            h_sh.at[pl.ds(sid * rpt_a, rpt_a)])

        @pl.when(sid == NS - 1)
        def _():
            pltpu.sync_copy(zeros_hbm.at[pl.ds(rpt_a * (NS - 1), rpt_z)],
                            h_sh.at[pl.ds(rpt_a * (NS - 1), rpt_z)])

        cp_g.wait()

        plsc.subcore_barrier()

        def fire_g(c, slot):
            pltpu.async_copy(y_hbm.at[gid.at[pl.ds(c * b, b)]],
                             rows.at[slot], sg[slot])

        def wait_g(c, slot):
            pltpu.make_async_copy(y_hbm.at[gid.at[pl.ds(c * b, b)]],
                                  rows.at[slot], sg[slot]).wait()

        def fire_s(c, k3, k6):
            pltpu.async_copy(rows.at[k3], h_sh.at[didr.at[k6]],
                             ss[k3], add=True)

        def wait_s(k3, k6):
            pltpu.make_async_copy(rows.at[k3], h_sh.at[didr.at[k6]],
                                  ss[k3]).wait()

        def visit(c, j, first, last):
            k3 = j % 3
            wait_g(c, k3)
            wait_d()
            fire_s(c, k3, j)
            if not (first and j == 0):
                wait_s((j + 2) % 3, (j + 5) % 6)
            if not last or j + 4 < 5:
                fire_d(c + 4, (j + 4) % 6)
            if not last or j + 2 < 5:
                fire_g(c + 2, (j + 2) % 3)

        for j in range(4):
            fire_d(j, j)
        fire_g(0, 0)
        fire_g(1, 1)
        for c in range(6):
            visit(c, c, first=True, last=False)

        def step(t, carry):
            for j in range(6):
                visit(6 * t + j, j, first=False, last=False)
            return carry

        lax.fori_loop(1, (nch - 5) // 6, step, 0)
        for j in range(5):
            visit(nch - 5 + j, (nch - 5 + j) % 6, first=False, last=True)
        wait_s((nch - 1) % 3, (nch - 1) % 6)

        plsc.subcore_barrier()

        @pl.when(sid < NS - 1)
        def _():
            pltpu.sync_copy(h_sh.at[pl.ds(sid * rpt_a, rpt_a)],
                            out_hbm.at[cid, pl.ds(sid * rpt_a, rpt_a)])

        @pl.when(sid == NS - 1)
        def _():
            pltpu.sync_copy(h_sh.at[pl.ds(rpt_a * (NS - 1), rpt_z)],
                            out_hbm.at[cid, pl.ds(rpt_a * (NS - 1), rpt_z)])

    return sc_scatter, ept, ept_p


def _pad_per_tile(a, ept, ept_p, fill):
    if ept_p == ept:
        return a
    pad = jnp.broadcast_to(jnp.asarray(fill, a.dtype).reshape(-1, 1),
                           (NW, ept_p - ept))
    return jnp.concatenate([a.reshape(NW, ept), pad], axis=1).reshape(-1)


def kernel(x, edge_index, rel_type, weight):
    n, _ = x.shape
    r, _, d_out = weight.shape
    e = edge_index.shape[1]
    src = edge_index[0]
    dst = edge_index[1]
    y, g = _relation_gemm_gid(x, weight, src, rel_type, 10000)
    sc, ept, ept_p = _make_sc_scatter(n, d_out, e)
    g_p = _pad_per_tile(g, ept, ept_p, 0)
    dst_p = _pad_per_tile(dst, ept, ept_p, n + jnp.arange(NW) % NS)
    zeros = jnp.zeros((n, d_out), jnp.float32)
    partials = sc(y, g_p, dst_p, zeros)
    return _pair_add(partials, 2000)

# --- scband reference (transcript-rebuilt; emitter-appended) ---
"""Pipeline reference for scband-rgcnlayer-52493090292118 (READ-ONLY COPY).

The authoritative reference and input builder live on the scoring server;
editing this copy changes nothing except your own understanding.
"""

import jax, jax.numpy as jnp
import numpy as np

NUM_EDGE_TYPES = 5
N_NODES = 10000
N_EDGES = 320000
D_IN = 128
D_OUT = 128


def setup_inputs(seed: int = 0) -> dict:
    key = jax.random.key(seed)
    k1, k2, k3, k4 = jax.random.split(key, 4)
    x = jax.random.normal(k1, (N_NODES, D_IN), dtype=jnp.float32)
    edge_index = jax.random.randint(k2, (2, N_EDGES), 0, N_NODES, dtype=jnp.int32)
    rel_type = jax.random.randint(k3, (N_EDGES,), 0, NUM_EDGE_TYPES, dtype=jnp.int32)
    # xavier_uniform with gain=calculate_gain('relu')=sqrt(2), torch fan calc for 3D tensor
    gain = float(np.sqrt(2.0))
    fan_in = D_IN * D_OUT
    fan_out = NUM_EDGE_TYPES * D_OUT
    bound = gain * float(np.sqrt(6.0 / (fan_in + fan_out)))
    weight = jax.random.uniform(k4, (NUM_EDGE_TYPES, D_IN, D_OUT), minval=-bound, maxval=bound, dtype=jnp.float32)
    return {"x": x, "edge_index": edge_index, "rel_type": rel_type, "weight": weight}


def reference(x, edge_index, rel_type, weight):
    # RGCN message passing (edge_gating=False, bias=None, activation=None):
    #   per-edge: msg_e = x[src_e] @ weight[rel_type_e]
    #   per-node: h_v = sum_{e: dst_e == v} msg_e
    # The torch/DGL code gathers a [E, in, out] weight tensor and does bmm;
    # here we compute the mathematically identical per-relation GEMM + mask-select
    # to avoid materializing the E x in x out gathered weights.
    src = edge_index[0]
    dst = edge_index[1]
    x_src = jnp.take(x, src, axis=0)  # gather: [E, in]
    E = x_src.shape[0]
    d_out = weight.shape[2]
    msg = jnp.zeros((E, d_out), dtype=x.dtype)
    for r in range(weight.shape[0]):
        mask = (rel_type == r)[:, None]
        msg = msg + jnp.where(mask, x_src @ weight[r], jnp.zeros((), dtype=x.dtype))
    # fn.sum(msg='msg', out='h') -> scatter-add by destination node
    h = jax.ops.segment_sum(msg, dst, num_segments=x.shape[0])
    return h

if __name__ == "__main__":
    import jax
    _d = setup_inputs()
    print(jax.jit(kernel)(*tuple(_d.values())))

</pallas_src>

<mosaic_0001>
#map = affine_map<(d0, d1) -> (0, 0)>
#map1 = affine_map<(d0, d1) -> (0)>
#map2 = affine_map<(d0, d1) -> (0, 0, 0)>
module attributes {stable_mosaic.version = 14 : i64} {
  func.func @sc_scatter(%arg0: i32, %arg1: i32, %arg2: memref<50000x128xf32, #tpu.memory_space<hbm>>, %arg3: memref<320000xi32, #tpu.memory_space<hbm>>, %arg4: memref<320000xi32, #tpu.memory_space<hbm>>, %arg5: memref<10000x128xf32, #tpu.memory_space<hbm>>, %arg6: memref<2x10000x128xf32, #tpu.memory_space<hbm>>, %arg7: memref<10000xi32, #tpu.memory_space<vmem>>, %arg8: memref<6x80xi32, #tpu.memory_space<vmem>>, %arg9: memref<3x80x128xf32, #tpu.memory_space<vmem>>, %arg10: memref<10016x128xf32, #tpu.memory_space<vmem_shared>>, %arg11: memref<!tpu.dma_semaphore, #tpu.memory_space<semaphore_mem>>, %arg12: memref<!tpu.dma_semaphore, #tpu.memory_space<semaphore_mem>>, %arg13: memref<!tpu.dma_semaphore, #tpu.memory_space<semaphore_mem>>, %arg14: memref<!tpu.dma_semaphore, #tpu.memory_space<semaphore_mem>>, %arg15: memref<!tpu.dma_semaphore, #tpu.memory_space<semaphore_mem>>, %arg16: memref<!tpu.dma_semaphore, #tpu.memory_space<semaphore_mem>>, %arg17: memref<!tpu.dma_semaphore, #tpu.memory_space<semaphore_mem>>, %arg18: memref<!tpu.dma_semaphore, #tpu.memory_space<semaphore_mem>>) attributes {dimension_semantics = [#tpu.dimension_semantics<core_parallel>, #tpu.dimension_semantics<subcore_parallel>], iteration_bounds = array<i64: 2, 16>, scalar_prefetch = 0 : i64, scratch_operands = 12 : i64, tpu.core_type = #tpu.core_type<sc_vector_subcore>, window_params = [{transform_indices = #map}, {transform_indices = #map1}, {transform_indices = #map1}, {transform_indices = #map}, {transform_indices = #map2}]} {
    %mul3A = arith.constant 16 : i32
    %mul3A_0 = arith.muli %arg0, %mul3A : i32
    %add3A = arith.addi %mul3A_0, %arg1 : i32
    %mul3A_1 = arith.constant 10000 : i32
    %mul3A_2 = arith.muli %add3A, %mul3A_1 : i32
    %dma_start3A = tpu.memref_slice %arg3[%mul3A_2] : memref<320000xi32, #tpu.memory_space<hbm>> -> memref<10000xi32, #tpu.memory_space<hbm>>
    %dma_start3A_3 = tpu.memref_slice %arg3[%mul3A_2] : memref<320000xi32, #tpu.memory_space<hbm>> -> memref<10000xi32, #tpu.memory_space<hbm>>
    tpu.enqueue_dma source(%dma_start3A_3 : memref<10000xi32, #tpu.memory_space<hbm>>) target(%arg7 : memref<10000xi32, #tpu.memory_space<vmem>>) target_semaphore(%arg11 : memref<!tpu.dma_semaphore, #tpu.memory_space<semaphore_mem>>)
    %lt3A = arith.constant 15 : i32
    %lt3A_4 = arith.cmpi slt, %arg1, %lt3A : i32
    %convert_element_type3A = arith.extui %lt3A_4 : i1 to i32
    %cond3A = arith.constant 0 : i32
    %cond3A_5 = arith.cmpi ne, %convert_element_type3A, %cond3A : i32
    scf.if %cond3A_5 {
      %mul3A_731 = arith.constant 624 : i32
      %mul3A_732 = arith.muli %arg1, %mul3A_731 : i32
      %mul3A_733 = arith.constant 624 : i32
      %mul3A_734 = arith.muli %arg1, %mul3A_733 : i32
      "tpu.region"() ({
        %run_scoped3A = tpu.sem_alloc : memref<!tpu.dma_semaphore, #tpu.memory_space<semaphore_mem>>
        %dma_start3A_735 = arith.constant 0 : i32
        %dma_start3A_736 = tpu.memref_slice %arg10[%mul3A_734, %dma_start3A_735] : memref<10016x128xf32, #tpu.memory_space<vmem_shared>> -> memref<624x128xf32, #tpu.memory_space<vmem_shared>>
        %dma_start3A_737 = arith.constant 0 : i32
        %dma_start3A_738 = tpu.memref_slice %arg5[%mul3A_732, %dma_start3A_737] : memref<10000x128xf32, #tpu.memory_space<hbm>> -> memref<624x128xf32, #tpu.memory_space<hbm>>
        tpu.enqueue_dma source(%dma_start3A_738 : memref<624x128xf32, #tpu.memory_space<hbm>>) target(%dma_start3A_736 : memref<624x128xf32, #tpu.memory_space<vmem_shared>>) target_semaphore(%run_scoped3A : memref<!tpu.dma_semaphore, #tpu.memory_space<semaphore_mem>>)
        %dma_wait3A_739 = arith.constant 0 : i32
        %dma_wait3A_740 = tpu.memref_slice %arg10[%mul3A_734, %dma_wait3A_739] : memref<10016x128xf32, #tpu.memory_space<vmem_shared>> -> memref<624x128xf32, #tpu.memory_space<vmem_shared>>
        %dma_wait3A_741 = arith.constant 0 : i32
        %dma_wait3A_742 = tpu.memref_slice %arg5[%mul3A_732, %dma_wait3A_741] : memref<10000x128xf32, #tpu.memory_space<hbm>> -> memref<624x128xf32, #tpu.memory_space<hbm>>
        tpu.wait_dma2 semaphore(%run_scoped3A : memref<!tpu.dma_semaphore, #tpu.memory_space<semaphore_mem>>) src(%dma_wait3A_742 : memref<624x128xf32, #tpu.memory_space<hbm>>) dst(%dma_wait3A_740 : memref<624x128xf32, #tpu.memory_space<vmem_shared>>)
        tpu.yield
      }) : () -> ()
    } else {
    }
    %eq3A = arith.constant 15 : i32
    %eq3A_6 = arith.cmpi eq, %arg1, %eq3A : i32
    %convert_element_type3A_7 = arith.extui %eq3A_6 : i1 to i32
    %cond3A_8 = arith.constant 0 : i32
    %cond3A_9 = arith.cmpi ne, %convert_element_type3A_7, %cond3A_8 : i32
    scf.if %cond3A_9 {
      "tpu.region"() ({
        %run_scoped3A = tpu.sem_alloc : memref<!tpu.dma_semaphore, #tpu.memory_space<semaphore_mem>>
        %dma_start3A_731 = arith.constant 9360 : i32
        %dma_start3A_732 = arith.constant 0 : i32
        %dma_start3A_733 = tpu.memref_slice %arg10[%dma_start3A_731, %dma_start3A_732] : memref<10016x128xf32, #tpu.memory_space<vmem_shared>> -> memref<640x128xf32, #tpu.memory_space<vmem_shared>>
        %dma_start3A_734 = arith.constant 9360 : i32
        %dma_start3A_735 = arith.constant 0 : i32
        %dma_start3A_736 = tpu.memref_slice %arg5[%dma_start3A_734, %dma_start3A_735] : memref<10000x128xf32, #tpu.memory_space<hbm>> -> memref<640x128xf32, #tpu.memory_space<hbm>>
        tpu.enqueue_dma source(%dma_start3A_736 : memref<640x128xf32, #tpu.memory_space<hbm>>) target(%dma_start3A_733 : memref<640x128xf32, #tpu.memory_space<vmem_shared>>) target_semaphore(%run_scoped3A : memref<!tpu.dma_semaphore, #tpu.memory_space<semaphore_mem>>)
        %dma_wait3A_737 = arith.constant 9360 : i32
        %dma_wait3A_738 = arith.constant 0 : i32
        %dma_wait3A_739 = tpu.memref_slice %arg10[%dma_wait3A_737, %dma_wait3A_738] : memref<10016x128xf32, #tpu.memory_space<vmem_shared>> -> memref<640x128xf32, #tpu.memory_space<vmem_shared>>
        %dma_wait3A_740 = arith.constant 9360 : i32
        %dma_wait3A_741 = arith.constant 0 : i32
        %dma_wait3A_742 = tpu.memref_slice %arg5[%dma_wait3A_740, %dma_wait3A_741] : memref<10000x128xf32, #tpu.memory_space<hbm>> -> memref<640x128xf32, #tpu.memory_space<hbm>>
        tpu.wait_dma2 semaphore(%run_scoped3A : memref<!tpu.dma_semaphore, #tpu.memory_space<semaphore_mem>>) src(%dma_wait3A_742 : memref<640x128xf32, #tpu.memory_space<hbm>>) dst(%dma_wait3A_739 : memref<640x128xf32, #tpu.memory_space<vmem_shared>>)
        tpu.yield
      }) : () -> ()
    } else {
    }
    %dma_wait3A = tpu.memref_slice %arg3[%mul3A_2] : memref<320000xi32, #tpu.memory_space<hbm>> -> memref<10000xi32, #tpu.memory_space<hbm>>
    %dma_wait3A_10 = tpu.memref_slice %arg3[%mul3A_2] : memref<320000xi32, #tpu.memory_space<hbm>> -> memref<10000xi32, #tpu.memory_space<hbm>>
    tpu.wait_dma2 semaphore(%arg11 : memref<!tpu.dma_semaphore, #tpu.memory_space<semaphore_mem>>) src(%dma_wait3A_10 : memref<10000xi32, #tpu.memory_space<hbm>>) dst(%arg7 : memref<10000xi32, #tpu.memory_space<vmem>>)
    %barrier3A = arith.constant 0 : index
    tpu.barrier barrier_id(%barrier3A)
    %add3A_11 = arith.constant 0 : i32
    %add3A_12 = arith.addi %mul3A_2, %add3A_11 : i32
    %dma_start3A_13 = arith.constant 0 : i32
    %dma_start3A_14 = arith.constant 0 : i32
    %dma_start3A_15 = tpu.memref_slice %arg8[%dma_start3A_13, %dma_start3A_14] : memref<6x80xi32, #tpu.memory_space<vmem>> -> memref<1x80xi32, #tpu.memory_space<vmem>>
    %dma_start3A_16 = tpu.memref_squeeze %dma_start3A_15 : memref<1x80xi32, #tpu.memory_space<vmem>> -> memref<80xi32, #tpu.memory_space<vmem>>
    %dma_start3A_17 = tpu.memref_slice %arg4[%add3A_12] : memref<320000xi32, #tpu.memory_space<hbm>> -> memref<80xi32, #tpu.memory_space<hbm>>
    %dma_start3A_18 = arith.constant 0 : i32
    %dma_start3A_19 = tpu.memref_slice %arg8[%dma_start3A_13, %dma_start3A_18] : memref<6x80xi32, #tpu.memory_space<vmem>> -> memref<1x80xi32, #tpu.memory_space<vmem>>
    %dma_start3A_20 = tpu.memref_squeeze %dma_start3A_19 : memref<1x80xi32, #tpu.memory_space<vmem>> -> memref<80xi32, #tpu.memory_space<vmem>>
    %dma_start3A_21 = tpu.memref_slice %arg4[%add3A_12] : memref<320000xi32, #tpu.memory_space<hbm>> -> memref<80xi32, #tpu.memory_space<hbm>>
    tpu.enqueue_dma source(%dma_start3A_21 : memref<80xi32, #tpu.memory_space<hbm>>) target(%dma_start3A_20 : memref<80xi32, #tpu.memory_space<vmem>>) target_semaphore(%arg12 : memref<!tpu.dma_semaphore, #tpu.memory_space<semaphore_mem>>)
    %add3A_22 = arith.constant 80 : i32
    %add3A_23 = arith.addi %mul3A_2, %add3A_22 : i32
    %dma_start3A_24 = arith.constant 1 : i32
    %dma_start3A_25 = arith.constant 0 : i32
    %dma_start3A_26 = tpu.memref_slice %arg8[%dma_start3A_24, %dma_start3A_25] : memref<6x80xi32, #tpu.memory_space<vmem>> -> memref<1x80xi32, #tpu.memory_space<vmem>>
    %dma_start3A_27 = tpu.memref_squeeze %dma_start3A_26 : memref<1x80xi32, #tpu.memory_space<vmem>> -> memref<80xi32, #tpu.memory_space<vmem>>
    %dma_start3A_28 = tpu.memref_slice %arg4[%add3A_23] : memref<320000xi32, #tpu.memory_space<hbm>> -> memref<80xi32, #tpu.memory_space<hbm>>
    %dma_start3A_29 = arith.constant 0 : i32
    %dma_start3A_30 = tpu.memref_slice %arg8[%dma_start3A_24, %dma_start3A_29] : memref<6x80xi32, #tpu.memory_space<vmem>> -> memref<1x80xi32, #tpu.memory_space<vmem>>
    %dma_start3A_31 = tpu.memref_squeeze %dma_start3A_30 : memref<1x80xi32, #tpu.memory_space<vmem>> -> memref<80xi32, #tpu.memory_space<vmem>>
    %dma_start3A_32 = tpu.memref_slice %arg4[%add3A_23] : memref<320000xi32, #tpu.memory_space<hbm>> -> memref<80xi32, #tpu.memory_space<hbm>>
    tpu.enqueue_dma source(%dma_start3A_32 : memref<80xi32, #tpu.memory_space<hbm>>) target(%dma_start3A_31 : memref<80xi32, #tpu.memory_space<vmem>>) target_semaphore(%arg12 : memref<!tpu.dma_semaphore, #tpu.memory_space<semaphore_mem>>)
    %add3A_33 = arith.constant 160 : i32
    %add3A_34 = arith.addi %mul3A_2, %add3A_33 : i32
    %dma_start3A_35 = arith.constant 2 : i32
    %dma_start3A_36 = arith.constant 0 : i32
    %dma_start3A_37 = tpu.memref_slice %arg8[%dma_start3A_35, %dma_start3A_36] : memref<6x80xi32, #tpu.memory_space<vmem>> -> memref<1x80xi32, #tpu.memory_space<vmem>>
    %dma_start3A_38 = tpu.memref_squeeze %dma_start3A_37 : memref<1x80xi32, #tpu.memory_space<vmem>> -> memref<80xi32, #tpu.memory_space<vmem>>
    %dma_start3A_39 = tpu.memref_slice %arg4[%add3A_34] : memref<320000xi32, #tpu.memory_space<hbm>> -> memref<80xi32, #tpu.memory_space<hbm>>
    %dma_start3A_40 = arith.constant 0 : i32
    %dma_start3A_41 = tpu.memref_slice %arg8[%dma_start3A_35, %dma_start3A_40] : memref<6x80xi32, #tpu.memory_space<vmem>> -> memref<1x80xi32, #tpu.memory_space<vmem>>
    %dma_start3A_42 = tpu.memref_squeeze %dma_start3A_41 : memref<1x80xi32, #tpu.memory_space<vmem>> -> memref<80xi32, #tpu.memory_space<vmem>>
    %dma_start3A_43 = tpu.memref_slice %arg4[%add3A_34] : memref<320000xi32, #tpu.memory_space<hbm>> -> memref<80xi32, #tpu.memory_space<hbm>>
    tpu.enqueue_dma source(%dma_start3A_43 : memref<80xi32, #tpu.memory_space<hbm>>) target(%dma_start3A_42 : memref<80xi32, #tpu.memory_space<vmem>>) target_semaphore(%arg12 : memref<!tpu.dma_semaphore, #tpu.memory_space<semaphore_mem>>)
    %add3A_44 = arith.constant 240 : i32
    %add3A_45 = arith.addi %mul3A_2, %add3A_44 : i32
    %dma_start3A_46 = arith.constant 3 : i32
    %dma_start3A_47 = arith.constant 0 : i32
    %dma_start3A_48 = tpu.memref_slice %arg8[%dma_start3A_46, %dma_start3A_47] : memref<6x80xi32, #tpu.memory_space<vmem>> -> memref<1x80xi32, #tpu.memory_space<vmem>>
    %dma_start3A_49 = tpu.memref_squeeze %dma_start3A_48 : memref<1x80xi32, #tpu.memory_space<vmem>> -> memref<80xi32, #tpu.memory_space<vmem>>
    %dma_start3A_50 = tpu.memref_slice %arg4[%add3A_45] : memref<320000xi32, #tpu.memory_space<hbm>> -> memref<80xi32, #tpu.memory_space<hbm>>
    %dma_start3A_51 = arith.constant 0 : i32
    %dma_start3A_52 = tpu.memref_slice %arg8[%dma_start3A_46, %dma_start3A_51] : memref<6x80xi32, #tpu.memory_space<vmem>> -> memref<1x80xi32, #tpu.memory_space<vmem>>
    %dma_start3A_53 = tpu.memref_squeeze %dma_start3A_52 : memref<1x80xi32, #tpu.memory_space<vmem>> -> memref<80xi32, #tpu.memory_space<vmem>>
    %dma_start3A_54 = tpu.memref_slice %arg4[%add3A_45] : memref<320000xi32, #tpu.memory_space<hbm>> -> memref<80xi32, #tpu.memory_space<hbm>>
    tpu.enqueue_dma source(%dma_start3A_54 : memref<80xi32, #tpu.memory_space<hbm>>) target(%dma_start3A_53 : memref<80xi32, #tpu.memory_space<vmem>>) target_semaphore(%arg12 : memref<!tpu.dma_semaphore, #tpu.memory_space<semaphore_mem>>)
    %dma_start3A_55 = arith.constant 0 : i32
    %dma_start3A_56 = arith.constant 0 : i32
    %dma_start3A_57 = arith.constant 0 : i32
    %dma_start3A_58 = tpu.memref_slice %arg9[%dma_start3A_55, %dma_start3A_56, %dma_start3A_57] : memref<3x80x128xf32, #tpu.memory_space<vmem>> -> memref<1x80x128xf32, #tpu.memory_space<vmem>>
    %dma_start3A_59 = tpu.memref_squeeze %dma_start3A_58 : memref<1x80x128xf32, #tpu.memory_space<vmem>> -> memref<80x128xf32, #tpu.memory_space<vmem>>
    %dma_start3A_60 = arith.constant 0 : i32
    %dma_start3A_61 = tpu.memref_slice %arg7[%dma_start3A_60] : memref<10000xi32, #tpu.memory_space<vmem>> -> memref<80xi32, #tpu.memory_space<vmem>>
    %dma_start3A_62 = arith.constant 0 : i32
    %dma_start3A_63 = arith.constant 0 : i32
    %dma_start3A_64 = tpu.memref_slice %arg2[%dma_start3A_62, %dma_start3A_63] : memref<50000x128xf32, #tpu.memory_space<hbm>> -> memref<50000x128xf32, #tpu.memory_space<hbm>>
    tpu.enqueue_indirect_dma source(%dma_start3A_64 : memref<50000x128xf32, #tpu.memory_space<hbm>>) target(%dma_start3A_59 : memref<80x128xf32, #tpu.memory_space<vmem>>) offsets(%dma_start3A_61 : memref<80xi32, #tpu.memory_space<vmem>>) semaphore(%arg13 : memref<!tpu.dma_semaphore, #tpu.memory_space<semaphore_mem>>)
    %dma_start3A_65 = arith.constant 1 : i32
    %dma_start3A_66 = arith.constant 0 : i32
    %dma_start3A_67 = arith.constant 0 : i32
    %dma_start3A_68 = tpu.memref_slice %arg9[%dma_start3A_65, %dma_start3A_66, %dma_start3A_67] : memref<3x80x128xf32, #tpu.memory_space<vmem>> -> memref<1x80x128xf32, #tpu.memory_space<vmem>>
    %dma_start3A_69 = tpu.memref_squeeze %dma_start3A_68 : memref<1x80x128xf32, #tpu.memory_space<vmem>> -> memref<80x128xf32, #tpu.memory_space<vmem>>
    %dma_start3A_70 = arith.constant 80 : i32
    %dma_start3A_71 = tpu.memref_slice %arg7[%dma_start3A_70] : memref<10000xi32, #tpu.memory_space<vmem>> -> memref<80xi32, #tpu.memory_space<vmem>>
    %dma_start3A_72 = arith.constant 0 : i32
    %dma_start3A_73 = arith.constant 0 : i32
    %dma_start3A_74 = tpu.memref_slice %arg2[%dma_start3A_72, %dma_start3A_73] : memref<50000x128xf32, #tpu.memory_space<hbm>> -> memref<50000x128xf32, #tpu.memory_space<hbm>>
    tpu.enqueue_indirect_dma source(%dma_start3A_74 : memref<50000x128xf32, #tpu.memory_space<hbm>>) target(%dma_start3A_69 : memref<80x128xf32, #tpu.memory_space<vmem>>) offsets(%dma_start3A_71 : memref<80xi32, #tpu.memory_space<vmem>>) semaphore(%arg14 : memref<!tpu.dma_semaphore, #tpu.memory_space<semaphore_mem>>)
    %dma_wait3A_75 = arith.constant 0 : i32
    %dma_wait3A_76 = arith.constant 0 : i32
    %dma_wait3A_77 = arith.constant 0 : i32
    %dma_wait3A_78 = tpu.memref_slice %arg9[%dma_wait3A_75, %dma_wait3A_76, %dma_wait3A_77] : memref<3x80x128xf32, #tpu.memory_space<vmem>> -> memref<1x80x128xf32, #tpu.memory_space<vmem>>
    %dma_wait3A_79 = tpu.memref_squeeze %dma_wait3A_78 : memref<1x80x128xf32, #tpu.memory_space<vmem>> -> memref<80x128xf32, #tpu.memory_space<vmem>>
    %dma_wait3A_80 = arith.constant 0 : i32
    %dma_wait3A_81 = tpu.memref_slice %arg7[%dma_wait3A_80] : memref<10000xi32, #tpu.memory_space<vmem>> -> memref<80xi32, #tpu.memory_space<vmem>>
    %dma_wait3A_82 = arith.constant 0 : i32
    %dma_wait3A_83 = arith.constant 0 : i32
    %dma_wait3A_84 = tpu.memref_slice %arg2[%dma_wait3A_82, %dma_wait3A_83] : memref<50000x128xf32, #tpu.memory_space<hbm>> -> memref<50000x128xf32, #tpu.memory_space<hbm>>
    tpu.wait_indirect_dma semaphore(%arg13 : memref<!tpu.dma_semaphore, #tpu.memory_space<semaphore_mem>>) src(%dma_wait3A_84 : memref<50000x128xf32, #tpu.memory_space<hbm>>) dst(%dma_wait3A_79 : memref<80x128xf32, #tpu.memory_space<vmem>>)
    %dma_wait3A_85 = arith.constant 0 : i32
    %dma_wait3A_86 = arith.constant 0 : i32
    %dma_wait3A_87 = tpu.memref_slice %arg8[%dma_wait3A_85, %dma_wait3A_86] : memref<6x80xi32, #tpu.memory_space<vmem>> -> memref<1x80xi32, #tpu.memory_space<vmem>>
    %dma_wait3A_88 = tpu.memref_squeeze %dma_wait3A_87 : memref<1x80xi32, #tpu.memory_space<vmem>> -> memref<80xi32, #tpu.memory_space<vmem>>
    %dma_wait3A_89 = tpu.memref_slice %arg4[%mul3A_2] : memref<320000xi32, #tpu.memory_space<hbm>> -> memref<80xi32, #tpu.memory_space<hbm>>
    %dma_wait3A_90 = arith.constant 0 : i32
    %dma_wait3A_91 = tpu.memref_slice %arg8[%dma_wait3A_85, %dma_wait3A_90] : memref<6x80xi32, #tpu.memory_space<vmem>> -> memref<1x80xi32, #tpu.memory_space<vmem>>
    %dma_wait3A_92 = tpu.memref_squeeze %dma_wait3A_91 : memref<1x80xi32, #tpu.memory_space<vmem>> -> memref<80xi32, #tpu.memory_space<vmem>>
    %dma_wait3A_93 = tpu.memref_slice %arg4[%mul3A_2] : memref<320000xi32, #tpu.memory_space<hbm>> -> memref<80xi32, #tpu.memory_space<hbm>>
    tpu.wait_dma2 semaphore(%arg12 : memref<!tpu.dma_semaphore, #tpu.memory_space<semaphore_mem>>) src(%dma_wait3A_93 : memref<80xi32, #tpu.memory_space<hbm>>) dst(%dma_wait3A_92 : memref<80xi32, #tpu.memory_space<vmem>>)
    %dma_start3A_94 = arith.constant 0 : i32
    %dma_start3A_95 = arith.constant 0 : i32
    %dma_start3A_96 = arith.constant 0 : i32
    %dma_start3A_97 = arith.constant 0 : i32
    %dma_start3A_98 = tpu.memref_slice %arg9[%dma_start3A_94, %dma_start3A_96, %dma_start3A_97] : memref<3x80x128xf32, #tpu.memory_space<vmem>> -> memref<1x80x128xf32, #tpu.memory_space<vmem>>
    %dma_start3A_99 = tpu.memref_squeeze %dma_start3A_98 : memref<1x80x128xf32, #tpu.memory_space<vmem>> -> memref<80x128xf32, #tpu.memory_space<vmem>>
    %dma_start3A_100 = arith.constant 0 : i32
    %dma_start3A_101 = tpu.memref_slice %arg8[%dma_start3A_95, %dma_start3A_100] : memref<6x80xi32, #tpu.memory_space<vmem>> -> memref<1x80xi32, #tpu.memory_space<vmem>>
    %dma_start3A_102 = tpu.memref_squeeze %dma_start3A_101 : memref<1x80xi32, #tpu.memory_space<vmem>> -> memref<80xi32, #tpu.memory_space<vmem>>
    %dma_start3A_103 = arith.constant 0 : i32
    %dma_start3A_104 = arith.constant 0 : i32
    %dma_start3A_105 = tpu.memref_slice %arg10[%dma_start3A_103, %dma_start3A_104] : memref<10016x128xf32, #tpu.memory_space<vmem_shared>> -> memref<10016x128xf32, #tpu.memory_space<vmem_shared>>
    tpu.enqueue_indirect_dma source(%dma_start3A_99 : memref<80x128xf32, #tpu.memory_space<vmem>>) target(%dma_start3A_105 : memref<10016x128xf32, #tpu.memory_space<vmem_shared>>) offsets(%dma_start3A_102 : memref<80xi32, #tpu.memory_space<vmem>>) semaphore(%arg16 : memref<!tpu.dma_semaphore, #tpu.memory_space<semaphore_mem>>) {add = true}
    %add3A_106 = arith.constant 320 : i32
    %add3A_107 = arith.addi %mul3A_2, %add3A_106 : i32
    %dma_start3A_108 = arith.constant 4 : i32
    %dma_start3A_109 = arith.constant 0 : i32
    %dma_start3A_110 = tpu.memref_slice %arg8[%dma_start3A_108, %dma_start3A_109] : memref<6x80xi32, #tpu.memory_space<vmem>> -> memref<1x80xi32, #tpu.memory_space<vmem>>
    %dma_start3A_111 = tpu.memref_squeeze %dma_start3A_110 : memref<1x80xi32, #tpu.memory_space<vmem>> -> memref<80xi32, #tpu.memory_space<vmem>>
    %dma_start3A_112 = tpu.memref_slice %arg4[%add3A_107] : memref<320000xi32, #tpu.memory_space<hbm>> -> memref<80xi32, #tpu.memory_space<hbm>>
    %dma_start3A_113 = arith.constant 0 : i32
    %dma_start3A_114 = tpu.memref_slice %arg8[%dma_start3A_108, %dma_start3A_113] : memref<6x80xi32, #tpu.memory_space<vmem>> -> memref<1x80xi32, #tpu.memory_space<vmem>>
    %dma_start3A_115 = tpu.memref_squeeze %dma_start3A_114 : memref<1x80xi32, #tpu.memory_space<vmem>> -> memref<80xi32, #tpu.memory_space<vmem>>
    %dma_start3A_116 = tpu.memref_slice %arg4[%add3A_107] : memref<320000xi32, #tpu.memory_space<hbm>> -> memref<80xi32, #tpu.memory_space<hbm>>
    tpu.enqueue_dma source(%dma_start3A_116 : memref<80xi32, #tpu.memory_space<hbm>>) target(%dma_start3A_115 : memref<80xi32, #tpu.memory_space<vmem>>) target_semaphore(%arg12 : memref<!tpu.dma_semaphore, #tpu.memory_space<semaphore_mem>>)
    %dma_start3A_117 = arith.constant 2 : i32
    %dma_start3A_118 = arith.constant 0 : i32
    %dma_start3A_119 = arith.constant 0 : i32
    %dma_start3A_120 = tpu.memref_slice %arg9[%dma_start3A_117, %dma_start3A_118, %dma_start3A_119] : memref<3x80x128xf32, #tpu.memory_space<vmem>> -> memref<1x80x128xf32, #tpu.memory_space<vmem>>
    %dma_start3A_121 = tpu.memref_squeeze %dma_start3A_120 : memref<1x80x128xf32, #tpu.memory_space<vmem>> -> memref<80x128xf32, #tpu.memory_space<vmem>>
    %dma_start3A_122 = arith.constant 160 : i32
    %dma_start3A_123 = tpu.memref_slice %arg7[%dma_start3A_122] : memref<10000xi32, #tpu.memory_space<vmem>> -> memref<80xi32, #tpu.memory_space<vmem>>
    %dma_start3A_124 = arith.constant 0 : i32
    %dma_start3A_125 = arith.constant 0 : i32
    %dma_start3A_126 = tpu.memref_slice %arg2[%dma_start3A_124, %dma_start3A_125] : memref<50000x128xf32, #tpu.memory_space<hbm>> -> memref<50000x128xf32, #tpu.memory_space<hbm>>
    tpu.enqueue_indirect_dma source(%dma_start3A_126 : memref<50000x128xf32, #tpu.memory_space<hbm>>) target(%dma_start3A_121 : memref<80x128xf32, #tpu.memory_space<vmem>>) offsets(%dma_start3A_123 : memref<80xi32, #tpu.memory_space<vmem>>) semaphore(%arg15 : memref<!tpu.dma_semaphore, #tpu.memory_space<semaphore_mem>>)
    %dma_wait3A_127 = arith.constant 1 : i32
    %dma_wait3A_128 = arith.constant 0 : i32
    %dma_wait3A_129 = arith.constant 0 : i32
    %dma_wait3A_130 = tpu.memref_slice %arg9[%dma_wait3A_127, %dma_wait3A_128, %dma_wait3A_129] : memref<3x80x128xf32, #tpu.memory_space<vmem>> -> memref<1x80x128xf32, #tpu.memory_space<vmem>>
    %dma_wait3A_131 = tpu.memref_squeeze %dma_wait3A_130 : memref<1x80x128xf32, #tpu.memory_space<vmem>> -> memref<80x128xf32, #tpu.memory_space<vmem>>
    %dma_wait3A_132 = arith.constant 80 : i32
    %dma_wait3A_133 = tpu.memref_slice %arg7[%dma_wait3A_132] : memref<10000xi32, #tpu.memory_space<vmem>> -> memref<80xi32, #tpu.memory_space<vmem>>
    %dma_wait3A_134 = arith.constant 0 : i32
    %dma_wait3A_135 = arith.constant 0 : i32
    %dma_wait3A_136 = tpu.memref_slice %arg2[%dma_wait3A_134, %dma_wait3A_135] : memref<50000x128xf32, #tpu.memory_space<hbm>> -> memref<50000x128xf32, #tpu.memory_space<hbm>>
    tpu.wait_indirect_dma semaphore(%arg14 : memref<!tpu.dma_semaphore, #tpu.memory_space<semaphore_mem>>) src(%dma_wait3A_136 : memref<50000x128xf32, #tpu.memory_space<hbm>>) dst(%dma_wait3A_131 : memref<80x128xf32, #tpu.memory_space<vmem>>)
    %dma_wait3A_137 = arith.constant 0 : i32
    %dma_wait3A_138 = arith.constant 0 : i32
    %dma_wait3A_139 = tpu.memref_slice %arg8[%dma_wait3A_137, %dma_wait3A_138] : memref<6x80xi32, #tpu.memory_space<vmem>> -> memref<1x80xi32, #tpu.memory_space<vmem>>
    %dma_wait3A_140 = tpu.memref_squeeze %dma_wait3A_139 : memref<1x80xi32, #tpu.memory_space<vmem>> -> memref<80xi32, #tpu.memory_space<vmem>>
    %dma_wait3A_141 = tpu.memref_slice %arg4[%mul3A_2] : memref<320000xi32, #tpu.memory_space<hbm>> -> memref<80xi32, #tpu.memory_space<hbm>>
    %dma_wait3A_142 = arith.constant 0 : i32
    %dma_wait3A_143 = tpu.memref_slice %arg8[%dma_wait3A_137, %dma_wait3A_142] : memref<6x80xi32, #tpu.memory_space<vmem>> -> memref<1x80xi32, #tpu.memory_space<vmem>>
    %dma_wait3A_144 = tpu.memref_squeeze %dma_wait3A_143 : memref<1x80xi32, #tpu.memory_space<vmem>> -> memref<80xi32, #tpu.memory_space<vmem>>
    %dma_wait3A_145 = tpu.memref_slice %arg4[%mul3A_2] : memref<320000xi32, #tpu.memory_space<hbm>> -> memref<80xi32, #tpu.memory_space<hbm>>
    tpu.wait_dma2 semaphore(%arg12 : memref<!tpu.dma_semaphore, #tpu.memory_space<semaphore_mem>>) src(%dma_wait3A_145 : memref<80xi32, #tpu.memory_space<hbm>>) dst(%dma_wait3A_144 : memref<80xi32, #tpu.memory_space<vmem>>)
    %dma_start3A_146 = arith.constant 1 : i32
    %dma_start3A_147 = arith.constant 1 : i32
    %dma_start3A_148 = arith.constant 0 : i32
    %dma_start3A_149 = arith.constant 0 : i32
    %dma_start3A_150 = tpu.memref_slice %arg9[%dma_start3A_146, %dma_start3A_148, %dma_start3A_149] : memref<3x80x128xf32, #tpu.memory_space<vmem>> -> memref<1x80x128xf32, #tpu.memory_space<vmem>>
    %dma_start3A_151 = tpu.memref_squeeze %dma_start3A_150 : memref<1x80x128xf32, #tpu.memory_space<vmem>> -> memref<80x128xf32, #tpu.memory_space<vmem>>
    %dma_start3A_152 = arith.constant 0 : i32
    %dma_start3A_153 = tpu.memref_slice %arg8[%dma_start3A_147, %dma_start3A_152] : memref<6x80xi32, #tpu.memory_space<vmem>> -> memref<1x80xi32, #tpu.memory_space<vmem>>
    %dma_start3A_154 = tpu.memref_squeeze %dma_start3A_153 : memref<1x80xi32, #tpu.memory_space<vmem>> -> memref<80xi32, #tpu.memory_space<vmem>>
    %dma_start3A_155 = arith.constant 0 : i32
    %dma_start3A_156 = arith.constant 0 : i32
    %dma_start3A_157 = tpu.memref_slice %arg10[%dma_start3A_155, %dma_start3A_156] : memref<10016x128xf32, #tpu.memory_space<vmem_shared>> -> memref<10016x128xf32, #tpu.memory_space<vmem_shared>>
    tpu.enqueue_indirect_dma source(%dma_start3A_151 : memref<80x128xf32, #tpu.memory_space<vmem>>) target(%dma_start3A_157 : memref<10016x128xf32, #tpu.memory_space<vmem_shared>>) offsets(%dma_start3A_154 : memref<80xi32, #tpu.memory_space<vmem>>) semaphore(%arg17 : memref<!tpu.dma_semaphore, #tpu.memory_space<semaphore_mem>>) {add = true}
    %dma_wait3A_158 = arith.constant 0 : i32
    %dma_wait3A_159 = arith.constant 0 : i32
    %dma_wait3A_160 = arith.constant 0 : i32
    %dma_wait3A_161 = arith.constant 0 : i32
    %dma_wait3A_162 = tpu.memref_slice %arg9[%dma_wait3A_158, %dma_wait3A_160, %dma_wait3A_161] : memref<3x80x128xf32, #tpu.memory_space<vmem>> -> memref<1x80x128xf32, #tpu.memory_space<vmem>>
    %dma_wait3A_163 = tpu.memref_squeeze %dma_wait3A_162 : memref<1x80x128xf32, #tpu.memory_space<vmem>> -> memref<80x128xf32, #tpu.memory_space<vmem>>
    %dma_wait3A_164 = arith.constant 0 : i32
    %dma_wait3A_165 = tpu.memref_slice %arg8[%dma_wait3A_159, %dma_wait3A_164] : memref<6x80xi32, #tpu.memory_space<vmem>> -> memref<1x80xi32, #tpu.memory_space<vmem>>
    %dma_wait3A_166 = tpu.memref_squeeze %dma_wait3A_165 : memref<1x80xi32, #tpu.memory_space<vmem>> -> memref<80xi32, #tpu.memory_space<vmem>>
    %dma_wait3A_167 = arith.constant 0 : i32
    %dma_wait3A_168 = arith.constant 0 : i32
    %dma_wait3A_169 = tpu.memref_slice %arg10[%dma_wait3A_167, %dma_wait3A_168] : memref<10016x128xf32, #tpu.memory_space<vmem_shared>> -> memref<10016x128xf32, #tpu.memory_space<vmem_shared>>
    tpu.wait_indirect_dma semaphore(%arg16 : memref<!tpu.dma_semaphore, #tpu.memory_space<semaphore_mem>>) src(%dma_wait3A_163 : memref<80x128xf32, #tpu.memory_space<vmem>>) dst(%dma_wait3A_169 : memref<10016x128xf32, #tpu.memory_space<vmem_shared>>)
    %add3A_170 = arith.constant 400 : i32
    %add3A_171 = arith.addi %mul3A_2, %add3A_170 : i32
    %dma_start3A_172 = arith.constant 5 : i32
    %dma_start3A_173 = arith.constant 0 : i32
    %dma_start3A_174 = tpu.memref_slice %arg8[%dma_start3A_172, %dma_start3A_173] : memref<6x80xi32, #tpu.memory_space<vmem>> -> memref<1x80xi32, #tpu.memory_space<vmem>>
    %dma_start3A_175 = tpu.memref_squeeze %dma_start3A_174 : memref<1x80xi32, #tpu.memory_space<vmem>> -> memref<80xi32, #tpu.memory_space<vmem>>
    %dma_start3A_176 = tpu.memref_slice %arg4[%add3A_171] : memref<320000xi32, #tpu.memory_space<hbm>> -> memref<80xi32, #tpu.memory_space<hbm>>
    %dma_start3A_177 = arith.constant 0 : i32
    %dma_start3A_178 = tpu.memref_slice %arg8[%dma_start3A_172, %dma_start3A_177] : memref<6x80xi32, #tpu.memory_space<vmem>> -> memref<1x80xi32, #tpu.memory_space<vmem>>
    %dma_start3A_179 = tpu.memref_squeeze %dma_start3A_178 : memref<1x80xi32, #tpu.memory_space<vmem>> -> memref<80xi32, #tpu.memory_space<vmem>>
    %dma_start3A_180 = tpu.memref_slice %arg4[%add3A_171] : memref<320000xi32, #tpu.memory_space<hbm>> -> memref<80xi32, #tpu.memory_space<hbm>>
    tpu.enqueue_dma source(%dma_start3A_180 : memref<80xi32, #tpu.memory_space<hbm>>) target(%dma_start3A_179 : memref<80xi32, #tpu.memory_space<vmem>>) target_semaphore(%arg12 : memref<!tpu.dma_semaphore, #tpu.memory_space<semaphore_mem>>)
    %dma_start3A_181 = arith.constant 0 : i32
    %dma_start3A_182 = arith.constant 0 : i32
    %dma_start3A_183 = arith.constant 0 : i32
    %dma_start3A_184 = tpu.memref_slice %arg9[%dma_start3A_181, %dma_start3A_182, %dma_start3A_183] : memref<3x80x128xf32, #tpu.memory_space<vmem>> -> memref<1x80x128xf32, #tpu.memory_space<vmem>>
    %dma_start3A_185 = tpu.memref_squeeze %dma_start3A_184 : memref<1x80x128xf32, #tpu.memory_space<vmem>> -> memref<80x128xf32, #tpu.memory_space<vmem>>
    %dma_start3A_186 = arith.constant 240 : i32
    %dma_start3A_187 = tpu.memref_slice %arg7[%dma_start3A_186] : memref<10000xi32, #tpu.memory_space<vmem>> -> memref<80xi32, #tpu.memory_space<vmem>>
    %dma_start3A_188 = arith.constant 0 : i32
    %dma_start3A_189 = arith.constant 0 : i32
    %dma_start3A_190 = tpu.memref_slice %arg2[%dma_start3A_188, %dma_start3A_189] : memref<50000x128xf32, #tpu.memory_space<hbm>> -> memref<50000x128xf32, #tpu.memory_space<hbm>>
    tpu.enqueue_indirect_dma source(%dma_start3A_190 : memref<50000x128xf32, #tpu.memory_space<hbm>>) target(%dma_start3A_185 : memref<80x128xf32, #tpu.memory_space<vmem>>) offsets(%dma_start3A_187 : memref<80xi32, #tpu.memory_space<vmem>>) semaphore(%arg13 : memref<!tpu.dma_semaphore, #tpu.memory_space<semaphore_mem>>)
    %dma_wait3A_191 = arith.constant 2 : i32
    %dma_wait3A_192 = arith.constant 0 : i32
    %dma_wait3A_193 = arith.constant 0 : i32
    %dma_wait3A_194 = tpu.memref_slice %arg9[%dma_wait3A_191, %dma_wait3A_192, %dma_wait3A_193] : memref<3x80x128xf32, #tpu.memory_space<vmem>> -> memref<1x80x128xf32, #tpu.memory_space<vmem>>
    %dma_wait3A_195 = tpu.memref_squeeze %dma_wait3A_194 : memref<1x80x128xf32, #tpu.memory_space<vmem>> -> memref<80x128xf32, #tpu.memory_space<vmem>>
    %dma_wait3A_196 = arith.constant 160 : i32
    %dma_wait3A_197 = tpu.memref_slice %arg7[%dma_wait3A_196] : memref<10000xi32, #tpu.memory_space<vmem>> -> memref<80xi32, #tpu.memory_space<vmem>>
    %dma_wait3A_198 = arith.constant 0 : i32
    %dma_wait3A_199 = arith.constant 0 : i32
    %dma_wait3A_200 = tpu.memref_slice %arg2[%dma_wait3A_198, %dma_wait3A_199] : memref<50000x128xf32, #tpu.memory_space<hbm>> -> memref<50000x128xf32, #tpu.memory_space<hbm>>
    tpu.wait_indirect_dma semaphore(%arg15 : memref<!tpu.dma_semaphore, #tpu.memory_space<semaphore_mem>>) src(%dma_wait3A_200 : memref<50000x128xf32, #tpu.memory_space<hbm>>) dst(%dma_wait3A_195 : memref<80x128xf32, #tpu.memory_space<vmem>>)
    %dma_wait3A_201 = arith.constant 0 : i32
    %dma_wait3A_202 = arith.constant 0 : i32
    %dma_wait3A_203 = tpu.memref_slice %arg8[%dma_wait3A_201, %dma_wait3A_202] : memref<6x80xi32, #tpu.memory_space<vmem>> -> memref<1x80xi32, #tpu.memory_space<vmem>>
    %dma_wait3A_204 = tpu.memref_squeeze %dma_wait3A_203 : memref<1x80xi32, #tpu.memory_space<vmem>> -> memref<80xi32, #tpu.memory_space<vmem>>
    %dma_wait3A_205 = tpu.memref_slice %arg4[%mul3A_2] : memref<320000xi32, #tpu.memory_space<hbm>> -> memref<80xi32, #tpu.memory_space<hbm>>
    %dma_wait3A_206 = arith.constant 0 : i32
    %dma_wait3A_207 = tpu.memref_slice %arg8[%dma_wait3A_201, %dma_wait3A_206] : memref<6x80xi32, #tpu.memory_space<vmem>> -> memref<1x80xi32, #tpu.memory_space<vmem>>
    %dma_wait3A_208 = tpu.memref_squeeze %dma_wait3A_207 : memref<1x80xi32, #tpu.memory_space<vmem>> -> memref<80xi32, #tpu.memory_space<vmem>>
    %dma_wait3A_209 = tpu.memref_slice %arg4[%mul3A_2] : memref<320000xi32, #tpu.memory_space<hbm>> -> memref<80xi32, #tpu.memory_space<hbm>>
    tpu.wait_dma2 semaphore(%arg12 : memref<!tpu.dma_semaphore, #tpu.memory_space<semaphore_mem>>) src(%dma_wait3A_209 : memref<80xi32, #tpu.memory_space<hbm>>) dst(%dma_wait3A_208 : memref<80xi32, #tpu.memory_space<vmem>>)
    %dma_start3A_210 = arith.constant 2 : i32
    %dma_start3A_211 = arith.constant 2 : i32
    %dma_start3A_212 = arith.constant 0 : i32
    %dma_start3A_213 = arith.constant 0 : i32
    %dma_start3A_214 = tpu.memref_slice %arg9[%dma_start3A_210, %dma_start3A_212, %dma_start3A_213] : memref<3x80x128xf32, #tpu.memory_space<vmem>> -> memref<1x80x128xf32, #tpu.memory_space<vmem>>
    %dma_start3A_215 = tpu.memref_squeeze %dma_start3A_214 : memref<1x80x128xf32, #tpu.memory_space<vmem>> -> memref<80x128xf32, #tpu.memory_space<vmem>>
    %dma_start3A_216 = arith.constant 0 : i32
    %dma_start3A_217 = tpu.memref_slice %arg8[%dma_start3A_211, %dma_start3A_216] : memref<6x80xi32, #tpu.memory_space<vmem>> -> memref<1x80xi32, #tpu.memory_space<vmem>>
    %dma_start3A_218 = tpu.memref_squeeze %dma_start3A_217 : memref<1x80xi32, #tpu.memory_space<vmem>> -> memref<80xi32, #tpu.memory_space<vmem>>
    %dma_start3A_219 = arith.constant 0 : i32
    %dma_start3A_220 = arith.constant 0 : i32
    %dma_start3A_221 = tpu.memref_slice %arg10[%dma_start3A_219, %dma_start3A_220] : memref<10016x128xf32, #tpu.memory_space<vmem_shared>> -> memref<10016x128xf32, #tpu.memory_space<vmem_shared>>
    tpu.enqueue_indirect_dma source(%dma_start3A_215 : memref<80x128xf32, #tpu.memory_space<vmem>>) target(%dma_start3A_221 : memref<10016x128xf32, #tpu.memory_space<vmem_shared>>) offsets(%dma_start3A_218 : memref<80xi32, #tpu.memory_space<vmem>>) semaphore(%arg18 : memref<!tpu.dma_semaphore, #tpu.memory_space<semaphore_mem>>) {add = true}
    %dma_wait3A_222 = arith.constant 1 : i32
    %dma_wait3A_223 = arith.constant 1 : i32
    %dma_wait3A_224 = arith.constant 0 : i32
    %dma_wait3A_225 = arith.constant 0 : i32
    %dma_wait3A_226 = tpu.memref_slice %arg9[%dma_wait3A_222, %dma_wait3A_224, %dma_wait3A_225] : memref<3x80x128xf32, #tpu.memory_space<vmem>> -> memref<1x80x128xf32, #tpu.memory_space<vmem>>
    %dma_wait3A_227 = tpu.memref_squeeze %dma_wait3A_226 : memref<1x80x128xf32, #tpu.memory_space<vmem>> -> memref<80x128xf32, #tpu.memory_space<vmem>>
    %dma_wait3A_228 = arith.constant 0 : i32
    %dma_wait3A_229 = tpu.memref_slice %arg8[%dma_wait3A_223, %dma_wait3A_228] : memref<6x80xi32, #tpu.memory_space<vmem>> -> memref<1x80xi32, #tpu.memory_space<vmem>>
    %dma_wait3A_230 = tpu.memref_squeeze %dma_wait3A_229 : memref<1x80xi32, #tpu.memory_space<vmem>> -> memref<80xi32, #tpu.memory_space<vmem>>
    %dma_wait3A_231 = arith.constant 0 : i32
    %dma_wait3A_232 = arith.constant 0 : i32
    %dma_wait3A_233 = tpu.memref_slice %arg10[%dma_wait3A_231, %dma_wait3A_232] : memref<10016x128xf32, #tpu.memory_space<vmem_shared>> -> memref<10016x128xf32, #tpu.memory_space<vmem_shared>>
    tpu.wait_indirect_dma semaphore(%arg17 : memref<!tpu.dma_semaphore, #tpu.memory_space<semaphore_mem>>) src(%dma_wait3A_227 : memref<80x128xf32, #tpu.memory_space<vmem>>) dst(%dma_wait3A_233 : memref<10016x128xf32, #tpu.memory_space<vmem_shared>>)
    %add3A_234 = arith.constant 480 : i32
    %add3A_235 = arith.addi %mul3A_2, %add3A_234 : i32
    %dma_start3A_236 = arith.constant 0 : i32
    %dma_start3A_237 = arith.constant 0 : i32
    %dma_start3A_238 = tpu.memref_slice %arg8[%dma_start3A_236, %dma_start3A_237] : memref<6x80xi32, #tpu.memory_space<vmem>> -> memref<1x80xi32, #tpu.memory_space<vmem>>
    %dma_start3A_239 = tpu.memref_squeeze %dma_start3A_238 : memref<1x80xi32, #tpu.memory_space<vmem>> -> memref<80xi32, #tpu.memory_space<vmem>>
    %dma_start3A_240 = tpu.memref_slice %arg4[%add3A_235] : memref<320000xi32, #tpu.memory_space<hbm>> -> memref<80xi32, #tpu.memory_space<hbm>>
    %dma_start3A_241 = arith.constant 0 : i32
    %dma_start3A_242 = tpu.memref_slice %arg8[%dma_start3A_236, %dma_start3A_241] : memref<6x80xi32, #tpu.memory_space<vmem>> -> memref<1x80xi32, #tpu.memory_space<vmem>>
    %dma_start3A_243 = tpu.memref_squeeze %dma_start3A_242 : memref<1x80xi32, #tpu.memory_space<vmem>> -> memref<80xi32, #tpu.memory_space<vmem>>
    %dma_start3A_244 = tpu.memref_slice %arg4[%add3A_235] : memref<320000xi32, #tpu.memory_space<hbm>> -> memref<80xi32, #tpu.memory_space<hbm>>
    tpu.enqueue_dma source(%dma_start3A_244 : memref<80xi32, #tpu.memory_space<hbm>>) target(%dma_start3A_243 : memref<80xi32, #tpu.memory_space<vmem>>) target_semaphore(%arg12 : memref<!tpu.dma_semaphore, #tpu.memory_space<semaphore_mem>>)
    %dma_start3A_245 = arith.constant 1 : i32
    %dma_start3A_246 = arith.constant 0 : i32
    %dma_start3A_247 = arith.constant 0 : i32
    %dma_start3A_248 = tpu.memref_slice %arg9[%dma_start3A_245, %dma_start3A_246, %dma_start3A_247] : memref<3x80x128xf32, #tpu.memory_space<vmem>> -> memref<1x80x128xf32, #tpu.memory_space<vmem>>
    %dma_start3A_249 = tpu.memref_squeeze %dma_start3A_248 : memref<1x80x128xf32, #tpu.memory_space<vmem>> -> memref<80x128xf32, #tpu.memory_space<vmem>>
    %dma_start3A_250 = arith.constant 320 : i32
    %dma_start3A_251 = tpu.memref_slice %arg7[%dma_start3A_250] : memref<10000xi32, #tpu.memory_space<vmem>> -> memref<80xi32, #tpu.memory_space<vmem>>
    %dma_start3A_252 = arith.constant 0 : i32
    %dma_start3A_253 = arith.constant 0 : i32
    %dma_start3A_254 = tpu.memref_slice %arg2[%dma_start3A_252, %dma_start3A_253] : memref<50000x128xf32, #tpu.memory_space<hbm>> -> memref<50000x128xf32, #tpu.memory_space<hbm>>
    tpu.enqueue_indirect_dma source(%dma_start3A_254 : memref<50000x128xf32, #tpu.memory_space<hbm>>) target(%dma_start3A_249 : memref<80x128xf32, #tpu.memory_space<vmem>>) offsets(%dma_start3A_251 : memref<80xi32, #tpu.memory_space<vmem>>) semaphore(%arg14 : memref<!tpu.dma_semaphore, #tpu.memory_space<semaphore_mem>>)
    %dma_wait3A_255 = arith.constant 0 : i32
    %dma_wait3A_256 = arith.constant 0 : i32
    %dma_wait3A_257 = arith.constant 0 : i32
    %dma_wait3A_258 = tpu.memref_slice %arg9[%dma_wait3A_255, %dma_wait3A_256, %dma_wait3A_257] : memref<3x80x128xf32, #tpu.memory_space<vmem>> -> memref<1x80x128xf32, #tpu.memory_space<vmem>>
    %dma_wait3A_259 = tpu.memref_squeeze %dma_wait3A_258 : memref<1x80x128xf32, #tpu.memory_space<vmem>> -> memref<80x128xf32, #tpu.memory_space<vmem>>
    %dma_wait3A_260 = arith.constant 240 : i32
    %dma_wait3A_261 = tpu.memref_slice %arg7[%dma_wait3A_260] : memref<10000xi32, #tpu.memory_space<vmem>> -> memref<80xi32, #tpu.memory_space<vmem>>
    %dma_wait3A_262 = arith.constant 0 : i32
    %dma_wait3A_263 = arith.constant 0 : i32
    %dma_wait3A_264 = tpu.memref_slice %arg2[%dma_wait3A_262, %dma_wait3A_263] : memref<50000x128xf32, #tpu.memory_space<hbm>> -> memref<50000x128xf32, #tpu.memory_space<hbm>>
    tpu.wait_indirect_dma semaphore(%arg13 : memref<!tpu.dma_semaphore, #tpu.memory_space<semaphore_mem>>) src(%dma_wait3A_264 : memref<50000x128xf32, #tpu.memory_space<hbm>>) dst(%dma_wait3A_259 : memref<80x128xf32, #tpu.memory_space<vmem>>)
    %dma_wait3A_265 = arith.constant 0 : i32
    %dma_wait3A_266 = arith.constant 0 : i32
    %dma_wait3A_267 = tpu.memref_slice %arg8[%dma_wait3A_265, %dma_wait3A_266] : memref<6x80xi32, #tpu.memory_space<vmem>> -> memref<1x80xi32, #tpu.memory_space<vmem>>
    %dma_wait3A_268 = tpu.memref_squeeze %dma_wait3A_267 : memref<1x80xi32, #tpu.memory_space<vmem>> -> memref<80xi32, #tpu.memory_space<vmem>>
    %dma_wait3A_269 = tpu.memref_slice %arg4[%mul3A_2] : memref<320000xi32, #tpu.memory_space<hbm>> -> memref<80xi32, #tpu.memory_space<hbm>>
    %dma_wait3A_270 = arith.constant 0 : i32
    %dma_wait3A_271 = tpu.memref_slice %arg8[%dma_wait3A_265, %dma_wait3A_270] : memref<6x80xi32, #tpu.memory_space<vmem>> -> memref<1x80xi32, #tpu.memory_space<vmem>>
    %dma_wait3A_272 = tpu.memref_squeeze %dma_wait3A_271 : memref<1x80xi32, #tpu.memory_space<vmem>> -> memref<80xi32, #tpu.memory_space<vmem>>
    %dma_wait3A_273 = tpu.memref_slice %arg4[%mul3A_2] : memref<320000xi32, #tpu.memory_space<hbm>> -> memref<80xi32, #tpu.memory_space<hbm>>
    tpu.wait_dma2 semaphore(%arg12 : memref<!tpu.dma_semaphore, #tpu.memory_space<semaphore_mem>>) src(%dma_wait3A_273 : memref<80xi32, #tpu.memory_space<hbm>>) dst(%dma_wait3A_272 : memref<80xi32, #tpu.memory_space<vmem>>)
    %dma_start3A_274 = arith.constant 0 : i32
    %dma_start3A_275 = arith.constant 3 : i32
    %dma_start3A_276 = arith.constant 0 : i32
    %dma_start3A_277 = arith.constant 0 : i32
    %dma_start3A_278 = tpu.memref_slice %arg9[%dma_start3A_274, %dma_start3A_276, %dma_start3A_277] : memref<3x80x128xf32, #tpu.memory_space<vmem>> -> memref<1x80x128xf32, #tpu.memory_space<vmem>>
    %dma_start3A_279 = tpu.memref_squeeze %dma_start3A_278 : memref<1x80x128xf32, #tpu.memory_space<vmem>> -> memref<80x128xf32, #tpu.memory_space<vmem>>
    %dma_start3A_280 = arith.constant 0 : i32
    %dma_start3A_281 = tpu.memref_slice %arg8[%dma_start3A_275, %dma_start3A_280] : memref<6x80xi32, #tpu.memory_space<vmem>> -> memref<1x80xi32, #tpu.memory_space<vmem>>
    %dma_start3A_282 = tpu.memref_squeeze %dma_start3A_281 : memref<1x80xi32, #tpu.memory_space<vmem>> -> memref<80xi32, #tpu.memory_space<vmem>>
    %dma_start3A_283 = arith.constant 0 : i32
    %dma_start3A_284 = arith.constant 0 : i32
    %dma_start3A_285 = tpu.memref_slice %arg10[%dma_start3A_283, %dma_start3A_284] : memref<10016x128xf32, #tpu.memory_space<vmem_shared>> -> memref<10016x128xf32, #tpu.memory_space<vmem_shared>>
    tpu.enqueue_indirect_dma source(%dma_start3A_279 : memref<80x128xf32, #tpu.memory_space<vmem>>) target(%dma_start3A_285 : memref<10016x128xf32, #tpu.memory_space<vmem_shared>>) offsets(%dma_start3A_282 : memref<80xi32, #tpu.memory_space<vmem>>) semaphore(%arg16 : memref<!tpu.dma_semaphore, #tpu.memory_space<semaphore_mem>>) {add = true}
    %dma_wait3A_286 = arith.constant 2 : i32
    %dma_wait3A_287 = arith.constant 2 : i32
    %dma_wait3A_288 = arith.constant 0 : i32
    %dma_wait3A_289 = arith.constant 0 : i32
    %dma_wait3A_290 = tpu.memref_slice %arg9[%dma_wait3A_286, %dma_wait3A_288, %dma_wait3A_289] : memref<3x80x128xf32, #tpu.memory_space<vmem>> -> memref<1x80x128xf32, #tpu.memory_space<vmem>>
    %dma_wait3A_291 = tpu.memref_squeeze %dma_wait3A_290 : memref<1x80x128xf32, #tpu.memory_space<vmem>> -> memref<80x128xf32, #tpu.memory_space<vmem>>
    %dma_wait3A_292 = arith.constant 0 : i32
    %dma_wait3A_293 = tpu.memref_slice %arg8[%dma_wait3A_287, %dma_wait3A_292] : memref<6x80xi32, #tpu.memory_space<vmem>> -> memref<1x80xi32, #tpu.memory_space<vmem>>
    %dma_wait3A_294 = tpu.memref_squeeze %dma_wait3A_293 : memref<1x80xi32, #tpu.memory_space<vmem>> -> memref<80xi32, #tpu.memory_space<vmem>>
    %dma_wait3A_295 = arith.constant 0 : i32
    %dma_wait3A_296 = arith.constant 0 : i32
    %dma_wait3A_297 = tpu.memref_slice %arg10[%dma_wait3A_295, %dma_wait3A_296] : memref<10016x128xf32, #tpu.memory_space<vmem_shared>> -> memref<10016x128xf32, #tpu.memory_space<vmem_shared>>
    tpu.wait_indirect_dma semaphore(%arg18 : memref<!tpu.dma_semaphore, #tpu.memory_space<semaphore_mem>>) src(%dma_wait3A_291 : memref<80x128xf32, #tpu.memory_space<vmem>>) dst(%dma_wait3A_297 : memref<10016x128xf32, #tpu.memory_space<vmem_shared>>)
    %add3A_298 = arith.constant 560 : i32
    %add3A_299 = arith.addi %mul3A_2, %add3A_298 : i32
    %dma_start3A_300 = arith.constant 1 : i32
    %dma_start3A_301 = arith.constant 0 : i32
    %dma_start3A_302 = tpu.memref_slice %arg8[%dma_start3A_300, %dma_start3A_301] : memref<6x80xi32, #tpu.memory_space<vmem>> -> memref<1x80xi32, #tpu.memory_space<vmem>>
    %dma_start3A_303 = tpu.memref_squeeze %dma_start3A_302 : memref<1x80xi32, #tpu.memory_space<vmem>> -> memref<80xi32, #tpu.memory_space<vmem>>
    %dma_start3A_304 = tpu.memref_slice %arg4[%add3A_299] : memref<320000xi32, #tpu.memory_space<hbm>> -> memref<80xi32, #tpu.memory_space<hbm>>
    %dma_start3A_305 = arith.constant 0 : i32
    %dma_start3A_306 = tpu.memref_slice %arg8[%dma_start3A_300, %dma_start3A_305] : memref<6x80xi32, #tpu.memory_space<vmem>> -> memref<1x80xi32, #tpu.memory_space<vmem>>
    %dma_start3A_307 = tpu.memref_squeeze %dma_start3A_306 : memref<1x80xi32, #tpu.memory_space<vmem>> -> memref<80xi32, #tpu.memory_space<vmem>>
    %dma_start3A_308 = tpu.memref_slice %arg4[%add3A_299] : memref<320000xi32, #tpu.memory_space<hbm>> -> memref<80xi32, #tpu.memory_space<hbm>>
    tpu.enqueue_dma source(%dma_start3A_308 : memref<80xi32, #tpu.memory_space<hbm>>) target(%dma_start3A_307 : memref<80xi32, #tpu.memory_space<vmem>>) target_semaphore(%arg12 : memref<!tpu.dma_semaphore, #tpu.memory_space<semaphore_mem>>)
    %dma_start3A_309 = arith.constant 2 : i32
    %dma_start3A_310 = arith.constant 0 : i32
    %dma_start3A_311 = arith.constant 0 : i32
    %dma_start3A_312 = tpu.memref_slice %arg9[%dma_start3A_309, %dma_start3A_310, %dma_start3A_311] : memref<3x80x128xf32, #tpu.memory_space<vmem>> -> memref<1x80x128xf32, #tpu.memory_space<vmem>>
    %dma_start3A_313 = tpu.memref_squeeze %dma_start3A_312 : memref<1x80x128xf32, #tpu.memory_space<vmem>> -> memref<80x128xf32, #tpu.memory_space<vmem>>
    %dma_start3A_314 = arith.constant 400 : i32
    %dma_start3A_315 = tpu.memref_slice %arg7[%dma_start3A_314] : memref<10000xi32, #tpu.memory_space<vmem>> -> memref<80xi32, #tpu.memory_space<vmem>>
    %dma_start3A_316 = arith.constant 0 : i32
    %dma_start3A_317 = arith.constant 0 : i32
    %dma_start3A_318 = tpu.memref_slice %arg2[%dma_start3A_316, %dma_start3A_317] : memref<50000x128xf32, #tpu.memory_space<hbm>> -> memref<50000x128xf32, #tpu.memory_space<hbm>>
    tpu.enqueue_indirect_dma source(%dma_start3A_318 : memref<50000x128xf32, #tpu.memory_space<hbm>>) target(%dma_start3A_313 : memref<80x128xf32, #tpu.memory_space<vmem>>) offsets(%dma_start3A_315 : memref<80xi32, #tpu.memory_space<vmem>>) semaphore(%arg15 : memref<!tpu.dma_semaphore, #tpu.memory_space<semaphore_mem>>)
    %dma_wait3A_319 = arith.constant 1 : i32
    %dma_wait3A_320 = arith.constant 0 : i32
    %dma_wait3A_321 = arith.constant 0 : i32
    %dma_wait3A_322 = tpu.memref_slice %arg9[%dma_wait3A_319, %dma_wait3A_320, %dma_wait3A_321] : memref<3x80x128xf32, #tpu.memory_space<vmem>> -> memref<1x80x128xf32, #tpu.memory_space<vmem>>
    %dma_wait3A_323 = tpu.memref_squeeze %dma_wait3A_322 : memref<1x80x128xf32, #tpu.memory_space<vmem>> -> memref<80x128xf32, #tpu.memory_space<vmem>>
    %dma_wait3A_324 = arith.constant 320 : i32
    %dma_wait3A_325 = tpu.memref_slice %arg7[%dma_wait3A_324] : memref<10000xi32, #tpu.memory_space<vmem>> -> memref<80xi32, #tpu.memory_space<vmem>>
    %dma_wait3A_326 = arith.constant 0 : i32
    %dma_wait3A_327 = arith.constant 0 : i32
    %dma_wait3A_328 = tpu.memref_slice %arg2[%dma_wait3A_326, %dma_wait3A_327] : memref<50000x128xf32, #tpu.memory_space<hbm>> -> memref<50000x128xf32, #tpu.memory_space<hbm>>
    tpu.wait_indirect_dma semaphore(%arg14 : memref<!tpu.dma_semaphore, #tpu.memory_space<semaphore_mem>>) src(%dma_wait3A_328 : memref<50000x128xf32, #tpu.memory_space<hbm>>) dst(%dma_wait3A_323 : memref<80x128xf32, #tpu.memory_space<vmem>>)
    %dma_wait3A_329 = arith.constant 0 : i32
    %dma_wait3A_330 = arith.constant 0 : i32
    %dma_wait3A_331 = tpu.memref_slice %arg8[%dma_wait3A_329, %dma_wait3A_330] : memref<6x80xi32, #tpu.memory_space<vmem>> -> memref<1x80xi32, #tpu.memory_space<vmem>>
    %dma_wait3A_332 = tpu.memref_squeeze %dma_wait3A_331 : memref<1x80xi32, #tpu.memory_space<vmem>> -> memref<80xi32, #tpu.memory_space<vmem>>
    %dma_wait3A_333 = tpu.memref_slice %arg4[%mul3A_2] : memref<320000xi32, #tpu.memory_space<hbm>> -> memref<80xi32, #tpu.memory_space<hbm>>
    %dma_wait3A_334 = arith.constant 0 : i32
    %dma_wait3A_335 = tpu.memref_slice %arg8[%dma_wait3A_329, %dma_wait3A_334] : memref<6x80xi32, #tpu.memory_space<vmem>> -> memref<1x80xi32, #tpu.memory_space<vmem>>
    %dma_wait3A_336 = tpu.memref_squeeze %dma_wait3A_335 : memref<1x80xi32, #tpu.memory_space<vmem>> -> memref<80xi32, #tpu.memory_space<vmem>>
    %dma_wait3A_337 = tpu.memref_slice %arg4[%mul3A_2] : memref<320000xi32, #tpu.memory_space<hbm>> -> memref<80xi32, #tpu.memory_space<hbm>>
    tpu.wait_dma2 semaphore(%arg12 : memref<!tpu.dma_semaphore, #tpu.memory_space<semaphore_mem>>) src(%dma_wait3A_337 : memref<80xi32, #tpu.memory_space<hbm>>) dst(%dma_wait3A_336 : memref<80xi32, #tpu.memory_space<vmem>>)
    %dma_start3A_338 = arith.constant 1 : i32
    %dma_start3A_339 = arith.constant 4 : i32
    %dma_start3A_340 = arith.constant 0 : i32
    %dma_start3A_341 = arith.constant 0 : i32
    %dma_start3A_342 = tpu.memref_slice %arg9[%dma_start3A_338, %dma_start3A_340, %dma_start3A_341] : memref<3x80x128xf32, #tpu.memory_space<vmem>> -> memref<1x80x128xf32, #tpu.memory_space<vmem>>
    %dma_start3A_343 = tpu.memref_squeeze %dma_start3A_342 : memref<1x80x128xf32, #tpu.memory_space<vmem>> -> memref<80x128xf32, #tpu.memory_space<vmem>>
    %dma_start3A_344 = arith.constant 0 : i32
    %dma_start3A_345 = tpu.memref_slice %arg8[%dma_start3A_339, %dma_start3A_344] : memref<6x80xi32, #tpu.memory_space<vmem>> -> memref<1x80xi32, #tpu.memory_space<vmem>>
    %dma_start3A_346 = tpu.memref_squeeze %dma_start3A_345 : memref<1x80xi32, #tpu.memory_space<vmem>> -> memref<80xi32, #tpu.memory_space<vmem>>
    %dma_start3A_347 = arith.constant 0 : i32
    %dma_start3A_348 = arith.constant 0 : i32
    %dma_start3A_349 = tpu.memref_slice %arg10[%dma_start3A_347, %dma_start3A_348] : memref<10016x128xf32, #tpu.memory_space<vmem_shared>> -> memref<10016x128xf32, #tpu.memory_space<vmem_shared>>
    tpu.enqueue_indirect_dma source(%dma_start3A_343 : memref<80x128xf32, #tpu.memory_space<vmem>>) target(%dma_start3A_349 : memref<10016x128xf32, #tpu.memory_space<vmem_shared>>) offsets(%dma_start3A_346 : memref<80xi32, #tpu.memory_space<vmem>>) semaphore(%arg17 : memref<!tpu.dma_semaphore, #tpu.memory_space<semaphore_mem>>) {add = true}
    %dma_wait3A_350 = arith.constant 0 : i32
    %dma_wait3A_351 = arith.constant 3 : i32
    %dma_wait3A_352 = arith.constant 0 : i32
    %dma_wait3A_353 = arith.constant 0 : i32
    %dma_wait3A_354 = tpu.memref_slice %arg9[%dma_wait3A_350, %dma_wait3A_352, %dma_wait3A_353] : memref<3x80x128xf32, #tpu.memory_space<vmem>> -> memref<1x80x128xf32, #tpu.memory_space<vmem>>
    %dma_wait3A_355 = tpu.memref_squeeze %dma_wait3A_354 : memref<1x80x128xf32, #tpu.memory_space<vmem>> -> memref<80x128xf32, #tpu.memory_space<vmem>>
    %dma_wait3A_356 = arith.constant 0 : i32
    %dma_wait3A_357 = tpu.memref_slice %arg8[%dma_wait3A_351, %dma_wait3A_356] : memref<6x80xi32, #tpu.memory_space<vmem>> -> memref<1x80xi32, #tpu.memory_space<vmem>>
    %dma_wait3A_358 = tpu.memref_squeeze %dma_wait3A_357 : memref<1x80xi32, #tpu.memory_space<vmem>> -> memref<80xi32, #tpu.memory_space<vmem>>
    %dma_wait3A_359 = arith.constant 0 : i32
    %dma_wait3A_360 = arith.constant 0 : i32
    %dma_wait3A_361 = tpu.memref_slice %arg10[%dma_wait3A_359, %dma_wait3A_360] : memref<10016x128xf32, #tpu.memory_space<vmem_shared>> -> memref<10016x128xf32, #tpu.memory_space<vmem_shared>>
    tpu.wait_indirect_dma semaphore(%arg16 : memref<!tpu.dma_semaphore, #tpu.memory_space<semaphore_mem>>) src(%dma_wait3A_355 : memref<80x128xf32, #tpu.memory_space<vmem>>) dst(%dma_wait3A_361 : memref<10016x128xf32, #tpu.memory_space<vmem_shared>>)
    %add3A_362 = arith.constant 640 : i32
    %add3A_363 = arith.addi %mul3A_2, %add3A_362 : i32
    %dma_start3A_364 = arith.constant 2 : i32
    %dma_start3A_365 = arith.constant 0 : i32
    %dma_start3A_366 = tpu.memref_slice %arg8[%dma_start3A_364, %dma_start3A_365] : memref<6x80xi32, #tpu.memory_space<vmem>> -> memref<1x80xi32, #tpu.memory_space<vmem>>
    %dma_start3A_367 = tpu.memref_squeeze %dma_start3A_366 : memref<1x80xi32, #tpu.memory_space<vmem>> -> memref<80xi32, #tpu.memory_space<vmem>>
    %dma_start3A_368 = tpu.memref_slice %arg4[%add3A_363] : memref<320000xi32, #tpu.memory_space<hbm>> -> memref<80xi32, #tpu.memory_space<hbm>>
    %dma_start3A_369 = arith.constant 0 : i32
    %dma_start3A_370 = tpu.memref_slice %arg8[%dma_start3A_364, %dma_start3A_369] : memref<6x80xi32, #tpu.memory_space<vmem>> -> memref<1x80xi32, #tpu.memory_space<vmem>>
    %dma_start3A_371 = tpu.memref_squeeze %dma_start3A_370 : memref<1x80xi32, #tpu.memory_space<vmem>> -> memref<80xi32, #tpu.memory_space<vmem>>
    %dma_start3A_372 = tpu.memref_slice %arg4[%add3A_363] : memref<320000xi32, #tpu.memory_space<hbm>> -> memref<80xi32, #tpu.memory_space<hbm>>
    tpu.enqueue_dma source(%dma_start3A_372 : memref<80xi32, #tpu.memory_space<hbm>>) target(%dma_start3A_371 : memref<80xi32, #tpu.memory_space<vmem>>) target_semaphore(%arg12 : memref<!tpu.dma_semaphore, #tpu.memory_space<semaphore_mem>>)
    %dma_start3A_373 = arith.constant 0 : i32
    %dma_start3A_374 = arith.constant 0 : i32
    %dma_start3A_375 = arith.constant 0 : i32
    %dma_start3A_376 = tpu.memref_slice %arg9[%dma_start3A_373, %dma_start3A_374, %dma_start3A_375] : memref<3x80x128xf32, #tpu.memory_space<vmem>> -> memref<1x80x128xf32, #tpu.memory_space<vmem>>
    %dma_start3A_377 = tpu.memref_squeeze %dma_start3A_376 : memref<1x80x128xf32, #tpu.memory_space<vmem>> -> memref<80x128xf32, #tpu.memory_space<vmem>>
    %dma_start3A_378 = arith.constant 480 : i32
    %dma_start3A_379 = tpu.memref_slice %arg7[%dma_start3A_378] : memref<10000xi32, #tpu.memory_space<vmem>> -> memref<80xi32, #tpu.memory_space<vmem>>
    %dma_start3A_380 = arith.constant 0 : i32
    %dma_start3A_381 = arith.constant 0 : i32
    %dma_start3A_382 = tpu.memref_slice %arg2[%dma_start3A_380, %dma_start3A_381] : memref<50000x128xf32, #tpu.memory_space<hbm>> -> memref<50000x128xf32, #tpu.memory_space<hbm>>
    tpu.enqueue_indirect_dma source(%dma_start3A_382 : memref<50000x128xf32, #tpu.memory_space<hbm>>) target(%dma_start3A_377 : memref<80x128xf32, #tpu.memory_space<vmem>>) offsets(%dma_start3A_379 : memref<80xi32, #tpu.memory_space<vmem>>) semaphore(%arg13 : memref<!tpu.dma_semaphore, #tpu.memory_space<semaphore_mem>>)
    %dma_wait3A_383 = arith.constant 2 : i32
    %dma_wait3A_384 = arith.constant 0 : i32
    %dma_wait3A_385 = arith.constant 0 : i32
    %dma_wait3A_386 = tpu.memref_slice %arg9[%dma_wait3A_383, %dma_wait3A_384, %dma_wait3A_385] : memref<3x80x128xf32, #tpu.memory_space<vmem>> -> memref<1x80x128xf32, #tpu.memory_space<vmem>>
    %dma_wait3A_387 = tpu.memref_squeeze %dma_wait3A_386 : memref<1x80x128xf32, #tpu.memory_space<vmem>> -> memref<80x128xf32, #tpu.memory_space<vmem>>
    %dma_wait3A_388 = arith.constant 400 : i32
    %dma_wait3A_389 = tpu.memref_slice %arg7[%dma_wait3A_388] : memref<10000xi32, #tpu.memory_space<vmem>> -> memref<80xi32, #tpu.memory_space<vmem>>
    %dma_wait3A_390 = arith.constant 0 : i32
    %dma_wait3A_391 = arith.constant 0 : i32
    %dma_wait3A_392 = tpu.memref_slice %arg2[%dma_wait3A_390, %dma_wait3A_391] : memref<50000x128xf32, #tpu.memory_space<hbm>> -> memref<50000x128xf32, #tpu.memory_space<hbm>>
    tpu.wait_indirect_dma semaphore(%arg15 : memref<!tpu.dma_semaphore, #tpu.memory_space<semaphore_mem>>) src(%dma_wait3A_392 : memref<50000x128xf32, #tpu.memory_space<hbm>>) dst(%dma_wait3A_387 : memref<80x128xf32, #tpu.memory_space<vmem>>)
    %dma_wait3A_393 = arith.constant 0 : i32
    %dma_wait3A_394 = arith.constant 0 : i32
    %dma_wait3A_395 = tpu.memref_slice %arg8[%dma_wait3A_393, %dma_wait3A_394] : memref<6x80xi32, #tpu.memory_space<vmem>> -> memref<1x80xi32, #tpu.memory_space<vmem>>
    %dma_wait3A_396 = tpu.memref_squeeze %dma_wait3A_395 : memref<1x80xi32, #tpu.memory_space<vmem>> -> memref<80xi32, #tpu.memory_space<vmem>>
    %dma_wait3A_397 = tpu.memref_slice %arg4[%mul3A_2] : memref<320000xi32, #tpu.memory_space<hbm>> -> memref<80xi32, #tpu.memory_space<hbm>>
    %dma_wait3A_398 = arith.constant 0 : i32
    %dma_wait3A_399 = tpu.memref_slice %arg8[%dma_wait3A_393, %dma_wait3A_398] : memref<6x80xi32, #tpu.memory_space<vmem>> -> memref<1x80xi32, #tpu.memory_space<vmem>>
    %dma_wait3A_400 = tpu.memref_squeeze %dma_wait3A_399 : memref<1x80xi32, #tpu.memory_space<vmem>> -> memref<80xi32, #tpu.memory_space<vmem>>
    %dma_wait3A_401 = tpu.memref_slice %arg4[%mul3A_2] : memref<320000xi32, #tpu.memory_space<hbm>> -> memref<80xi32, #tpu.memory_space<hbm>>
    tpu.wait_dma2 semaphore(%arg12 : memref<!tpu.dma_semaphore, #tpu.memory_space<semaphore_mem>>) src(%dma_wait3A_401 : memref<80xi32, #tpu.memory_space<hbm>>) dst(%dma_wait3A_400 : memref<80xi32, #tpu.memory_space<vmem>>)
    %dma_start3A_402 = arith.constant 2 : i32
    %dma_start3A_403 = arith.constant 5 : i32
    %dma_start3A_404 = arith.constant 0 : i32
    %dma_start3A_405 = arith.constant 0 : i32
    %dma_start3A_406 = tpu.memref_slice %arg9[%dma_start3A_402, %dma_start3A_404, %dma_start3A_405] : memref<3x80x128xf32, #tpu.memory_space<vmem>> -> memref<1x80x128xf32, #tpu.memory_space<vmem>>
    %dma_start3A_407 = tpu.memref_squeeze %dma_start3A_406 : memref<1x80x128xf32, #tpu.memory_space<vmem>> -> memref<80x128xf32, #tpu.memory_space<vmem>>
    %dma_start3A_408 = arith.constant 0 : i32
    %dma_start3A_409 = tpu.memref_slice %arg8[%dma_start3A_403, %dma_start3A_408] : memref<6x80xi32, #tpu.memory_space<vmem>> -> memref<1x80xi32, #tpu.memory_space<vmem>>
    %dma_start3A_410 = tpu.memref_squeeze %dma_start3A_409 : memref<1x80xi32, #tpu.memory_space<vmem>> -> memref<80xi32, #tpu.memory_space<vmem>>
    %dma_start3A_411 = arith.constant 0 : i32
    %dma_start3A_412 = arith.constant 0 : i32
    %dma_start3A_413 = tpu.memref_slice %arg10[%dma_start3A_411, %dma_start3A_412] : memref<10016x128xf32, #tpu.memory_space<vmem_shared>> -> memref<10016x128xf32, #tpu.memory_space<vmem_shared>>
    tpu.enqueue_indirect_dma source(%dma_start3A_407 : memref<80x128xf32, #tpu.memory_space<vmem>>) target(%dma_start3A_413 : memref<10016x128xf32, #tpu.memory_space<vmem_shared>>) offsets(%dma_start3A_410 : memref<80xi32, #tpu.memory_space<vmem>>) semaphore(%arg18 : memref<!tpu.dma_semaphore, #tpu.memory_space<semaphore_mem>>) {add = true}
    %dma_wait3A_414 = arith.constant 1 : i32
    %dma_wait3A_415 = arith.constant 4 : i32
    %dma_wait3A_416 = arith.constant 0 : i32
    %dma_wait3A_417 = arith.constant 0 : i32
    %dma_wait3A_418 = tpu.memref_slice %arg9[%dma_wait3A_414, %dma_wait3A_416, %dma_wait3A_417] : memref<3x80x128xf32, #tpu.memory_space<vmem>> -> memref<1x80x128xf32, #tpu.memory_space<vmem>>
    %dma_wait3A_419 = tpu.memref_squeeze %dma_wait3A_418 : memref<1x80x128xf32, #tpu.memory_space<vmem>> -> memref<80x128xf32, #tpu.memory_space<vmem>>
    %dma_wait3A_420 = arith.constant 0 : i32
    %dma_wait3A_421 = tpu.memref_slice %arg8[%dma_wait3A_415, %dma_wait3A_420] : memref<6x80xi32, #tpu.memory_space<vmem>> -> memref<1x80xi32, #tpu.memory_space<vmem>>
    %dma_wait3A_422 = tpu.memref_squeeze %dma_wait3A_421 : memref<1x80xi32, #tpu.memory_space<vmem>> -> memref<80xi32, #tpu.memory_space<vmem>>
    %dma_wait3A_423 = arith.constant 0 : i32
    %dma_wait3A_424 = arith.constant 0 : i32
    %dma_wait3A_425 = tpu.memref_slice %arg10[%dma_wait3A_423, %dma_wait3A_424] : memref<10016x128xf32, #tpu.memory_space<vmem_shared>> -> memref<10016x128xf32, #tpu.memory_space<vmem_shared>>
    tpu.wait_indirect_dma semaphore(%arg17 : memref<!tpu.dma_semaphore, #tpu.memory_space<semaphore_mem>>) src(%dma_wait3A_419 : memref<80x128xf32, #tpu.memory_space<vmem>>) dst(%dma_wait3A_425 : memref<10016x128xf32, #tpu.memory_space<vmem_shared>>)
    %add3A_426 = arith.constant 720 : i32
    %add3A_427 = arith.addi %mul3A_2, %add3A_426 : i32
    %dma_start3A_428 = arith.constant 3 : i32
    %dma_start3A_429 = arith.constant 0 : i32
    %dma_start3A_430 = tpu.memref_slice %arg8[%dma_start3A_428, %dma_start3A_429] : memref<6x80xi32, #tpu.memory_space<vmem>> -> memref<1x80xi32, #tpu.memory_space<vmem>>
    %dma_start3A_431 = tpu.memref_squeeze %dma_start3A_430 : memref<1x80xi32, #tpu.memory_space<vmem>> -> memref<80xi32, #tpu.memory_space<vmem>>
    %dma_start3A_432 = tpu.memref_slice %arg4[%add3A_427] : memref<320000xi32, #tpu.memory_space<hbm>> -> memref<80xi32, #tpu.memory_space<hbm>>
    %dma_start3A_433 = arith.constant 0 : i32
    %dma_start3A_434 = tpu.memref_slice %arg8[%dma_start3A_428, %dma_start3A_433] : memref<6x80xi32, #tpu.memory_space<vmem>> -> memref<1x80xi32, #tpu.memory_space<vmem>>
    %dma_start3A_435 = tpu.memref_squeeze %dma_start3A_434 : memref<1x80xi32, #tpu.memory_space<vmem>> -> memref<80xi32, #tpu.memory_space<vmem>>
    %dma_start3A_436 = tpu.memref_slice %arg4[%add3A_427] : memref<320000xi32, #tpu.memory_space<hbm>> -> memref<80xi32, #tpu.memory_space<hbm>>
    tpu.enqueue_dma source(%dma_start3A_436 : memref<80xi32, #tpu.memory_space<hbm>>) target(%dma_start3A_435 : memref<80xi32, #tpu.memory_space<vmem>>) target_semaphore(%arg12 : memref<!tpu.dma_semaphore, #tpu.memory_space<semaphore_mem>>)
    %dma_start3A_437 = arith.constant 1 : i32
    %dma_start3A_438 = arith.constant 0 : i32
    %dma_start3A_439 = arith.constant 0 : i32
    %dma_start3A_440 = tpu.memref_slice %arg9[%dma_start3A_437, %dma_start3A_438, %dma_start3A_439] : memref<3x80x128xf32, #tpu.memory_space<vmem>> -> memref<1x80x128xf32, #tpu.memory_space<vmem>>
    %dma_start3A_441 = tpu.memref_squeeze %dma_start3A_440 : memref<1x80x128xf32, #tpu.memory_space<vmem>> -> memref<80x128xf32, #tpu.memory_space<vmem>>
    %dma_start3A_442 = arith.constant 560 : i32
    %dma_start3A_443 = tpu.memref_slice %arg7[%dma_start3A_442] : memref<10000xi32, #tpu.memory_space<vmem>> -> memref<80xi32, #tpu.memory_space<vmem>>
    %dma_start3A_444 = arith.constant 0 : i32
    %dma_start3A_445 = arith.constant 0 : i32
    %dma_start3A_446 = tpu.memref_slice %arg2[%dma_start3A_444, %dma_start3A_445] : memref<50000x128xf32, #tpu.memory_space<hbm>> -> memref<50000x128xf32, #tpu.memory_space<hbm>>
    tpu.enqueue_indirect_dma source(%dma_start3A_446 : memref<50000x128xf32, #tpu.memory_space<hbm>>) target(%dma_start3A_441 : memref<80x128xf32, #tpu.memory_space<vmem>>) offsets(%dma_start3A_443 : memref<80xi32, #tpu.memory_space<vmem>>) semaphore(%arg14 : memref<!tpu.dma_semaphore, #tpu.memory_space<semaphore_mem>>)
    %scan3A = arith.constant 0 : i32
    %scan3A_447 = arith.constant 1 : i32
    %scan3A_448 = arith.constant 19 : i32
    %scan3A_449 = arith.addi %scan3A_447, %scan3A_448 : i32
    %scan3A_450 = arith.constant 1 : i32
    scf.for %scan3A_731 = %scan3A_447 to %scan3A_449 step %scan3A_450  : i32 {
      %mul3A_732 = arith.constant 6 : i32
      %mul3A_733 = arith.muli %mul3A_732, %scan3A_731 : i32
      %add3A_734 = arith.constant 0 : i32
      %add3A_735 = arith.addi %mul3A_733, %add3A_734 : i32
      %mul3A_736 = arith.constant 80 : i32
      %mul3A_737 = arith.muli %add3A_735, %mul3A_736 : i32
      %dma_wait3A_738 = arith.constant 0 : i32
      %dma_wait3A_739 = arith.constant 0 : i32
      %dma_wait3A_740 = arith.constant 0 : i32
      %dma_wait3A_741 = tpu.memref_slice %arg9[%dma_wait3A_738, %dma_wait3A_739, %dma_wait3A_740] : memref<3x80x128xf32, #tpu.memory_space<vmem>> -> memref<1x80x128xf32, #tpu.memory_space<vmem>>
      %dma_wait3A_742 = tpu.memref_squeeze %dma_wait3A_741 : memref<1x80x128xf32, #tpu.memory_space<vmem>> -> memref<80x128xf32, #tpu.memory_space<vmem>>
      %dma_wait3A_743 = tpu.memref_slice %arg7[%mul3A_737] : memref<10000xi32, #tpu.memory_space<vmem>> -> memref<80xi32, #tpu.memory_space<vmem>>
      %dma_wait3A_744 = arith.constant 0 : i32
      %dma_wait3A_745 = arith.constant 0 : i32
      %dma_wait3A_746 = tpu.memref_slice %arg2[%dma_wait3A_744, %dma_wait3A_745] : memref<50000x128xf32, #tpu.memory_space<hbm>> -> memref<50000x128xf32, #tpu.memory_space<hbm>>
      tpu.wait_indirect_dma semaphore(%arg13 : memref<!tpu.dma_semaphore, #tpu.memory_space<semaphore_mem>>) src(%dma_wait3A_746 : memref<50000x128xf32, #tpu.memory_space<hbm>>) dst(%dma_wait3A_742 : memref<80x128xf32, #tpu.memory_space<vmem>>)
      %dma_wait3A_747 = arith.constant 0 : i32
      %dma_wait3A_748 = arith.constant 0 : i32
      %dma_wait3A_749 = tpu.memref_slice %arg8[%dma_wait3A_747, %dma_wait3A_748] : memref<6x80xi32, #tpu.memory_space<vmem>> -> memref<1x80xi32, #tpu.memory_space<vmem>>
      %dma_wait3A_750 = tpu.memref_squeeze %dma_wait3A_749 : memref<1x80xi32, #tpu.memory_space<vmem>> -> memref<80xi32, #tpu.memory_space<vmem>>
      %dma_wait3A_751 = tpu.memref_slice %arg4[%mul3A_2] : memref<320000xi32, #tpu.memory_space<hbm>> -> memref<80xi32, #tpu.memory_space<hbm>>
      %dma_wait3A_752 = arith.constant 0 : i32
      %dma_wait3A_753 = tpu.memref_slice %arg8[%dma_wait3A_747, %dma_wait3A_752] : memref<6x80xi32, #tpu.memory_space<vmem>> -> memref<1x80xi32, #tpu.memory_space<vmem>>
      %dma_wait3A_754 = tpu.memref_squeeze %dma_wait3A_753 : memref<1x80xi32, #tpu.memory_space<vmem>> -> memref<80xi32, #tpu.memory_space<vmem>>
      %dma_wait3A_755 = tpu.memref_slice %arg4[%mul3A_2] : memref<320000xi32, #tpu.memory_space<hbm>> -> memref<80xi32, #tpu.memory_space<hbm>>
      tpu.wait_dma2 semaphore(%arg12 : memref<!tpu.dma_semaphore, #tpu.memory_space<semaphore_mem>>) src(%dma_wait3A_755 : memref<80xi32, #tpu.memory_space<hbm>>) dst(%dma_wait3A_754 : memref<80xi32, #tpu.memory_space<vmem>>)
      %dma_start3A_756 = arith.constant 0 : i32
      %dma_start3A_757 = arith.constant 0 : i32
      %dma_start3A_758 = arith.constant 0 : i32
      %dma_start3A_759 = arith.constant 0 : i32
      %dma_start3A_760 = tpu.memref_slice %arg9[%dma_start3A_756, %dma_start3A_758, %dma_start3A_759] : memref<3x80x128xf32, #tpu.memory_space<vmem>> -> memref<1x80x128xf32, #tpu.memory_space<vmem>>
      %dma_start3A_761 = tpu.memref_squeeze %dma_start3A_760 : memref<1x80x128xf32, #tpu.memory_space<vmem>> -> memref<80x128xf32, #tpu.memory_space<vmem>>
      %dma_start3A_762 = arith.constant 0 : i32
      %dma_start3A_763 = tpu.memref_slice %arg8[%dma_start3A_757, %dma_start3A_762] : memref<6x80xi32, #tpu.memory_space<vmem>> -> memref<1x80xi32, #tpu.memory_space<vmem>>
      %dma_start3A_764 = tpu.memref_squeeze %dma_start3A_763 : memref<1x80xi32, #tpu.memory_space<vmem>> -> memref<80xi32, #tpu.memory_space<vmem>>
      %dma_start3A_765 = arith.constant 0 : i32
      %dma_start3A_766 = arith.constant 0 : i32
      %dma_start3A_767 = tpu.memref_slice %arg10[%dma_start3A_765, %dma_start3A_766] : memref<10016x128xf32, #tpu.memory_space<vmem_shared>> -> memref<10016x128xf32, #tpu.memory_space<vmem_shared>>
      tpu.enqueue_indirect_dma source(%dma_start3A_761 : memref<80x128xf32, #tpu.memory_space<vmem>>) target(%dma_start3A_767 : memref<10016x128xf32, #tpu.memory_space<vmem_shared>>) offsets(%dma_start3A_764 : memref<80xi32, #tpu.memory_space<vmem>>) semaphore(%arg16 : memref<!tpu.dma_semaphore, #tpu.memory_space<semaphore_mem>>) {add = true}
      %dma_wait3A_768 = arith.constant 2 : i32
      %dma_wait3A_769 = arith.constant 5 : i32
      %dma_wait3A_770 = arith.constant 0 : i32
      %dma_wait3A_771 = arith.constant 0 : i32
      %dma_wait3A_772 = tpu.memref_slice %arg9[%dma_wait3A_768, %dma_wait3A_770, %dma_wait3A_771] : memref<3x80x128xf32, #tpu.memory_space<vmem>> -> memref<1x80x128xf32, #tpu.memory_space<vmem>>
      %dma_wait3A_773 = tpu.memref_squeeze %dma_wait3A_772 : memref<1x80x128xf32, #tpu.memory_space<vmem>> -> memref<80x128xf32, #tpu.memory_space<vmem>>
      %dma_wait3A_774 = arith.constant 0 : i32
      %dma_wait3A_775 = tpu.memref_slice %arg8[%dma_wait3A_769, %dma_wait3A_774] : memref<6x80xi32, #tpu.memory_space<vmem>> -> memref<1x80xi32, #tpu.memory_space<vmem>>
      %dma_wait3A_776 = tpu.memref_squeeze %dma_wait3A_775 : memref<1x80xi32, #tpu.memory_space<vmem>> -> memref<80xi32, #tpu.memory_space<vmem>>
      %dma_wait3A_777 = arith.constant 0 : i32
      %dma_wait3A_778 = arith.constant 0 : i32
      %dma_wait3A_779 = tpu.memref_slice %arg10[%dma_wait3A_777, %dma_wait3A_778] : memref<10016x128xf32, #tpu.memory_space<vmem_shared>> -> memref<10016x128xf32, #tpu.memory_space<vmem_shared>>
      tpu.wait_indirect_dma semaphore(%arg18 : memref<!tpu.dma_semaphore, #tpu.memory_space<semaphore_mem>>) src(%dma_wait3A_773 : memref<80x128xf32, #tpu.memory_space<vmem>>) dst(%dma_wait3A_779 : memref<10016x128xf32, #tpu.memory_space<vmem_shared>>)
      %add3A_780 = arith.constant 4 : i32
      %add3A_781 = arith.addi %add3A_735, %add3A_780 : i32
      %mul3A_782 = arith.constant 80 : i32
      %mul3A_783 = arith.muli %add3A_781, %mul3A_782 : i32
      %add3A_784 = arith.addi %mul3A_2, %mul3A_783 : i32
      %dma_start3A_785 = arith.constant 4 : i32
      %dma_start3A_786 = arith.constant 0 : i32
      %dma_start3A_787 = tpu.memref_slice %arg8[%dma_start3A_785, %dma_start3A_786] : memref<6x80xi32, #tpu.memory_space<vmem>> -> memref<1x80xi32, #tpu.memory_space<vmem>>
      %dma_start3A_788 = tpu.memref_squeeze %dma_start3A_787 : memref<1x80xi32, #tpu.memory_space<vmem>> -> memref<80xi32, #tpu.memory_space<vmem>>
      %dma_start3A_789 = tpu.memref_slice %arg4[%add3A_784] : memref<320000xi32, #tpu.memory_space<hbm>> -> memref<80xi32, #tpu.memory_space<hbm>>
      %dma_start3A_790 = arith.constant 0 : i32
      %dma_start3A_791 = tpu.memref_slice %arg8[%dma_start3A_785, %dma_start3A_790] : memref<6x80xi32, #tpu.memory_space<vmem>> -> memref<1x80xi32, #tpu.memory_space<vmem>>
      %dma_start3A_792 = tpu.memref_squeeze %dma_start3A_791 : memref<1x80xi32, #tpu.memory_space<vmem>> -> memref<80xi32, #tpu.memory_space<vmem>>
      %dma_start3A_793 = tpu.memref_slice %arg4[%add3A_784] : memref<320000xi32, #tpu.memory_space<hbm>> -> memref<80xi32, #tpu.memory_space<hbm>>
      tpu.enqueue_dma source(%dma_start3A_793 : memref<80xi32, #tpu.memory_space<hbm>>) target(%dma_start3A_792 : memref<80xi32, #tpu.memory_space<vmem>>) target_semaphore(%arg12 : memref<!tpu.dma_semaphore, #tpu.memory_space<semaphore_mem>>)
      %add3A_794 = arith.constant 2 : i32
      %add3A_795 = arith.addi %add3A_735, %add3A_794 : i32
      %mul3A_796 = arith.constant 80 : i32
      %mul3A_797 = arith.muli %add3A_795, %mul3A_796 : i32
      %dma_start3A_798 = arith.constant 2 : i32
      %dma_start3A_799 = arith.constant 0 : i32
      %dma_start3A_800 = arith.constant 0 : i32
      %dma_start3A_801 = tpu.memref_slice %arg9[%dma_start3A_798, %dma_start3A_799, %dma_start3A_800] : memref<3x80x128xf32, #tpu.memory_space<vmem>> -> memref<1x80x128xf32, #tpu.memory_space<vmem>>
      %dma_start3A_802 = tpu.memref_squeeze %dma_start3A_801 : memref<1x80x128xf32, #tpu.memory_space<vmem>> -> memref<80x128xf32, #tpu.memory_space<vmem>>
      %dma_start3A_803 = tpu.memref_slice %arg7[%mul3A_797] : memref<10000xi32, #tpu.memory_space<vmem>> -> memref<80xi32, #tpu.memory_space<vmem>>
      %dma_start3A_804 = arith.constant 0 : i32
      %dma_start3A_805 = arith.constant 0 : i32
      %dma_start3A_806 = tpu.memref_slice %arg2[%dma_start3A_804, %dma_start3A_805] : memref<50000x128xf32, #tpu.memory_space<hbm>> -> memref<50000x128xf32, #tpu.memory_space<hbm>>
      tpu.enqueue_indirect_dma source(%dma_start3A_806 : memref<50000x128xf32, #tpu.memory_space<hbm>>) target(%dma_start3A_802 : memref<80x128xf32, #tpu.memory_space<vmem>>) offsets(%dma_start3A_803 : memref<80xi32, #tpu.memory_space<vmem>>) semaphore(%arg15 : memref<!tpu.dma_semaphore, #tpu.memory_space<semaphore_mem>>)
      %mul3A_807 = arith.constant 6 : i32
      %mul3A_808 = arith.muli %mul3A_807, %scan3A_731 : i32
      %add3A_809 = arith.constant 1 : i32
      %add3A_810 = arith.addi %mul3A_808, %add3A_809 : i32
      %mul3A_811 = arith.constant 80 : i32
      %mul3A_812 = arith.muli %add3A_810, %mul3A_811 : i32
      %dma_wait3A_813 = arith.constant 1 : i32
      %dma_wait3A_814 = arith.constant 0 : i32
      %dma_wait3A_815 = arith.constant 0 : i32
      %dma_wait3A_816 = tpu.memref_slice %arg9[%dma_wait3A_813, %dma_wait3A_814, %dma_wait3A_815] : memref<3x80x128xf32, #tpu.memory_space<vmem>> -> memref<1x80x128xf32, #tpu.memory_space<vmem>>
      %dma_wait3A_817 = tpu.memref_squeeze %dma_wait3A_816 : memref<1x80x128xf32, #tpu.memory_space<vmem>> -> memref<80x128xf32, #tpu.memory_space<vmem>>
      %dma_wait3A_818 = tpu.memref_slice %arg7[%mul3A_812] : memref<10000xi32, #tpu.memory_space<vmem>> -> memref<80xi32, #tpu.memory_space<vmem>>
      %dma_wait3A_819 = arith.constant 0 : i32
      %dma_wait3A_820 = arith.constant 0 : i32
      %dma_wait3A_821 = tpu.memref_slice %arg2[%dma_wait3A_819, %dma_wait3A_820] : memref<50000x128xf32, #tpu.memory_space<hbm>> -> memref<50000x128xf32, #tpu.memory_space<hbm>>
      tpu.wait_indirect_dma semaphore(%arg14 : memref<!tpu.dma_semaphore, #tpu.memory_space<semaphore_mem>>) src(%dma_wait3A_821 : memref<50000x128xf32, #tpu.memory_space<hbm>>) dst(%dma_wait3A_817 : memref<80x128xf32, #tpu.memory_space<vmem>>)
      %dma_wait3A_822 = arith.constant 0 : i32
      %dma_wait3A_823 = arith.constant 0 : i32
      %dma_wait3A_824 = tpu.memref_slice %arg8[%dma_wait3A_822, %dma_wait3A_823] : memref<6x80xi32, #tpu.memory_space<vmem>> -> memref<1x80xi32, #tpu.memory_space<vmem>>
      %dma_wait3A_825 = tpu.memref_squeeze %dma_wait3A_824 : memref<1x80xi32, #tpu.memory_space<vmem>> -> memref<80xi32, #tpu.memory_space<vmem>>
      %dma_wait3A_826 = tpu.memref_slice %arg4[%mul3A_2] : memref<320000xi32, #tpu.memory_space<hbm>> -> memref<80xi32, #tpu.memory_space<hbm>>
      %dma_wait3A_827 = arith.constant 0 : i32
      %dma_wait3A_828 = tpu.memref_slice %arg8[%dma_wait3A_822, %dma_wait3A_827] : memref<6x80xi32, #tpu.memory_space<vmem>> -> memref<1x80xi32, #tpu.memory_space<vmem>>
      %dma_wait3A_829 = tpu.memref_squeeze %dma_wait3A_828 : memref<1x80xi32, #tpu.memory_space<vmem>> -> memref<80xi32, #tpu.memory_space<vmem>>
      %dma_wait3A_830 = tpu.memref_slice %arg4[%mul3A_2] : memref<320000xi32, #tpu.memory_space<hbm>> -> memref<80xi32, #tpu.memory_space<hbm>>
      tpu.wait_dma2 semaphore(%arg12 : memref<!tpu.dma_semaphore, #tpu.memory_space<semaphore_mem>>) src(%dma_wait3A_830 : memref<80xi32, #tpu.memory_space<hbm>>) dst(%dma_wait3A_829 : memref<80xi32, #tpu.memory_space<vmem>>)
      %dma_start3A_831 = arith.constant 1 : i32
      %dma_start3A_832 = arith.constant 1 : i32
      %dma_start3A_833 = arith.constant 0 : i32
      %dma_start3A_834 = arith.constant 0 : i32
      %dma_start3A_835 = tpu.memref_slice %arg9[%dma_start3A_831, %dma_start3A_833, %dma_start3A_834] : memref<3x80x128xf32, #tpu.memory_space<vmem>> -> memref<1x80x128xf32, #tpu.memory_space<vmem>>
      %dma_start3A_836 = tpu.memref_squeeze %dma_start3A_835 : memref<1x80x128xf32, #tpu.memory_space<vmem>> -> memref<80x128xf32, #tpu.memory_space<vmem>>
      %dma_start3A_837 = arith.constant 0 : i32
      %dma_start3A_838 = tpu.memref_slice %arg8[%dma_start3A_832, %dma_start3A_837] : memref<6x80xi32, #tpu.memory_space<vmem>> -> memref<1x80xi32, #tpu.memory_space<vmem>>
      %dma_start3A_839 = tpu.memref_squeeze %dma_start3A_838 : memref<1x80xi32, #tpu.memory_space<vmem>> -> memref<80xi32, #tpu.memory_space<vmem>>
      %dma_start3A_840 = arith.constant 0 : i32
      %dma_start3A_841 = arith.constant 0 : i32
      %dma_start3A_842 = tpu.memref_slice %arg10[%dma_start3A_840, %dma_start3A_841] : memref<10016x128xf32, #tpu.memory_space<vmem_shared>> -> memref<10016x128xf32, #tpu.memory_space<vmem_shared>>
      tpu.enqueue_indirect_dma source(%dma_start3A_836 : memref<80x128xf32, #tpu.memory_space<vmem>>) target(%dma_start3A_842 : memref<10016x128xf32, #tpu.memory_space<vmem_shared>>) offsets(%dma_start3A_839 : memref<80xi32, #tpu.memory_space<vmem>>) semaphore(%arg17 : memref<!tpu.dma_semaphore, #tpu.memory_space<semaphore_mem>>) {add = true}
      %dma_wait3A_843 = arith.constant 0 : i32
      %dma_wait3A_844 = arith.constant 0 : i32
      %dma_wait3A_845 = arith.constant 0 : i32
      %dma_wait3A_846 = arith.constant 0 : i32
      %dma_wait3A_847 = tpu.memref_slice %arg9[%dma_wait3A_843, %dma_wait3A_845, %dma_wait3A_846] : memref<3x80x128xf32, #tpu.memory_space<vmem>> -> memref<1x80x128xf32, #tpu.memory_space<vmem>>
      %dma_wait3A_848 = tpu.memref_squeeze %dma_wait3A_847 : memref<1x80x128xf32, #tpu.memory_space<vmem>> -> memref<80x128xf32, #tpu.memory_space<vmem>>
      %dma_wait3A_849 = arith.constant 0 : i32
      %dma_wait3A_850 = tpu.memref_slice %arg8[%dma_wait3A_844, %dma_wait3A_849] : memref<6x80xi32, #tpu.memory_space<vmem>> -> memref<1x80xi32, #tpu.memory_space<vmem>>
      %dma_wait3A_851 = tpu.memref_squeeze %dma_wait3A_850 : memref<1x80xi32, #tpu.memory_space<vmem>> -> memref<80xi32, #tpu.memory_space<vmem>>
      %dma_wait3A_852 = arith.constant 0 : i32
      %dma_wait3A_853 = arith.constant 0 : i32
      %dma_wait3A_854 = tpu.memref_slice %arg10[%dma_wait3A_852, %dma_wait3A_853] : memref<10016x128xf32, #tpu.memory_space<vmem_shared>> -> memref<10016x128xf32, #tpu.memory_space<vmem_shared>>
      tpu.wait_indirect_dma semaphore(%arg16 : memref<!tpu.dma_semaphore, #tpu.memory_space<semaphore_mem>>) src(%dma_wait3A_848 : memref<80x128xf32, #tpu.memory_space<vmem>>) dst(%dma_wait3A_854 : memref<10016x128xf32, #tpu.memory_space<vmem_shared>>)
      %add3A_855 = arith.constant 4 : i32
      %add3A_856 = arith.addi %add3A_810, %add3A_855 : i32
      %mul3A_857 = arith.constant 80 : i32
      %mul3A_858 = arith.muli %add3A_856, %mul3A_857 : i32
      %add3A_859 = arith.addi %mul3A_2, %mul3A_858 : i32
      %dma_start3A_860 = arith.constant 5 : i32
      %dma_start3A_861 = arith.constant 0 : i32
      %dma_start3A_862 = tpu.memref_slice %arg8[%dma_start3A_860, %dma_start3A_861] : memref<6x80xi32, #tpu.memory_space<vmem>> -> memref<1x80xi32, #tpu.memory_space<vmem>>
      %dma_start3A_863 = tpu.memref_squeeze %dma_start3A_862 : memref<1x80xi32, #tpu.memory_space<vmem>> -> memref<80xi32, #tpu.memory_space<vmem>>
      %dma_start3A_864 = tpu.memref_slice %arg4[%add3A_859] : memref<320000xi32, #tpu.memory_space<hbm>> -> memref<80xi32, #tpu.memory_space<hbm>>
      %dma_start3A_865 = arith.constant 0 : i32
      %dma_start3A_866 = tpu.memref_slice %arg8[%dma_start3A_860, %dma_start3A_865] : memref<6x80xi32, #tpu.memory_space<vmem>> -> memref<1x80xi32, #tpu.memory_space<vmem>>
      %dma_start3A_867 = tpu.memref_squeeze %dma_start3A_866 : memref<1x80xi32, #tpu.memory_space<vmem>> -> memref<80xi32, #tpu.memory_space<vmem>>
      %dma_start3A_868 = tpu.memref_slice %arg4[%add3A_859] : memref<320000xi32, #tpu.memory_space<hbm>> -> memref<80xi32, #tpu.memory_space<hbm>>
      tpu.enqueue_dma source(%dma_start3A_868 : memref<80xi32, #tpu.memory_space<hbm>>) target(%dma_start3A_867 : memref<80xi32, #tpu.memory_space<vmem>>) target_semaphore(%arg12 : memref<!tpu.dma_semaphore, #tpu.memory_space<semaphore_mem>>)
      %add3A_869 = arith.constant 2 : i32
      %add3A_870 = arith.addi %add3A_810, %add3A_869 : i32
      %mul3A_871 = arith.constant 80 : i32
      %mul3A_872 = arith.muli %add3A_870, %mul3A_871 : i32
      %dma_start3A_873 = arith.constant 0 : i32
      %dma_start3A_874 = arith.constant 0 : i32
      %dma_start3A_875 = arith.constant 0 : i32
      %dma_start3A_876 = tpu.memref_slice %arg9[%dma_start3A_873, %dma_start3A_874, %dma_start3A_875] : memref<3x80x128xf32, #tpu.memory_space<vmem>> -> memref<1x80x128xf32, #tpu.memory_space<vmem>>
      %dma_start3A_877 = tpu.memref_squeeze %dma_start3A_876 : memref<1x80x128xf32, #tpu.memory_space<vmem>> -> memref<80x128xf32, #tpu.memory_space<vmem>>
      %dma_start3A_878 = tpu.memref_slice %arg7[%mul3A_872] : memref<10000xi32, #tpu.memory_space<vmem>> -> memref<80xi32, #tpu.memory_space<vmem>>
      %dma_start3A_879 = arith.constant 0 : i32
      %dma_start3A_880 = arith.constant 0 : i32
      %dma_start3A_881 = tpu.memref_slice %arg2[%dma_start3A_879, %dma_start3A_880] : memref<50000x128xf32, #tpu.memory_space<hbm>> -> memref<50000x128xf32, #tpu.memory_space<hbm>>
      tpu.enqueue_indirect_dma source(%dma_start3A_881 : memref<50000x128xf32, #tpu.memory_space<hbm>>) target(%dma_start3A_877 : memref<80x128xf32, #tpu.memory_space<vmem>>) offsets(%dma_start3A_878 : memref<80xi32, #tpu.memory_space<vmem>>) semaphore(%arg13 : memref<!tpu.dma_semaphore, #tpu.memory_space<semaphore_mem>>)
      %mul3A_882 = arith.constant 6 : i32
      %mul3A_883 = arith.muli %mul3A_882, %scan3A_731 : i32
      %add3A_884 = arith.constant 2 : i32
      %add3A_885 = arith.addi %mul3A_883, %add3A_884 : i32
      %mul3A_886 = arith.constant 80 : i32
      %mul3A_887 = arith.muli %add3A_885, %mul3A_886 : i32
      %dma_wait3A_888 = arith.constant 2 : i32
      %dma_wait3A_889 = arith.constant 0 : i32
      %dma_wait3A_890 = arith.constant 0 : i32
      %dma_wait3A_891 = tpu.memref_slice %arg9[%dma_wait3A_888, %dma_wait3A_889, %dma_wait3A_890] : memref<3x80x128xf32, #tpu.memory_space<vmem>> -> memref<1x80x128xf32, #tpu.memory_space<vmem>>
      %dma_wait3A_892 = tpu.memref_squeeze %dma_wait3A_891 : memref<1x80x128xf32, #tpu.memory_space<vmem>> -> memref<80x128xf32, #tpu.memory_space<vmem>>
      %dma_wait3A_893 = tpu.memref_slice %arg7[%mul3A_887] : memref<10000xi32, #tpu.memory_space<vmem>> -> memref<80xi32, #tpu.memory_space<vmem>>
      %dma_wait3A_894 = arith.constant 0 : i32
      %dma_wait3A_895 = arith.constant 0 : i32
      %dma_wait3A_896 = tpu.memref_slice %arg2[%dma_wait3A_894, %dma_wait3A_895] : memref<50000x128xf32, #tpu.memory_space<hbm>> -> memref<50000x128xf32, #tpu.memory_space<hbm>>
      tpu.wait_indirect_dma semaphore(%arg15 : memref<!tpu.dma_semaphore, #tpu.memory_space<semaphore_mem>>) src(%dma_wait3A_896 : memref<50000x128xf32, #tpu.memory_space<hbm>>) dst(%dma_wait3A_892 : memref<80x128xf32, #tpu.memory_space<vmem>>)
      %dma_wait3A_897 = arith.constant 0 : i32
      %dma_wait3A_898 = arith.constant 0 : i32
      %dma_wait3A_899 = tpu.memref_slice %arg8[%dma_wait3A_897, %dma_wait3A_898] : memref<6x80xi32, #tpu.memory_space<vmem>> -> memref<1x80xi32, #tpu.memory_space<vmem>>
      %dma_wait3A_900 = tpu.memref_squeeze %dma_wait3A_899 : memref<1x80xi32, #tpu.memory_space<vmem>> -> memref<80xi32, #tpu.memory_space<vmem>>
      %dma_wait3A_901 = tpu.memref_slice %arg4[%mul3A_2] : memref<320000xi32, #tpu.memory_space<hbm>> -> memref<80xi32, #tpu.memory_space<hbm>>
      %dma_wait3A_902 = arith.constant 0 : i32
      %dma_wait3A_903 = tpu.memref_slice %arg8[%dma_wait3A_897, %dma_wait3A_902] : memref<6x80xi32, #tpu.memory_space<vmem>> -> memref<1x80xi32, #tpu.memory_space<vmem>>
      %dma_wait3A_904 = tpu.memref_squeeze %dma_wait3A_903 : memref<1x80xi32, #tpu.memory_space<vmem>> -> memref<80xi32, #tpu.memory_space<vmem>>
      %dma_wait3A_905 = tpu.memref_slice %arg4[%mul3A_2] : memref<320000xi32, #tpu.memory_space<hbm>> -> memref<80xi32, #tpu.memory_space<hbm>>
      tpu.wait_dma2 semaphore(%arg12 : memref<!tpu.dma_semaphore, #tpu.memory_space<semaphore_mem>>) src(%dma_wait3A_905 : memref<80xi32, #tpu.memory_space<hbm>>) dst(%dma_wait3A_904 : memref<80xi32, #tpu.memory_space<vmem>>)
      %dma_start3A_906 = arith.constant 2 : i32
      %dma_start3A_907 = arith.constant 2 : i32
      %dma_start3A_908 = arith.constant 0 : i32
      %dma_start3A_909 = arith.constant 0 : i32
      %dma_start3A_910 = tpu.memref_slice %arg9[%dma_start3A_906, %dma_start3A_908, %dma_start3A_909] : memref<3x80x128xf32, #tpu.memory_space<vmem>> -> memref<1x80x128xf32, #tpu.memory_space<vmem>>
      %dma_start3A_911 = tpu.memref_squeeze %dma_start3A_910 : memref<1x80x128xf32, #tpu.memory_space<vmem>> -> memref<80x128xf32, #tpu.memory_space<vmem>>
      %dma_start3A_912 = arith.constant 0 : i32
      %dma_start3A_913 = tpu.memref_slice %arg8[%dma_start3A_907, %dma_start3A_912] : memref<6x80xi32, #tpu.memory_space<vmem>> -> memref<1x80xi32, #tpu.memory_space<vmem>>
      %dma_start3A_914 = tpu.memref_squeeze %dma_start3A_913 : memref<1x80xi32, #tpu.memory_space<vmem>> -> memref<80xi32, #tpu.memory_space<vmem>>
      %dma_start3A_915 = arith.constant 0 : i32
      %dma_start3A_916 = arith.constant 0 : i32
      %dma_start3A_917 = tpu.memref_slice %arg10[%dma_start3A_915, %dma_start3A_916] : memref<10016x128xf32, #tpu.memory_space<vmem_shared>> -> memref<10016x128xf32, #tpu.memory_space<vmem_shared>>
      tpu.enqueue_indirect_dma source(%dma_start3A_911 : memref<80x128xf32, #tpu.memory_space<vmem>>) target(%dma_start3A_917 : memref<10016x128xf32, #tpu.memory_space<vmem_shared>>) offsets(%dma_start3A_914 : memref<80xi32, #tpu.memory_space<vmem>>) semaphore(%arg18 : memref<!tpu.dma_semaphore, #tpu.memory_space<semaphore_mem>>) {add = true}
      %dma_wait3A_918 = arith.constant 1 : i32
      %dma_wait3A_919 = arith.constant 1 : i32
      %dma_wait3A_920 = arith.constant 0 : i32
      %dma_wait3A_921 = arith.constant 0 : i32
      %dma_wait3A_922 = tpu.memref_slice %arg9[%dma_wait3A_918, %dma_wait3A_920, %dma_wait3A_921] : memref<3x80x128xf32, #tpu.memory_space<vmem>> -> memref<1x80x128xf32, #tpu.memory_space<vmem>>
      %dma_wait3A_923 = tpu.memref_squeeze %dma_wait3A_922 : memref<1x80x128xf32, #tpu.memory_space<vmem>> -> memref<80x128xf32, #tpu.memory_space<vmem>>
      %dma_wait3A_924 = arith.constant 0 : i32
      %dma_wait3A_925 = tpu.memref_slice %arg8[%dma_wait3A_919, %dma_wait3A_924] : memref<6x80xi32, #tpu.memory_space<vmem>> -> memref<1x80xi32, #tpu.memory_space<vmem>>
      %dma_wait3A_926 = tpu.memref_squeeze %dma_wait3A_925 : memref<1x80xi32, #tpu.memory_space<vmem>> -> memref<80xi32, #tpu.memory_space<vmem>>
      %dma_wait3A_927 = arith.constant 0 : i32
      %dma_wait3A_928 = arith.constant 0 : i32
      %dma_wait3A_929 = tpu.memref_slice %arg10[%dma_wait3A_927, %dma_wait3A_928] : memref<10016x128xf32, #tpu.memory_space<vmem_shared>> -> memref<10016x128xf32, #tpu.memory_space<vmem_shared>>
      tpu.wait_indirect_dma semaphore(%arg17 : memref<!tpu.dma_semaphore, #tpu.memory_space<semaphore_mem>>) src(%dma_wait3A_923 : memref<80x128xf32, #tpu.memory_space<vmem>>) dst(%dma_wait3A_929 : memref<10016x128xf32, #tpu.memory_space<vmem_shared>>)
      %add3A_930 = arith.constant 4 : i32
      %add3A_931 = arith.addi %add3A_885, %add3A_930 : i32
      %mul3A_932 = arith.constant 80 : i32
      %mul3A_933 = arith.muli %add3A_931, %mul3A_932 : i32
      %add3A_934 = arith.addi %mul3A_2, %mul3A_933 : i32
      %dma_start3A_935 = arith.constant 0 : i32
      %dma_start3A_936 = arith.constant 0 : i32
      %dma_start3A_937 = tpu.memref_slice %arg8[%dma_start3A_935, %dma_start3A_936] : memref<6x80xi32, #tpu.memory_space<vmem>> -> memref<1x80xi32, #tpu.memory_space<vmem>>
      %dma_start3A_938 = tpu.memref_squeeze %dma_start3A_937 : memref<1x80xi32, #tpu.memory_space<vmem>> -> memref<80xi32, #tpu.memory_space<vmem>>
      %dma_start3A_939 = tpu.memref_slice %arg4[%add3A_934] : memref<320000xi32, #tpu.memory_space<hbm>> -> memref<80xi32, #tpu.memory_space<hbm>>
      %dma_start3A_940 = arith.constant 0 : i32
      %dma_start3A_941 = tpu.memref_slice %arg8[%dma_start3A_935, %dma_start3A_940] : memref<6x80xi32, #tpu.memory_space<vmem>> -> memref<1x80xi32, #tpu.memory_space<vmem>>
      %dma_start3A_942 = tpu.memref_squeeze %dma_start3A_941 : memref<1x80xi32, #tpu.memory_space<vmem>> -> memref<80xi32, #tpu.memory_space<vmem>>
      %dma_start3A_943 = tpu.memref_slice %arg4[%add3A_934] : memref<320000xi32, #tpu.memory_space<hbm>> -> memref<80xi32, #tpu.memory_space<hbm>>
      tpu.enqueue_dma source(%dma_start3A_943 : memref<80xi32, #tpu.memory_space<hbm>>) target(%dma_start3A_942 : memref<80xi32, #tpu.memory_space<vmem>>) target_semaphore(%arg12 : memref<!tpu.dma_semaphore, #tpu.memory_space<semaphore_mem>>)
      %add3A_944 = arith.constant 2 : i32
      %add3A_945 = arith.addi %add3A_885, %add3A_944 : i32
      %mul3A_946 = arith.constant 80 : i32
      %mul3A_947 = arith.muli %add3A_945, %mul3A_946 : i32
      %dma_start3A_948 = arith.constant 1 : i32
      %dma_start3A_949 = arith.constant 0 : i32
      %dma_start3A_950 = arith.constant 0 : i32
      %dma_start3A_951 = tpu.memref_slice %arg9[%dma_start3A_948, %dma_start3A_949, %dma_start3A_950] : memref<3x80x128xf32, #tpu.memory_space<vmem>> -> memref<1x80x128xf32, #tpu.memory_space<vmem>>
      %dma_start3A_952 = tpu.memref_squeeze %dma_start3A_951 : memref<1x80x128xf32, #tpu.memory_space<vmem>> -> memref<80x128xf32, #tpu.memory_space<vmem>>
      %dma_start3A_953 = tpu.memref_slice %arg7[%mul3A_947] : memref<10000xi32, #tpu.memory_space<vmem>> -> memref<80xi32, #tpu.memory_space<vmem>>
      %dma_start3A_954 = arith.constant 0 : i32
      %dma_start3A_955 = arith.constant 0 : i32
      %dma_start3A_956 = tpu.memref_slice %arg2[%dma_start3A_954, %dma_start3A_955] : memref<50000x128xf32, #tpu.memory_space<hbm>> -> memref<50000x128xf32, #tpu.memory_space<hbm>>
      tpu.enqueue_indirect_dma source(%dma_start3A_956 : memref<50000x128xf32, #tpu.memory_space<hbm>>) target(%dma_start3A_952 : memref<80x128xf32, #tpu.memory_space<vmem>>) offsets(%dma_start3A_953 : memref<80xi32, #tpu.memory_space<vmem>>) semaphore(%arg14 : memref<!tpu.dma_semaphore, #tpu.memory_space<semaphore_mem>>)
      %mul3A_957 = arith.constant 6 : i32
      %mul3A_958 = arith.muli %mul3A_957, %scan3A_731 : i32
      %add3A_959 = arith.constant 3 : i32
      %add3A_960 = arith.addi %mul3A_958, %add3A_959 : i32
      %mul3A_961 = arith.constant 80 : i32
      %mul3A_962 = arith.muli %add3A_960, %mul3A_961 : i32
      %dma_wait3A_963 = arith.constant 0 : i32
      %dma_wait3A_964 = arith.constant 0 : i32
      %dma_wait3A_965 = arith.constant 0 : i32
      %dma_wait3A_966 = tpu.memref_slice %arg9[%dma_wait3A_963, %dma_wait3A_964, %dma_wait3A_965] : memref<3x80x128xf32, #tpu.memory_space<vmem>> -> memref<1x80x128xf32, #tpu.memory_space<vmem>>
      %dma_wait3A_967 = tpu.memref_squeeze %dma_wait3A_966 : memref<1x80x128xf32, #tpu.memory_space<vmem>> -> memref<80x128xf32, #tpu.memory_space<vmem>>
      %dma_wait3A_968 = tpu.memref_slice %arg7[%mul3A_962] : memref<10000xi32, #tpu.memory_space<vmem>> -> memref<80xi32, #tpu.memory_space<vmem>>
      %dma_wait3A_969 = arith.constant 0 : i32
      %dma_wait3A_970 = arith.constant 0 : i32
      %dma_wait3A_971 = tpu.memref_slice %arg2[%dma_wait3A_969, %dma_wait3A_970] : memref<50000x128xf32, #tpu.memory_space<hbm>> -> memref<50000x128xf32, #tpu.memory_space<hbm>>
      tpu.wait_indirect_dma semaphore(%arg13 : memref<!tpu.dma_semaphore, #tpu.memory_space<semaphore_mem>>) src(%dma_wait3A_971 : memref<50000x128xf32, #tpu.memory_space<hbm>>) dst(%dma_wait3A_967 : memref<80x128xf32, #tpu.memory_space<vmem>>)
      %dma_wait3A_972 = arith.constant 0 : i32
      %dma_wait3A_973 = arith.constant 0 : i32
      %dma_wait3A_974 = tpu.memref_slice %arg8[%dma_wait3A_972, %dma_wait3A_973] : memref<6x80xi32, #tpu.memory_space<vmem>> -> memref<1x80xi32, #tpu.memory_space<vmem>>
      %dma_wait3A_975 = tpu.memref_squeeze %dma_wait3A_974 : memref<1x80xi32, #tpu.memory_space<vmem>> -> memref<80xi32, #tpu.memory_space<vmem>>
      %dma_wait3A_976 = tpu.memref_slice %arg4[%mul3A_2] : memref<320000xi32, #tpu.memory_space<hbm>> -> memref<80xi32, #tpu.memory_space<hbm>>
      %dma_wait3A_977 = arith.constant 0 : i32
      %dma_wait3A_978 = tpu.memref_slice %arg8[%dma_wait3A_972, %dma_wait3A_977] : memref<6x80xi32, #tpu.memory_space<vmem>> -> memref<1x80xi32, #tpu.memory_space<vmem>>
      %dma_wait3A_979 = tpu.memref_squeeze %dma_wait3A_978 : memref<1x80xi32, #tpu.memory_space<vmem>> -> memref<80xi32, #tpu.memory_space<vmem>>
      %dma_wait3A_980 = tpu.memref_slice %arg4[%mul3A_2] : memref<320000xi32, #tpu.memory_space<hbm>> -> memref<80xi32, #tpu.memory_space<hbm>>
      tpu.wait_dma2 semaphore(%arg12 : memref<!tpu.dma_semaphore, #tpu.memory_space<semaphore_mem>>) src(%dma_wait3A_980 : memref<80xi32, #tpu.memory_space<hbm>>) dst(%dma_wait3A_979 : memref<80xi32, #tpu.memory_space<vmem>>)
      %dma_start3A_981 = arith.constant 0 : i32
      %dma_start3A_982 = arith.constant 3 : i32
      %dma_start3A_983 = arith.constant 0 : i32
      %dma_start3A_984 = arith.constant 0 : i32
      %dma_start3A_985 = tpu.memref_slice %arg9[%dma_start3A_981, %dma_start3A_983, %dma_start3A_984] : memref<3x80x128xf32, #tpu.memory_space<vmem>> -> memref<1x80x128xf32, #tpu.memory_space<vmem>>
      %dma_start3A_986 = tpu.memref_squeeze %dma_start3A_985 : memref<1x80x128xf32, #tpu.memory_space<vmem>> -> memref<80x128xf32, #tpu.memory_space<vmem>>
      %dma_start3A_987 = arith.constant 0 : i32
      %dma_start3A_988 = tpu.memref_slice %arg8[%dma_start3A_982, %dma_start3A_987] : memref<6x80xi32, #tpu.memory_space<vmem>> -> memref<1x80xi32, #tpu.memory_space<vmem>>
      %dma_start3A_989 = tpu.memref_squeeze %dma_start3A_988 : memref<1x80xi32, #tpu.memory_space<vmem>> -> memref<80xi32, #tpu.memory_space<vmem>>
      %dma_start3A_990 = arith.constant 0 : i32
      %dma_start3A_991 = arith.constant 0 : i32
      %dma_start3A_992 = tpu.memref_slice %arg10[%dma_start3A_990, %dma_start3A_991] : memref<10016x128xf32, #tpu.memory_space<vmem_shared>> -> memref<10016x128xf32, #tpu.memory_space<vmem_shared>>
      tpu.enqueue_indirect_dma source(%dma_start3A_986 : memref<80x128xf32, #tpu.memory_space<vmem>>) target(%dma_start3A_992 : memref<10016x128xf32, #tpu.memory_space<vmem_shared>>) offsets(%dma_start3A_989 : memref<80xi32, #tpu.memory_space<vmem>>) semaphore(%arg16 : memref<!tpu.dma_semaphore, #tpu.memory_space<semaphore_mem>>) {add = true}
      %dma_wait3A_993 = arith.constant 2 : i32
      %dma_wait3A_994 = arith.constant 2 : i32
      %dma_wait3A_995 = arith.constant 0 : i32
      %dma_wait3A_996 = arith.constant 0 : i32
      %dma_wait3A_997 = tpu.memref_slice %arg9[%dma_wait3A_993, %dma_wait3A_995, %dma_wait3A_996] : memref<3x80x128xf32, #tpu.memory_space<vmem>> -> memref<1x80x128xf32, #tpu.memory_space<vmem>>
      %dma_wait3A_998 = tpu.memref_squeeze %dma_wait3A_997 : memref<1x80x128xf32, #tpu.memory_space<vmem>> -> memref<80x128xf32, #tpu.memory_space<vmem>>
      %dma_wait3A_999 = arith.constant 0 : i32
      %dma_wait3A_1000 = tpu.memref_slice %arg8[%dma_wait3A_994, %dma_wait3A_999] : memref<6x80xi32, #tpu.memory_space<vmem>> -> memref<1x80xi32, #tpu.memory_space<vmem>>
      %dma_wait3A_1001 = tpu.memref_squeeze %dma_wait3A_1000 : memref<1x80xi32, #tpu.memory_space<vmem>> -> memref<80xi32, #tpu.memory_space<vmem>>
      %dma_wait3A_1002 = arith.constant 0 : i32
      %dma_wait3A_1003 = arith.constant 0 : i32
      %dma_wait3A_1004 = tpu.memref_slice %arg10[%dma_wait3A_1002, %dma_wait3A_1003] : memref<10016x128xf32, #tpu.memory_space<vmem_shared>> -> memref<10016x128xf32, #tpu.memory_space<vmem_shared>>
      tpu.wait_indirect_dma semaphore(%arg18 : memref<!tpu.dma_semaphore, #tpu.memory_space<semaphore_mem>>) src(%dma_wait3A_998 : memref<80x128xf32, #tpu.memory_space<vmem>>) dst(%dma_wait3A_1004 : memref<10016x128xf32, #tpu.memory_space<vmem_shared>>)
      %add3A_1005 = arith.constant 4 : i32
      %add3A_1006 = arith.addi %add3A_960, %add3A_1005 : i32
      %mul3A_1007 = arith.constant 80 : i32
      %mul3A_1008 = arith.muli %add3A_1006, %mul3A_1007 : i32
      %add3A_1009 = arith.addi %mul3A_2, %mul3A_1008 : i32
      %dma_start3A_1010 = arith.constant 1 : i32
      %dma_start3A_1011 = arith.constant 0 : i32
      %dma_start3A_1012 = tpu.memref_slice %arg8[%dma_start3A_1010, %dma_start3A_1011] : memref<6x80xi32, #tpu.memory_space<vmem>> -> memref<1x80xi32, #tpu.memory_space<vmem>>
      %dma_start3A_1013 = tpu.memref_squeeze %dma_start3A_1012 : memref<1x80xi32, #tpu.memory_space<vmem>> -> memref<80xi32, #tpu.memory_space<vmem>>
      %dma_start3A_1014 = tpu.memref_slice %arg4[%add3A_1009] : memref<320000xi32, #tpu.memory_space<hbm>> -> memref<80xi32, #tpu.memory_space<hbm>>
      %dma_start3A_1015 = arith.constant 0 : i32
      %dma_start3A_1016 = tpu.memref_slice %arg8[%dma_start3A_1010, %dma_start3A_1015] : memref<6x80xi32, #tpu.memory_space<vmem>> -> memref<1x80xi32, #tpu.memory_space<vmem>>
      %dma_start3A_1017 = tpu.memref_squeeze %dma_start3A_1016 : memref<1x80xi32, #tpu.memory_space<vmem>> -> memref<80xi32, #tpu.memory_space<vmem>>
      %dma_start3A_1018 = tpu.memref_slice %arg4[%add3A_1009] : memref<320000xi32, #tpu.memory_space<hbm>> -> memref<80xi32, #tpu.memory_space<hbm>>
      tpu.enqueue_dma source(%dma_start3A_1018 : memref<80xi32, #tpu.memory_space<hbm>>) target(%dma_start3A_1017 : memref<80xi32, #tpu.memory_space<vmem>>) target_semaphore(%arg12 : memref<!tpu.dma_semaphore, #tpu.memory_space<semaphore_mem>>)
      %add3A_1019 = arith.constant 2 : i32
      %add3A_1020 = arith.addi %add3A_960, %add3A_1019 : i32
      %mul3A_1021 = arith.constant 80 : i32
      %mul3A_1022 = arith.muli %add3A_1020, %mul3A_1021 : i32
      %dma_start3A_1023 = arith.constant 2 : i32
      %dma_start3A_1024 = arith.constant 0 : i32
      %dma_start3A_1025 = arith.constant 0 : i32
      %dma_start3A_1026 = tpu.memref_slice %arg9[%dma_start3A_1023, %dma_start3A_1024, %dma_start3A_1025] : memref<3x80x128xf32, #tpu.memory_space<vmem>> -> memref<1x80x128xf32, #tpu.memory_space<vmem>>
      %dma_start3A_1027 = tpu.memref_squeeze %dma_start3A_1026 : memref<1x80x128xf32, #tpu.memory_space<vmem>> -> memref<80x128xf32, #tpu.memory_space<vmem>>
      %dma_start3A_1028 = tpu.memref_slice %arg7[%mul3A_1022] : memref<10000xi32, #tpu.memory_space<vmem>> -> memref<80xi32, #tpu.memory_space<vmem>>
      %dma_start3A_1029 = arith.constant 0 : i32
      %dma_start3A_1030 = arith.constant 0 : i32
      %dma_start3A_1031 = tpu.memref_slice %arg2[%dma_start3A_1029, %dma_start3A_1030] : memref<50000x128xf32, #tpu.memory_space<hbm>> -> memref<50000x128xf32, #tpu.memory_space<hbm>>
      tpu.enqueue_indirect_dma source(%dma_start3A_1031 : memref<50000x128xf32, #tpu.memory_space<hbm>>) target(%dma_start3A_1027 : memref<80x128xf32, #tpu.memory_space<vmem>>) offsets(%dma_start3A_1028 : memref<80xi32, #tpu.memory_space<vmem>>) semaphore(%arg15 : memref<!tpu.dma_semaphore, #tpu.memory_space<semaphore_mem>>)
      %mul3A_1032 = arith.constant 6 : i32
      %mul3A_1033 = arith.muli %mul3A_1032, %scan3A_731 : i32
      %add3A_1034 = arith.constant 4 : i32
      %add3A_1035 = arith.addi %mul3A_1033, %add3A_1034 : i32
      %mul3A_1036 = arith.constant 80 : i32
      %mul3A_1037 = arith.muli %add3A_1035, %mul3A_1036 : i32
      %dma_wait3A_1038 = arith.constant 1 : i32
      %dma_wait3A_1039 = arith.constant 0 : i32
      %dma_wait3A_1040 = arith.constant 0 : i32
      %dma_wait3A_1041 = tpu.memref_slice %arg9[%dma_wait3A_1038, %dma_wait3A_1039, %dma_wait3A_1040] : memref<3x80x128xf32, #tpu.memory_space<vmem>> -> memref<1x80x128xf32, #tpu.memory_space<vmem>>
      %dma_wait3A_1042 = tpu.memref_squeeze %dma_wait3A_1041 : memref<1x80x128xf32, #tpu.memory_space<vmem>> -> memref<80x128xf32, #tpu.memory_space<vmem>>
      %dma_wait3A_1043 = tpu.memref_slice %arg7[%mul3A_1037] : memref<10000xi32, #tpu.memory_space<vmem>> -> memref<80xi32, #tpu.memory_space<vmem>>
      %dma_wait3A_1044 = arith.constant 0 : i32
      %dma_wait3A_1045 = arith.constant 0 : i32
      %dma_wait3A_1046 = tpu.memref_slice %arg2[%dma_wait3A_1044, %dma_wait3A_1045] : memref<50000x128xf32, #tpu.memory_space<hbm>> -> memref<50000x128xf32, #tpu.memory_space<hbm>>
      tpu.wait_indirect_dma semaphore(%arg14 : memref<!tpu.dma_semaphore, #tpu.memory_space<semaphore_mem>>) src(%dma_wait3A_1046 : memref<50000x128xf32, #tpu.memory_space<hbm>>) dst(%dma_wait3A_1042 : memref<80x128xf32, #tpu.memory_space<vmem>>)
      %dma_wait3A_1047 = arith.constant 0 : i32
      %dma_wait3A_1048 = arith.constant 0 : i32
      %dma_wait3A_1049 = tpu.memref_slice %arg8[%dma_wait3A_1047, %dma_wait3A_1048] : memref<6x80xi32, #tpu.memory_space<vmem>> -> memref<1x80xi32, #tpu.memory_space<vmem>>
      %dma_wait3A_1050 = tpu.memref_squeeze %dma_wait3A_1049 : memref<1x80xi32, #tpu.memory_space<vmem>> -> memref<80xi32, #tpu.memory_space<vmem>>
      %dma_wait3A_1051 = tpu.memref_slice %arg4[%mul3A_2] : memref<320000xi32, #tpu.memory_space<hbm>> -> memref<80xi32, #tpu.memory_space<hbm>>
      %dma_wait3A_1052 = arith.constant 0 : i32
      %dma_wait3A_1053 = tpu.memref_slice %arg8[%dma_wait3A_1047, %dma_wait3A_1052] : memref<6x80xi32, #tpu.memory_space<vmem>> -> memref<1x80xi32, #tpu.memory_space<vmem>>
      %dma_wait3A_1054 = tpu.memref_squeeze %dma_wait3A_1053 : memref<1x80xi32, #tpu.memory_space<vmem>> -> memref<80xi32, #tpu.memory_space<vmem>>
      %dma_wait3A_1055 = tpu.memref_slice %arg4[%mul3A_2] : memref<320000xi32, #tpu.memory_space<hbm>> -> memref<80xi32, #tpu.memory_space<hbm>>
      tpu.wait_dma2 semaphore(%arg12 : memref<!tpu.dma_semaphore, #tpu.memory_space<semaphore_mem>>) src(%dma_wait3A_1055 : memref<80xi32, #tpu.memory_space<hbm>>) dst(%dma_wait3A_1054 : memref<80xi32, #tpu.memory_space<vmem>>)
      %dma_start3A_1056 = arith.constant 1 : i32
      %dma_start3A_1057 = arith.constant 4 : i32
      %dma_start3A_1058 = arith.constant 0 : i32
      %dma_start3A_1059 = arith.constant 0 : i32
      %dma_start3A_1060 = tpu.memref_slice %arg9[%dma_start3A_1056, %dma_start3A_1058, %dma_start3A_1059] : memref<3x80x128xf32, #tpu.memory_space<vmem>> -> memref<1x80x128xf32, #tpu.memory_space<vmem>>
      %dma_start3A_1061 = tpu.memref_squeeze %dma_start3A_1060 : memref<1x80x128xf32, #tpu.memory_space<vmem>> -> memref<80x128xf32, #tpu.memory_space<vmem>>
      %dma_start3A_1062 = arith.constant 0 : i32
      %dma_start3A_1063 = tpu.memref_slice %arg8[%dma_start3A_1057, %dma_start3A_1062] : memref<6x80xi32, #tpu.memory_space<vmem>> -> memref<1x80xi32, #tpu.memory_space<vmem>>
      %dma_start3A_1064 = tpu.memref_squeeze %dma_start3A_1063 : memref<1x80xi32, #tpu.memory_space<vmem>> -> memref<80xi32, #tpu.memory_space<vmem>>
      %dma_start3A_1065 = arith.constant 0 : i32
      %dma_start3A_1066 = arith.constant 0 : i32
      %dma_start3A_1067 = tpu.memref_slice %arg10[%dma_start3A_1065, %dma_start3A_1066] : memref<10016x128xf32, #tpu.memory_space<vmem_shared>> -> memref<10016x128xf32, #tpu.memory_space<vmem_shared>>
      tpu.enqueue_indirect_dma source(%dma_start3A_1061 : memref<80x128xf32, #tpu.memory_space<vmem>>) target(%dma_start3A_1067 : memref<10016x128xf32, #tpu.memory_space<vmem_shared>>) offsets(%dma_start3A_1064 : memref<80xi32, #tpu.memory_space<vmem>>) semaphore(%arg17 : memref<!tpu.dma_semaphore, #tpu.memory_space<semaphore_mem>>) {add = true}
      %dma_wait3A_1068 = arith.constant 0 : i32
      %dma_wait3A_1069 = arith.constant 3 : i32
      %dma_wait3A_1070 = arith.constant 0 : i32
      %dma_wait3A_1071 = arith.constant 0 : i32
      %dma_wait3A_1072 = tpu.memref_slice %arg9[%dma_wait3A_1068, %dma_wait3A_1070, %dma_wait3A_1071] : memref<3x80x128xf32, #tpu.memory_space<vmem>> -> memref<1x80x128xf32, #tpu.memory_space<vmem>>
      %dma_wait3A_1073 = tpu.memref_squeeze %dma_wait3A_1072 : memref<1x80x128xf32, #tpu.memory_space<vmem>> -> memref<80x128xf32, #tpu.memory_space<vmem>>
      %dma_wait3A_1074 = arith.constant 0 : i32
      %dma_wait3A_1075 = tpu.memref_slice %arg8[%dma_wait3A_1069, %dma_wait3A_1074] : memref<6x80xi32, #tpu.memory_space<vmem>> -> memref<1x80xi32, #tpu.memory_space<vmem>>
      %dma_wait3A_1076 = tpu.memref_squeeze %dma_wait3A_1075 : memref<1x80xi32, #tpu.memory_space<vmem>> -> memref<80xi32, #tpu.memory_space<vmem>>
      %dma_wait3A_1077 = arith.constant 0 : i32
      %dma_wait3A_1078 = arith.constant 0 : i32
      %dma_wait3A_1079 = tpu.memref_slice %arg10[%dma_wait3A_1077, %dma_wait3A_1078] : memref<10016x128xf32, #tpu.memory_space<vmem_shared>> -> memref<10016x128xf32, #tpu.memory_space<vmem_shared>>
      tpu.wait_indirect_dma semaphore(%arg16 : memref<!tpu.dma_semaphore, #tpu.memory_space<semaphore_mem>>) src(%dma_wait3A_1073 : memref<80x128xf32, #tpu.memory_space<vmem>>) dst(%dma_wait3A_1079 : memref<10016x128xf32, #tpu.memory_space<vmem_shared>>)
      %add3A_1080 = arith.constant 4 : i32
      %add3A_1081 = arith.addi %add3A_1035, %add3A_1080 : i32
      %mul3A_1082 = arith.constant 80 : i32
      %mul3A_1083 = arith.muli %add3A_1081, %mul3A_1082 : i32
      %add3A_1084 = arith.addi %mul3A_2, %mul3A_1083 : i32
      %dma_start3A_1085 = arith.constant 2 : i32
      %dma_start3A_1086 = arith.constant 0 : i32
      %dma_start3A_1087 = tpu.memref_slice %arg8[%dma_start3A_1085, %dma_start3A_1086] : memref<6x80xi32, #tpu.memory_space<vmem>> -> memref<1x80xi32, #tpu.memory_space<vmem>>
      %dma_start3A_1088 = tpu.memref_squeeze %dma_start3A_1087 : memref<1x80xi32, #tpu.memory_space<vmem>> -> memref<80xi32, #tpu.memory_space<vmem>>
      %dma_start3A_1089 = tpu.memref_slice %arg4[%add3A_1084] : memref<320000xi32, #tpu.memory_space<hbm>> -> memref<80xi32, #tpu.memory_space<hbm>>
      %dma_start3A_1090 = arith.constant 0 : i32
      %dma_start3A_1091 = tpu.memref_slice %arg8[%dma_start3A_1085, %dma_start3A_1090] : memref<6x80xi32, #tpu.memory_space<vmem>> -> memref<1x80xi32, #tpu.memory_space<vmem>>
      %dma_start3A_1092 = tpu.memref_squeeze %dma_start3A_1091 : memref<1x80xi32, #tpu.memory_space<vmem>> -> memref<80xi32, #tpu.memory_space<vmem>>
      %dma_start3A_1093 = tpu.memref_slice %arg4[%add3A_1084] : memref<320000xi32, #tpu.memory_space<hbm>> -> memref<80xi32, #tpu.memory_space<hbm>>
      tpu.enqueue_dma source(%dma_start3A_1093 : memref<80xi32, #tpu.memory_space<hbm>>) target(%dma_start3A_1092 : memref<80xi32, #tpu.memory_space<vmem>>) target_semaphore(%arg12 : memref<!tpu.dma_semaphore, #tpu.memory_space<semaphore_mem>>)
      %add3A_1094 = arith.constant 2 : i32
      %add3A_1095 = arith.addi %add3A_1035, %add3A_1094 : i32
      %mul3A_1096 = arith.constant 80 : i32
      %mul3A_1097 = arith.muli %add3A_1095, %mul3A_1096 : i32
      %dma_start3A_1098 = arith.constant 0 : i32
      %dma_start3A_1099 = arith.constant 0 : i32
      %dma_start3A_1100 = arith.constant 0 : i32
      %dma_start3A_1101 = tpu.memref_slice %arg9[%dma_start3A_1098, %dma_start3A_1099, %dma_start3A_1100] : memref<3x80x128xf32, #tpu.memory_space<vmem>> -> memref<1x80x128xf32, #tpu.memory_space<vmem>>
      %dma_start3A_1102 = tpu.memref_squeeze %dma_start3A_1101 : memref<1x80x128xf32, #tpu.memory_space<vmem>> -> memref<80x128xf32, #tpu.memory_space<vmem>>
      %dma_start3A_1103 = tpu.memref_slice %arg7[%mul3A_1097] : memref<10000xi32, #tpu.memory_space<vmem>> -> memref<80xi32, #tpu.memory_space<vmem>>
      %dma_start3A_1104 = arith.constant 0 : i32
      %dma_start3A_1105 = arith.constant 0 : i32
      %dma_start3A_1106 = tpu.memref_slice %arg2[%dma_start3A_1104, %dma_start3A_1105] : memref<50000x128xf32, #tpu.memory_space<hbm>> -> memref<50000x128xf32, #tpu.memory_space<hbm>>
      tpu.enqueue_indirect_dma source(%dma_start3A_1106 : memref<50000x128xf32, #tpu.memory_space<hbm>>) target(%dma_start3A_1102 : memref<80x128xf32, #tpu.memory_space<vmem>>) offsets(%dma_start3A_1103 : memref<80xi32, #tpu.memory_space<vmem>>) semaphore(%arg13 : memref<!tpu.dma_semaphore, #tpu.memory_space<semaphore_mem>>)
      %mul3A_1107 = arith.constant 6 : i32
      %mul3A_1108 = arith.muli %mul3A_1107, %scan3A_731 : i32
      %add3A_1109 = arith.constant 5 : i32
      %add3A_1110 = arith.addi %mul3A_1108, %add3A_1109 : i32
      %mul3A_1111 = arith.constant 80 : i32
      %mul3A_1112 = arith.muli %add3A_1110, %mul3A_1111 : i32
      %dma_wait3A_1113 = arith.constant 2 : i32
      %dma_wait3A_1114 = arith.constant 0 : i32
      %dma_wait3A_1115 = arith.constant 0 : i32
      %dma_wait3A_1116 = tpu.memref_slice %arg9[%dma_wait3A_1113, %dma_wait3A_1114, %dma_wait3A_1115] : memref<3x80x128xf32, #tpu.memory_space<vmem>> -> memref<1x80x128xf32, #tpu.memory_space<vmem>>
      %dma_wait3A_1117 = tpu.memref_squeeze %dma_wait3A_1116 : memref<1x80x128xf32, #tpu.memory_space<vmem>> -> memref<80x128xf32, #tpu.memory_space<vmem>>
      %dma_wait3A_1118 = tpu.memref_slice %arg7[%mul3A_1112] : memref<10000xi32, #tpu.memory_space<vmem>> -> memref<80xi32, #tpu.memory_space<vmem>>
      %dma_wait3A_1119 = arith.constant 0 : i32
      %dma_wait3A_1120 = arith.constant 0 : i32
      %dma_wait3A_1121 = tpu.memref_slice %arg2[%dma_wait3A_1119, %dma_wait3A_1120] : memref<50000x128xf32, #tpu.memory_space<hbm>> -> memref<50000x128xf32, #tpu.memory_space<hbm>>
      tpu.wait_indirect_dma semaphore(%arg15 : memref<!tpu.dma_semaphore, #tpu.memory_space<semaphore_mem>>) src(%dma_wait3A_1121 : memref<50000x128xf32, #tpu.memory_space<hbm>>) dst(%dma_wait3A_1117 : memref<80x128xf32, #tpu.memory_space<vmem>>)
      %dma_wait3A_1122 = arith.constant 0 : i32
      %dma_wait3A_1123 = arith.constant 0 : i32
      %dma_wait3A_1124 = tpu.memref_slice %arg8[%dma_wait3A_1122, %dma_wait3A_1123] : memref<6x80xi32, #tpu.memory_space<vmem>> -> memref<1x80xi32, #tpu.memory_space<vmem>>
      %dma_wait3A_1125 = tpu.memref_squeeze %dma_wait3A_1124 : memref<1x80xi32, #tpu.memory_space<vmem>> -> memref<80xi32, #tpu.memory_space<vmem>>
      %dma_wait3A_1126 = tpu.memref_slice %arg4[%mul3A_2] : memref<320000xi32, #tpu.memory_space<hbm>> -> memref<80xi32, #tpu.memory_space<hbm>>
      %dma_wait3A_1127 = arith.constant 0 : i32
      %dma_wait3A_1128 = tpu.memref_slice %arg8[%dma_wait3A_1122, %dma_wait3A_1127] : memref<6x80xi32, #tpu.memory_space<vmem>> -> memref<1x80xi32, #tpu.memory_space<vmem>>
      %dma_wait3A_1129 = tpu.memref_squeeze %dma_wait3A_1128 : memref<1x80xi32, #tpu.memory_space<vmem>> -> memref<80xi32, #tpu.memory_space<vmem>>
      %dma_wait3A_1130 = tpu.memref_slice %arg4[%mul3A_2] : memref<320000xi32, #tpu.memory_space<hbm>> -> memref<80xi32, #tpu.memory_space<hbm>>
      tpu.wait_dma2 semaphore(%arg12 : memref<!tpu.dma_semaphore, #tpu.memory_space<semaphore_mem>>) src(%dma_wait3A_1130 : memref<80xi32, #tpu.memory_space<hbm>>) dst(%dma_wait3A_1129 : memref<80xi32, #tpu.memory_space<vmem>>)
      %dma_start3A_1131 = arith.constant 2 : i32
      %dma_start3A_1132 = arith.constant 5 : i32
      %dma_start3A_1133 = arith.constant 0 : i32
      %dma_start3A_1134 = arith.constant 0 : i32
      %dma_start3A_1135 = tpu.memref_slice %arg9[%dma_start3A_1131, %dma_start3A_1133, %dma_start3A_1134] : memref<3x80x128xf32, #tpu.memory_space<vmem>> -> memref<1x80x128xf32, #tpu.memory_space<vmem>>
      %dma_start3A_1136 = tpu.memref_squeeze %dma_start3A_1135 : memref<1x80x128xf32, #tpu.memory_space<vmem>> -> memref<80x128xf32, #tpu.memory_space<vmem>>
      %dma_start3A_1137 = arith.constant 0 : i32
      %dma_start3A_1138 = tpu.memref_slice %arg8[%dma_start3A_1132, %dma_start3A_1137] : memref<6x80xi32, #tpu.memory_space<vmem>> -> memref<1x80xi32, #tpu.memory_space<vmem>>
      %dma_start3A_1139 = tpu.memref_squeeze %dma_start3A_1138 : memref<1x80xi32, #tpu.memory_space<vmem>> -> memref<80xi32, #tpu.memory_space<vmem>>
      %dma_start3A_1140 = arith.constant 0 : i32
      %dma_start3A_1141 = arith.constant 0 : i32
      %dma_start3A_1142 = tpu.memref_slice %arg10[%dma_start3A_1140, %dma_start3A_1141] : memref<10016x128xf32, #tpu.memory_space<vmem_shared>> -> memref<10016x128xf32, #tpu.memory_space<vmem_shared>>
      tpu.enqueue_indirect_dma source(%dma_start3A_1136 : memref<80x128xf32, #tpu.memory_space<vmem>>) target(%dma_start3A_1142 : memref<10016x128xf32, #tpu.memory_space<vmem_shared>>) offsets(%dma_start3A_1139 : memref<80xi32, #tpu.memory_space<vmem>>) semaphore(%arg18 : memref<!tpu.dma_semaphore, #tpu.memory_space<semaphore_mem>>) {add = true}
      %dma_wait3A_1143 = arith.constant 1 : i32
      %dma_wait3A_1144 = arith.constant 4 : i32
      %dma_wait3A_1145 = arith.constant 0 : i32
      %dma_wait3A_1146 = arith.constant 0 : i32
      %dma_wait3A_1147 = tpu.memref_slice %arg9[%dma_wait3A_1143, %dma_wait3A_1145, %dma_wait3A_1146] : memref<3x80x128xf32, #tpu.memory_space<vmem>> -> memref<1x80x128xf32, #tpu.memory_space<vmem>>
      %dma_wait3A_1148 = tpu.memref_squeeze %dma_wait3A_1147 : memref<1x80x128xf32, #tpu.memory_space<vmem>> -> memref<80x128xf32, #tpu.memory_space<vmem>>
      %dma_wait3A_1149 = arith.constant 0 : i32
      %dma_wait3A_1150 = tpu.memref_slice %arg8[%dma_wait3A_1144, %dma_wait3A_1149] : memref<6x80xi32, #tpu.memory_space<vmem>> -> memref<1x80xi32, #tpu.memory_space<vmem>>
      %dma_wait3A_1151 = tpu.memref_squeeze %dma_wait3A_1150 : memref<1x80xi32, #tpu.memory_space<vmem>> -> memref<80xi32, #tpu.memory_space<vmem>>
      %dma_wait3A_1152 = arith.constant 0 : i32
      %dma_wait3A_1153 = arith.constant 0 : i32
      %dma_wait3A_1154 = tpu.memref_slice %arg10[%dma_wait3A_1152, %dma_wait3A_1153] : memref<10016x128xf32, #tpu.memory_space<vmem_shared>> -> memref<10016x128xf32, #tpu.memory_space<vmem_shared>>
      tpu.wait_indirect_dma semaphore(%arg17 : memref<!tpu.dma_semaphore, #tpu.memory_space<semaphore_mem>>) src(%dma_wait3A_1148 : memref<80x128xf32, #tpu.memory_space<vmem>>) dst(%dma_wait3A_1154 : memref<10016x128xf32, #tpu.memory_space<vmem_shared>>)
      %add3A_1155 = arith.constant 4 : i32
      %add3A_1156 = arith.addi %add3A_1110, %add3A_1155 : i32
      %mul3A_1157 = arith.constant 80 : i32
      %mul3A_1158 = arith.muli %add3A_1156, %mul3A_1157 : i32
      %add3A_1159 = arith.addi %mul3A_2, %mul3A_1158 : i32
      %dma_start3A_1160 = arith.constant 3 : i32
      %dma_start3A_1161 = arith.constant 0 : i32
      %dma_start3A_1162 = tpu.memref_slice %arg8[%dma_start3A_1160, %dma_start3A_1161] : memref<6x80xi32, #tpu.memory_space<vmem>> -> memref<1x80xi32, #tpu.memory_space<vmem>>
      %dma_start3A_1163 = tpu.memref_squeeze %dma_start3A_1162 : memref<1x80xi32, #tpu.memory_space<vmem>> -> memref<80xi32, #tpu.memory_space<vmem>>
      %dma_start3A_1164 = tpu.memref_slice %arg4[%add3A_1159] : memref<320000xi32, #tpu.memory_space<hbm>> -> memref<80xi32, #tpu.memory_space<hbm>>
      %dma_start3A_1165 = arith.constant 0 : i32
      %dma_start3A_1166 = tpu.memref_slice %arg8[%dma_start3A_1160, %dma_start3A_1165] : memref<6x80xi32, #tpu.memory_space<vmem>> -> memref<1x80xi32, #tpu.memory_space<vmem>>
      %dma_start3A_1167 = tpu.memref_squeeze %dma_start3A_1166 : memref<1x80xi32, #tpu.memory_space<vmem>> -> memref<80xi32, #tpu.memory_space<vmem>>
      %dma_start3A_1168 = tpu.memref_slice %arg4[%add3A_1159] : memref<320000xi32, #tpu.memory_space<hbm>> -> memref<80xi32, #tpu.memory_space<hbm>>
      tpu.enqueue_dma source(%dma_start3A_1168 : memref<80xi32, #tpu.memory_space<hbm>>) target(%dma_start3A_1167 : memref<80xi32, #tpu.memory_space<vmem>>) target_semaphore(%arg12 : memref<!tpu.dma_semaphore, #tpu.memory_space<semaphore_mem>>)
      %add3A_1169 = arith.constant 2 : i32
      %add3A_1170 = arith.addi %add3A_1110, %add3A_1169 : i32
      %mul3A_1171 = arith.constant 80 : i32
      %mul3A_1172 = arith.muli %add3A_1170, %mul3A_1171 : i32
      %dma_start3A_1173 = arith.constant 1 : i32
      %dma_start3A_1174 = arith.constant 0 : i32
      %dma_start3A_1175 = arith.constant 0 : i32
      %dma_start3A_1176 = tpu.memref_slice %arg9[%dma_start3A_1173, %dma_start3A_1174, %dma_start3A_1175] : memref<3x80x128xf32, #tpu.memory_space<vmem>> -> memref<1x80x128xf32, #tpu.memory_space<vmem>>
      %dma_start3A_1177 = tpu.memref_squeeze %dma_start3A_1176 : memref<1x80x128xf32, #tpu.memory_space<vmem>> -> memref<80x128xf32, #tpu.memory_space<vmem>>
      %dma_start3A_1178 = tpu.memref_slice %arg7[%mul3A_1172] : memref<10000xi32, #tpu.memory_space<vmem>> -> memref<80xi32, #tpu.memory_space<vmem>>
      %dma_start3A_1179 = arith.constant 0 : i32
      %dma_start3A_1180 = arith.constant 0 : i32
      %dma_start3A_1181 = tpu.memref_slice %arg2[%dma_start3A_1179, %dma_start3A_1180] : memref<50000x128xf32, #tpu.memory_space<hbm>> -> memref<50000x128xf32, #tpu.memory_space<hbm>>
      tpu.enqueue_indirect_dma source(%dma_start3A_1181 : memref<50000x128xf32, #tpu.memory_space<hbm>>) target(%dma_start3A_1177 : memref<80x128xf32, #tpu.memory_space<vmem>>) offsets(%dma_start3A_1178 : memref<80xi32, #tpu.memory_space<vmem>>) semaphore(%arg14 : memref<!tpu.dma_semaphore, #tpu.memory_space<semaphore_mem>>)
    }
    %scan3A_451 = arith.constant 19 : i32
    %dma_wait3A_452 = arith.constant 0 : i32
    %dma_wait3A_453 = arith.constant 0 : i32
    %dma_wait3A_454 = arith.constant 0 : i32
    %dma_wait3A_455 = tpu.memref_slice %arg9[%dma_wait3A_452, %dma_wait3A_453, %dma_wait3A_454] : memref<3x80x128xf32, #tpu.memory_space<vmem>> -> memref<1x80x128xf32, #tpu.memory_space<vmem>>
    %dma_wait3A_456 = tpu.memref_squeeze %dma_wait3A_455 : memref<1x80x128xf32, #tpu.memory_space<vmem>> -> memref<80x128xf32, #tpu.memory_space<vmem>>
    %dma_wait3A_457 = arith.constant 9600 : i32
    %dma_wait3A_458 = tpu.memref_slice %arg7[%dma_wait3A_457] : memref<10000xi32, #tpu.memory_space<vmem>> -> memref<80xi32, #tpu.memory_space<vmem>>
    %dma_wait3A_459 = arith.constant 0 : i32
    %dma_wait3A_460 = arith.constant 0 : i32
    %dma_wait3A_461 = tpu.memref_slice %arg2[%dma_wait3A_459, %dma_wait3A_460] : memref<50000x128xf32, #tpu.memory_space<hbm>> -> memref<50000x128xf32, #tpu.memory_space<hbm>>
    tpu.wait_indirect_dma semaphore(%arg13 : memref<!tpu.dma_semaphore, #tpu.memory_space<semaphore_mem>>) src(%dma_wait3A_461 : memref<50000x128xf32, #tpu.memory_space<hbm>>) dst(%dma_wait3A_456 : memref<80x128xf32, #tpu.memory_space<vmem>>)
    %dma_wait3A_462 = arith.constant 0 : i32
    %dma_wait3A_463 = arith.constant 0 : i32
    %dma_wait3A_464 = tpu.memref_slice %arg8[%dma_wait3A_462, %dma_wait3A_463] : memref<6x80xi32, #tpu.memory_space<vmem>> -> memref<1x80xi32, #tpu.memory_space<vmem>>
    %dma_wait3A_465 = tpu.memref_squeeze %dma_wait3A_464 : memref<1x80xi32, #tpu.memory_space<vmem>> -> memref<80xi32, #tpu.memory_space<vmem>>
    %dma_wait3A_466 = tpu.memref_slice %arg4[%mul3A_2] : memref<320000xi32, #tpu.memory_space<hbm>> -> memref<80xi32, #tpu.memory_space<hbm>>
    %dma_wait3A_467 = arith.constant 0 : i32
    %dma_wait3A_468 = tpu.memref_slice %arg8[%dma_wait3A_462, %dma_wait3A_467] : memref<6x80xi32, #tpu.memory_space<vmem>> -> memref<1x80xi32, #tpu.memory_space<vmem>>
    %dma_wait3A_469 = tpu.memref_squeeze %dma_wait3A_468 : memref<1x80xi32, #tpu.memory_space<vmem>> -> memref<80xi32, #tpu.memory_space<vmem>>
    %dma_wait3A_470 = tpu.memref_slice %arg4[%mul3A_2] : memref<320000xi32, #tpu.memory_space<hbm>> -> memref<80xi32, #tpu.memory_space<hbm>>
    tpu.wait_dma2 semaphore(%arg12 : memref<!tpu.dma_semaphore, #tpu.memory_space<semaphore_mem>>) src(%dma_wait3A_470 : memref<80xi32, #tpu.memory_space<hbm>>) dst(%dma_wait3A_469 : memref<80xi32, #tpu.memory_space<vmem>>)
    %dma_start3A_471 = arith.constant 0 : i32
    %dma_start3A_472 = arith.constant 0 : i32
    %dma_start3A_473 = arith.constant 0 : i32
    %dma_start3A_474 = arith.constant 0 : i32
    %dma_start3A_475 = tpu.memref_slice %arg9[%dma_start3A_471, %dma_start3A_473, %dma_start3A_474] : memref<3x80x128xf32, #tpu.memory_space<vmem>> -> memref<1x80x128xf32, #tpu.memory_space<vmem>>
    %dma_start3A_476 = tpu.memref_squeeze %dma_start3A_475 : memref<1x80x128xf32, #tpu.memory_space<vmem>> -> memref<80x128xf32, #tpu.memory_space<vmem>>
    %dma_start3A_477 = arith.constant 0 : i32
    %dma_start3A_478 = tpu.memref_slice %arg8[%dma_start3A_472, %dma_start3A_477] : memref<6x80xi32, #tpu.memory_space<vmem>> -> memref<1x80xi32, #tpu.memory_space<vmem>>
    %dma_start3A_479 = tpu.memref_squeeze %dma_start3A_478 : memref<1x80xi32, #tpu.memory_space<vmem>> -> memref<80xi32, #tpu.memory_space<vmem>>
    %dma_start3A_480 = arith.constant 0 : i32
    %dma_start3A_481 = arith.constant 0 : i32
    %dma_start3A_482 = tpu.memref_slice %arg10[%dma_start3A_480, %dma_start3A_481] : memref<10016x128xf32, #tpu.memory_space<vmem_shared>> -> memref<10016x128xf32, #tpu.memory_space<vmem_shared>>
    tpu.enqueue_indirect_dma source(%dma_start3A_476 : memref<80x128xf32, #tpu.memory_space<vmem>>) target(%dma_start3A_482 : memref<10016x128xf32, #tpu.memory_space<vmem_shared>>) offsets(%dma_start3A_479 : memref<80xi32, #tpu.memory_space<vmem>>) semaphore(%arg16 : memref<!tpu.dma_semaphore, #tpu.memory_space<semaphore_mem>>) {add = true}
    %dma_wait3A_483 = arith.constant 2 : i32
    %dma_wait3A_484 = arith.constant 5 : i32
    %dma_wait3A_485 = arith.constant 0 : i32
    %dma_wait3A_486 = arith.constant 0 : i32
    %dma_wait3A_487 = tpu.memref_slice %arg9[%dma_wait3A_483, %dma_wait3A_485, %dma_wait3A_486] : memref<3x80x128xf32, #tpu.memory_space<vmem>> -> memref<1x80x128xf32, #tpu.memory_space<vmem>>
    %dma_wait3A_488 = tpu.memref_squeeze %dma_wait3A_487 : memref<1x80x128xf32, #tpu.memory_space<vmem>> -> memref<80x128xf32, #tpu.memory_space<vmem>>
    %dma_wait3A_489 = arith.constant 0 : i32
    %dma_wait3A_490 = tpu.memref_slice %arg8[%dma_wait3A_484, %dma_wait3A_489] : memref<6x80xi32, #tpu.memory_space<vmem>> -> memref<1x80xi32, #tpu.memory_space<vmem>>
    %dma_wait3A_491 = tpu.memref_squeeze %dma_wait3A_490 : memref<1x80xi32, #tpu.memory_space<vmem>> -> memref<80xi32, #tpu.memory_space<vmem>>
    %dma_wait3A_492 = arith.constant 0 : i32
    %dma_wait3A_493 = arith.constant 0 : i32
    %dma_wait3A_494 = tpu.memref_slice %arg10[%dma_wait3A_492, %dma_wait3A_493] : memref<10016x128xf32, #tpu.memory_space<vmem_shared>> -> memref<10016x128xf32, #tpu.memory_space<vmem_shared>>
    tpu.wait_indirect_dma semaphore(%arg18 : memref<!tpu.dma_semaphore, #tpu.memory_space<semaphore_mem>>) src(%dma_wait3A_488 : memref<80x128xf32, #tpu.memory_space<vmem>>) dst(%dma_wait3A_494 : memref<10016x128xf32, #tpu.memory_space<vmem_shared>>)
    %add3A_495 = arith.constant 9920 : i32
    %add3A_496 = arith.addi %mul3A_2, %add3A_495 : i32
    %dma_start3A_497 = arith.constant 4 : i32
    %dma_start3A_498 = arith.constant 0 : i32
    %dma_start3A_499 = tpu.memref_slice %arg8[%dma_start3A_497, %dma_start3A_498] : memref<6x80xi32, #tpu.memory_space<vmem>> -> memref<1x80xi32, #tpu.memory_space<vmem>>
    %dma_start3A_500 = tpu.memref_squeeze %dma_start3A_499 : memref<1x80xi32, #tpu.memory_space<vmem>> -> memref<80xi32, #tpu.memory_space<vmem>>
    %dma_start3A_501 = tpu.memref_slice %arg4[%add3A_496] : memref<320000xi32, #tpu.memory_space<hbm>> -> memref<80xi32, #tpu.memory_space<hbm>>
    %dma_start3A_502 = arith.constant 0 : i32
    %dma_start3A_503 = tpu.memref_slice %arg8[%dma_start3A_497, %dma_start3A_502] : memref<6x80xi32, #tpu.memory_space<vmem>> -> memref<1x80xi32, #tpu.memory_space<vmem>>
    %dma_start3A_504 = tpu.memref_squeeze %dma_start3A_503 : memref<1x80xi32, #tpu.memory_space<vmem>> -> memref<80xi32, #tpu.memory_space<vmem>>
    %dma_start3A_505 = tpu.memref_slice %arg4[%add3A_496] : memref<320000xi32, #tpu.memory_space<hbm>> -> memref<80xi32, #tpu.memory_space<hbm>>
    tpu.enqueue_dma source(%dma_start3A_505 : memref<80xi32, #tpu.memory_space<hbm>>) target(%dma_start3A_504 : memref<80xi32, #tpu.memory_space<vmem>>) target_semaphore(%arg12 : memref<!tpu.dma_semaphore, #tpu.memory_space<semaphore_mem>>)
    %dma_start3A_506 = arith.constant 2 : i32
    %dma_start3A_507 = arith.constant 0 : i32
    %dma_start3A_508 = arith.constant 0 : i32
    %dma_start3A_509 = tpu.memref_slice %arg9[%dma_start3A_506, %dma_start3A_507, %dma_start3A_508] : memref<3x80x128xf32, #tpu.memory_space<vmem>> -> memref<1x80x128xf32, #tpu.memory_space<vmem>>
    %dma_start3A_510 = tpu.memref_squeeze %dma_start3A_509 : memref<1x80x128xf32, #tpu.memory_space<vmem>> -> memref<80x128xf32, #tpu.memory_space<vmem>>
    %dma_start3A_511 = arith.constant 9760 : i32
    %dma_start3A_512 = tpu.memref_slice %arg7[%dma_start3A_511] : memref<10000xi32, #tpu.memory_space<vmem>> -> memref<80xi32, #tpu.memory_space<vmem>>
    %dma_start3A_513 = arith.constant 0 : i32
    %dma_start3A_514 = arith.constant 0 : i32
    %dma_start3A_515 = tpu.memref_slice %arg2[%dma_start3A_513, %dma_start3A_514] : memref<50000x128xf32, #tpu.memory_space<hbm>> -> memref<50000x128xf32, #tpu.memory_space<hbm>>
    tpu.enqueue_indirect_dma source(%dma_start3A_515 : memref<50000x128xf32, #tpu.memory_space<hbm>>) target(%dma_start3A_510 : memref<80x128xf32, #tpu.memory_space<vmem>>) offsets(%dma_start3A_512 : memref<80xi32, #tpu.memory_space<vmem>>) semaphore(%arg15 : memref<!tpu.dma_semaphore, #tpu.memory_space<semaphore_mem>>)
    %dma_wait3A_516 = arith.constant 1 : i32
    %dma_wait3A_517 = arith.constant 0 : i32
    %dma_wait3A_518 = arith.constant 0 : i32
    %dma_wait3A_519 = tpu.memref_slice %arg9[%dma_wait3A_516, %dma_wait3A_517, %dma_wait3A_518] : memref<3x80x128xf32, #tpu.memory_space<vmem>> -> memref<1x80x128xf32, #tpu.memory_space<vmem>>
    %dma_wait3A_520 = tpu.memref_squeeze %dma_wait3A_519 : memref<1x80x128xf32, #tpu.memory_space<vmem>> -> memref<80x128xf32, #tpu.memory_space<vmem>>
    %dma_wait3A_521 = arith.constant 9680 : i32
    %dma_wait3A_522 = tpu.memref_slice %arg7[%dma_wait3A_521] : memref<10000xi32, #tpu.memory_space<vmem>> -> memref<80xi32, #tpu.memory_space<vmem>>
    %dma_wait3A_523 = arith.constant 0 : i32
    %dma_wait3A_524 = arith.constant 0 : i32
    %dma_wait3A_525 = tpu.memref_slice %arg2[%dma_wait3A_523, %dma_wait3A_524] : memref<50000x128xf32, #tpu.memory_space<hbm>> -> memref<50000x128xf32, #tpu.memory_space<hbm>>
    tpu.wait_indirect_dma semaphore(%arg14 : memref<!tpu.dma_semaphore, #tpu.memory_space<semaphore_mem>>) src(%dma_wait3A_525 : memref<50000x128xf32, #tpu.memory_space<hbm>>) dst(%dma_wait3A_520 : memref<80x128xf32, #tpu.memory_space<vmem>>)
    %dma_wait3A_526 = arith.constant 0 : i32
    %dma_wait3A_527 = arith.constant 0 : i32
    %dma_wait3A_528 = tpu.memref_slice %arg8[%dma_wait3A_526, %dma_wait3A_527] : memref<6x80xi32, #tpu.memory_space<vmem>> -> memref<1x80xi32, #tpu.memory_space<vmem>>
    %dma_wait3A_529 = tpu.memref_squeeze %dma_wait3A_528 : memref<1x80xi32, #tpu.memory_space<vmem>> -> memref<80xi32, #tpu.memory_space<vmem>>
    %dma_wait3A_530 = tpu.memref_slice %arg4[%mul3A_2] : memref<320000xi32, #tpu.memory_space<hbm>> -> memref<80xi32, #tpu.memory_space<hbm>>
    %dma_wait3A_531 = arith.constant 0 : i32
    %dma_wait3A_532 = tpu.memref_slice %arg8[%dma_wait3A_526, %dma_wait3A_531] : memref<6x80xi32, #tpu.memory_space<vmem>> -> memref<1x80xi32, #tpu.memory_space<vmem>>
    %dma_wait3A_533 = tpu.memref_squeeze %dma_wait3A_532 : memref<1x80xi32, #tpu.memory_space<vmem>> -> memref<80xi32, #tpu.memory_space<vmem>>
    %dma_wait3A_534 = tpu.memref_slice %arg4[%mul3A_2] : memref<320000xi32, #tpu.memory_space<hbm>> -> memref<80xi32, #tpu.memory_space<hbm>>
    tpu.wait_dma2 semaphore(%arg12 : memref<!tpu.dma_semaphore, #tpu.memory_space<semaphore_mem>>) src(%dma_wait3A_534 : memref<80xi32, #tpu.memory_space<hbm>>) dst(%dma_wait3A_533 : memref<80xi32, #tpu.memory_space<vmem>>)
    %dma_start3A_535 = arith.constant 1 : i32
    %dma_start3A_536 = arith.constant 1 : i32
    %dma_start3A_537 = arith.constant 0 : i32
    %dma_start3A_538 = arith.constant 0 : i32
    %dma_start3A_539 = tpu.memref_slice %arg9[%dma_start3A_535, %dma_start3A_537, %dma_start3A_538] : memref<3x80x128xf32, #tpu.memory_space<vmem>> -> memref<1x80x128xf32, #tpu.memory_space<vmem>>
    %dma_start3A_540 = tpu.memref_squeeze %dma_start3A_539 : memref<1x80x128xf32, #tpu.memory_space<vmem>> -> memref<80x128xf32, #tpu.memory_space<vmem>>
    %dma_start3A_541 = arith.constant 0 : i32
    %dma_start3A_542 = tpu.memref_slice %arg8[%dma_start3A_536, %dma_start3A_541] : memref<6x80xi32, #tpu.memory_space<vmem>> -> memref<1x80xi32, #tpu.memory_space<vmem>>
    %dma_start3A_543 = tpu.memref_squeeze %dma_start3A_542 : memref<1x80xi32, #tpu.memory_space<vmem>> -> memref<80xi32, #tpu.memory_space<vmem>>
    %dma_start3A_544 = arith.constant 0 : i32
    %dma_start3A_545 = arith.constant 0 : i32
    %dma_start3A_546 = tpu.memref_slice %arg10[%dma_start3A_544, %dma_start3A_545] : memref<10016x128xf32, #tpu.memory_space<vmem_shared>> -> memref<10016x128xf32, #tpu.memory_space<vmem_shared>>
    tpu.enqueue_indirect_dma source(%dma_start3A_540 : memref<80x128xf32, #tpu.memory_space<vmem>>) target(%dma_start3A_546 : memref<10016x128xf32, #tpu.memory_space<vmem_shared>>) offsets(%dma_start3A_543 : memref<80xi32, #tpu.memory_space<vmem>>) semaphore(%arg17 : memref<!tpu.dma_semaphore, #tpu.memory_space<semaphore_mem>>) {add = true}
    %dma_wait3A_547 = arith.constant 0 : i32
    %dma_wait3A_548 = arith.constant 0 : i32
    %dma_wait3A_549 = arith.constant 0 : i32
    %dma_wait3A_550 = arith.constant 0 : i32
    %dma_wait3A_551 = tpu.memref_slice %arg9[%dma_wait3A_547, %dma_wait3A_549, %dma_wait3A_550] : memref<3x80x128xf32, #tpu.memory_space<vmem>> -> memref<1x80x128xf32, #tpu.memory_space<vmem>>
    %dma_wait3A_552 = tpu.memref_squeeze %dma_wait3A_551 : memref<1x80x128xf32, #tpu.memory_space<vmem>> -> memref<80x128xf32, #tpu.memory_space<vmem>>
    %dma_wait3A_553 = arith.constant 0 : i32
    %dma_wait3A_554 = tpu.memref_slice %arg8[%dma_wait3A_548, %dma_wait3A_553] : memref<6x80xi32, #tpu.memory_space<vmem>> -> memref<1x80xi32, #tpu.memory_space<vmem>>
    %dma_wait3A_555 = tpu.memref_squeeze %dma_wait3A_554 : memref<1x80xi32, #tpu.memory_space<vmem>> -> memref<80xi32, #tpu.memory_space<vmem>>
    %dma_wait3A_556 = arith.constant 0 : i32
    %dma_wait3A_557 = arith.constant 0 : i32
    %dma_wait3A_558 = tpu.memref_slice %arg10[%dma_wait3A_556, %dma_wait3A_557] : memref<10016x128xf32, #tpu.memory_space<vmem_shared>> -> memref<10016x128xf32, #tpu.memory_space<vmem_shared>>
    tpu.wait_indirect_dma semaphore(%arg16 : memref<!tpu.dma_semaphore, #tpu.memory_space<semaphore_mem>>) src(%dma_wait3A_552 : memref<80x128xf32, #tpu.memory_space<vmem>>) dst(%dma_wait3A_558 : memref<10016x128xf32, #tpu.memory_space<vmem_shared>>)
    %dma_start3A_559 = arith.constant 0 : i32
    %dma_start3A_560 = arith.constant 0 : i32
    %dma_start3A_561 = arith.constant 0 : i32
    %dma_start3A_562 = tpu.memref_slice %arg9[%dma_start3A_559, %dma_start3A_560, %dma_start3A_561] : memref<3x80x128xf32, #tpu.memory_space<vmem>> -> memref<1x80x128xf32, #tpu.memory_space<vmem>>
    %dma_start3A_563 = tpu.memref_squeeze %dma_start3A_562 : memref<1x80x128xf32, #tpu.memory_space<vmem>> -> memref<80x128xf32, #tpu.memory_space<vmem>>
    %dma_start3A_564 = arith.constant 9840 : i32
    %dma_start3A_565 = tpu.memref_slice %arg7[%dma_start3A_564] : memref<10000xi32, #tpu.memory_space<vmem>> -> memref<80xi32, #tpu.memory_space<vmem>>
    %dma_start3A_566 = arith.constant 0 : i32
    %dma_start3A_567 = arith.constant 0 : i32
    %dma_start3A_568 = tpu.memref_slice %arg2[%dma_start3A_566, %dma_start3A_567] : memref<50000x128xf32, #tpu.memory_space<hbm>> -> memref<50000x128xf32, #tpu.memory_space<hbm>>
    tpu.enqueue_indirect_dma source(%dma_start3A_568 : memref<50000x128xf32, #tpu.memory_space<hbm>>) target(%dma_start3A_563 : memref<80x128xf32, #tpu.memory_space<vmem>>) offsets(%dma_start3A_565 : memref<80xi32, #tpu.memory_space<vmem>>) semaphore(%arg13 : memref<!tpu.dma_semaphore, #tpu.memory_space<semaphore_mem>>)
    %dma_wait3A_569 = arith.constant 2 : i32
    %dma_wait3A_570 = arith.constant 0 : i32
    %dma_wait3A_571 = arith.constant 0 : i32
    %dma_wait3A_572 = tpu.memref_slice %arg9[%dma_wait3A_569, %dma_wait3A_570, %dma_wait3A_571] : memref<3x80x128xf32, #tpu.memory_space<vmem>> -> memref<1x80x128xf32, #tpu.memory_space<vmem>>
    %dma_wait3A_573 = tpu.memref_squeeze %dma_wait3A_572 : memref<1x80x128xf32, #tpu.memory_space<vmem>> -> memref<80x128xf32, #tpu.memory_space<vmem>>
    %dma_wait3A_574 = arith.constant 9760 : i32
    %dma_wait3A_575 = tpu.memref_slice %arg7[%dma_wait3A_574] : memref<10000xi32, #tpu.memory_space<vmem>> -> memref<80xi32, #tpu.memory_space<vmem>>
    %dma_wait3A_576 = arith.constant 0 : i32
    %dma_wait3A_577 = arith.constant 0 : i32
    %dma_wait3A_578 = tpu.memref_slice %arg2[%dma_wait3A_576, %dma_wait3A_577] : memref<50000x128xf32, #tpu.memory_space<hbm>> -> memref<50000x128xf32, #tpu.memory_space<hbm>>
    tpu.wait_indirect_dma semaphore(%arg15 : memref<!tpu.dma_semaphore, #tpu.memory_space<semaphore_mem>>) src(%dma_wait3A_578 : memref<50000x128xf32, #tpu.memory_space<hbm>>) dst(%dma_wait3A_573 : memref<80x128xf32, #tpu.memory_space<vmem>>)
    %dma_wait3A_579 = arith.constant 0 : i32
    %dma_wait3A_580 = arith.constant 0 : i32
    %dma_wait3A_581 = tpu.memref_slice %arg8[%dma_wait3A_579, %dma_wait3A_580] : memref<6x80xi32, #tpu.memory_space<vmem>> -> memref<1x80xi32, #tpu.memory_space<vmem>>
    %dma_wait3A_582 = tpu.memref_squeeze %dma_wait3A_581 : memref<1x80xi32, #tpu.memory_space<vmem>> -> memref<80xi32, #tpu.memory_space<vmem>>
    %dma_wait3A_583 = tpu.memref_slice %arg4[%mul3A_2] : memref<320000xi32, #tpu.memory_space<hbm>> -> memref<80xi32, #tpu.memory_space<hbm>>
    %dma_wait3A_584 = arith.constant 0 : i32
    %dma_wait3A_585 = tpu.memref_slice %arg8[%dma_wait3A_579, %dma_wait3A_584] : memref<6x80xi32, #tpu.memory_space<vmem>> -> memref<1x80xi32, #tpu.memory_space<vmem>>
    %dma_wait3A_586 = tpu.memref_squeeze %dma_wait3A_585 : memref<1x80xi32, #tpu.memory_space<vmem>> -> memref<80xi32, #tpu.memory_space<vmem>>
    %dma_wait3A_587 = tpu.memref_slice %arg4[%mul3A_2] : memref<320000xi32, #tpu.memory_space<hbm>> -> memref<80xi32, #tpu.memory_space<hbm>>
    tpu.wait_dma2 semaphore(%arg12 : memref<!tpu.dma_semaphore, #tpu.memory_space<semaphore_mem>>) src(%dma_wait3A_587 : memref<80xi32, #tpu.memory_space<hbm>>) dst(%dma_wait3A_586 : memref<80xi32, #tpu.memory_space<vmem>>)
    %dma_start3A_588 = arith.constant 2 : i32
    %dma_start3A_589 = arith.constant 2 : i32
    %dma_start3A_590 = arith.constant 0 : i32
    %dma_start3A_591 = arith.constant 0 : i32
    %dma_start3A_592 = tpu.memref_slice %arg9[%dma_start3A_588, %dma_start3A_590, %dma_start3A_591] : memref<3x80x128xf32, #tpu.memory_space<vmem>> -> memref<1x80x128xf32, #tpu.memory_space<vmem>>
    %dma_start3A_593 = tpu.memref_squeeze %dma_start3A_592 : memref<1x80x128xf32, #tpu.memory_space<vmem>> -> memref<80x128xf32, #tpu.memory_space<vmem>>
    %dma_start3A_594 = arith.constant 0 : i32
    %dma_start3A_595 = tpu.memref_slice %arg8[%dma_start3A_589, %dma_start3A_594] : memref<6x80xi32, #tpu.memory_space<vmem>> -> memref<1x80xi32, #tpu.memory_space<vmem>>
    %dma_start3A_596 = tpu.memref_squeeze %dma_start3A_595 : memref<1x80xi32, #tpu.memory_space<vmem>> -> memref<80xi32, #tpu.memory_space<vmem>>
    %dma_start3A_597 = arith.constant 0 : i32
    %dma_start3A_598 = arith.constant 0 : i32
    %dma_start3A_599 = tpu.memref_slice %arg10[%dma_start3A_597, %dma_start3A_598] : memref<10016x128xf32, #tpu.memory_space<vmem_shared>> -> memref<10016x128xf32, #tpu.memory_space<vmem_shared>>
    tpu.enqueue_indirect_dma source(%dma_start3A_593 : memref<80x128xf32, #tpu.memory_space<vmem>>) target(%dma_start3A_599 : memref<10016x128xf32, #tpu.memory_space<vmem_shared>>) offsets(%dma_start3A_596 : memref<80xi32, #tpu.memory_space<vmem>>) semaphore(%arg18 : memref<!tpu.dma_semaphore, #tpu.memory_space<semaphore_mem>>) {add = true}
    %dma_wait3A_600 = arith.constant 1 : i32
    %dma_wait3A_601 = arith.constant 1 : i32
    %dma_wait3A_602 = arith.constant 0 : i32
    %dma_wait3A_603 = arith.constant 0 : i32
    %dma_wait3A_604 = tpu.memref_slice %arg9[%dma_wait3A_600, %dma_wait3A_602, %dma_wait3A_603] : memref<3x80x128xf32, #tpu.memory_space<vmem>> -> memref<1x80x128xf32, #tpu.memory_space<vmem>>
    %dma_wait3A_605 = tpu.memref_squeeze %dma_wait3A_604 : memref<1x80x128xf32, #tpu.memory_space<vmem>> -> memref<80x128xf32, #tpu.memory_space<vmem>>
    %dma_wait3A_606 = arith.constant 0 : i32
    %dma_wait3A_607 = tpu.memref_slice %arg8[%dma_wait3A_601, %dma_wait3A_606] : memref<6x80xi32, #tpu.memory_space<vmem>> -> memref<1x80xi32, #tpu.memory_space<vmem>>
    %dma_wait3A_608 = tpu.memref_squeeze %dma_wait3A_607 : memref<1x80xi32, #tpu.memory_space<vmem>> -> memref<80xi32, #tpu.memory_space<vmem>>
    %dma_wait3A_609 = arith.constant 0 : i32
    %dma_wait3A_610 = arith.constant 0 : i32
    %dma_wait3A_611 = tpu.memref_slice %arg10[%dma_wait3A_609, %dma_wait3A_610] : memref<10016x128xf32, #tpu.memory_space<vmem_shared>> -> memref<10016x128xf32, #tpu.memory_space<vmem_shared>>
    tpu.wait_indirect_dma semaphore(%arg17 : memref<!tpu.dma_semaphore, #tpu.memory_space<semaphore_mem>>) src(%dma_wait3A_605 : memref<80x128xf32, #tpu.memory_space<vmem>>) dst(%dma_wait3A_611 : memref<10016x128xf32, #tpu.memory_space<vmem_shared>>)
    %dma_start3A_612 = arith.constant 1 : i32
    %dma_start3A_613 = arith.constant 0 : i32
    %dma_start3A_614 = arith.constant 0 : i32
    %dma_start3A_615 = tpu.memref_slice %arg9[%dma_start3A_612, %dma_start3A_613, %dma_start3A_614] : memref<3x80x128xf32, #tpu.memory_space<vmem>> -> memref<1x80x128xf32, #tpu.memory_space<vmem>>
    %dma_start3A_616 = tpu.memref_squeeze %dma_start3A_615 : memref<1x80x128xf32, #tpu.memory_space<vmem>> -> memref<80x128xf32, #tpu.memory_space<vmem>>
    %dma_start3A_617 = arith.constant 9920 : i32
    %dma_start3A_618 = tpu.memref_slice %arg7[%dma_start3A_617] : memref<10000xi32, #tpu.memory_space<vmem>> -> memref<80xi32, #tpu.memory_space<vmem>>
    %dma_start3A_619 = arith.constant 0 : i32
    %dma_start3A_620 = arith.constant 0 : i32
    %dma_start3A_621 = tpu.memref_slice %arg2[%dma_start3A_619, %dma_start3A_620] : memref<50000x128xf32, #tpu.memory_space<hbm>> -> memref<50000x128xf32, #tpu.memory_space<hbm>>
    tpu.enqueue_indirect_dma source(%dma_start3A_621 : memref<50000x128xf32, #tpu.memory_space<hbm>>) target(%dma_start3A_616 : memref<80x128xf32, #tpu.memory_space<vmem>>) offsets(%dma_start3A_618 : memref<80xi32, #tpu.memory_space<vmem>>) semaphore(%arg14 : memref<!tpu.dma_semaphore, #tpu.memory_space<semaphore_mem>>)
    %dma_wait3A_622 = arith.constant 0 : i32
    %dma_wait3A_623 = arith.constant 0 : i32
    %dma_wait3A_624 = arith.constant 0 : i32
    %dma_wait3A_625 = tpu.memref_slice %arg9[%dma_wait3A_622, %dma_wait3A_623, %dma_wait3A_624] : memref<3x80x128xf32, #tpu.memory_space<vmem>> -> memref<1x80x128xf32, #tpu.memory_space<vmem>>
    %dma_wait3A_626 = tpu.memref_squeeze %dma_wait3A_625 : memref<1x80x128xf32, #tpu.memory_space<vmem>> -> memref<80x128xf32, #tpu.memory_space<vmem>>
    %dma_wait3A_627 = arith.constant 9840 : i32
    %dma_wait3A_628 = tpu.memref_slice %arg7[%dma_wait3A_627] : memref<10000xi32, #tpu.memory_space<vmem>> -> memref<80xi32, #tpu.memory_space<vmem>>
    %dma_wait3A_629 = arith.constant 0 : i32
    %dma_wait3A_630 = arith.constant 0 : i32
    %dma_wait3A_631 = tpu.memref_slice %arg2[%dma_wait3A_629, %dma_wait3A_630] : memref<50000x128xf32, #tpu.memory_space<hbm>> -> memref<50000x128xf32, #tpu.memory_space<hbm>>
    tpu.wait_indirect_dma semaphore(%arg13 : memref<!tpu.dma_semaphore, #tpu.memory_space<semaphore_mem>>) src(%dma_wait3A_631 : memref<50000x128xf32, #tpu.memory_space<hbm>>) dst(%dma_wait3A_626 : memref<80x128xf32, #tpu.memory_space<vmem>>)
    %dma_wait3A_632 = arith.constant 0 : i32
    %dma_wait3A_633 = arith.constant 0 : i32
    %dma_wait3A_634 = tpu.memref_slice %arg8[%dma_wait3A_632, %dma_wait3A_633] : memref<6x80xi32, #tpu.memory_space<vmem>> -> memref<1x80xi32, #tpu.memory_space<vmem>>
    %dma_wait3A_635 = tpu.memref_squeeze %dma_wait3A_634 : memref<1x80xi32, #tpu.memory_space<vmem>> -> memref<80xi32, #tpu.memory_space<vmem>>
    %dma_wait3A_636 = tpu.memref_slice %arg4[%mul3A_2] : memref<320000xi32, #tpu.memory_space<hbm>> -> memref<80xi32, #tpu.memory_space<hbm>>
    %dma_wait3A_637 = arith.constant 0 : i32
    %dma_wait3A_638 = tpu.memref_slice %arg8[%dma_wait3A_632, %dma_wait3A_637] : memref<6x80xi32, #tpu.memory_space<vmem>> -> memref<1x80xi32, #tpu.memory_space<vmem>>
    %dma_wait3A_639 = tpu.memref_squeeze %dma_wait3A_638 : memref<1x80xi32, #tpu.memory_space<vmem>> -> memref<80xi32, #tpu.memory_space<vmem>>
    %dma_wait3A_640 = tpu.memref_slice %arg4[%mul3A_2] : memref<320000xi32, #tpu.memory_space<hbm>> -> memref<80xi32, #tpu.memory_space<hbm>>
    tpu.wait_dma2 semaphore(%arg12 : memref<!tpu.dma_semaphore, #tpu.memory_space<semaphore_mem>>) src(%dma_wait3A_640 : memref<80xi32, #tpu.memory_space<hbm>>) dst(%dma_wait3A_639 : memref<80xi32, #tpu.memory_space<vmem>>)
    %dma_start3A_641 = arith.constant 0 : i32
    %dma_start3A_642 = arith.constant 3 : i32
    %dma_start3A_643 = arith.constant 0 : i32
    %dma_start3A_644 = arith.constant 0 : i32
    %dma_start3A_645 = tpu.memref_slice %arg9[%dma_start3A_641, %dma_start3A_643, %dma_start3A_644] : memref<3x80x128xf32, #tpu.memory_space<vmem>> -> memref<1x80x128xf32, #tpu.memory_space<vmem>>
    %dma_start3A_646 = tpu.memref_squeeze %dma_start3A_645 : memref<1x80x128xf32, #tpu.memory_space<vmem>> -> memref<80x128xf32, #tpu.memory_space<vmem>>
    %dma_start3A_647 = arith.constant 0 : i32
    %dma_start3A_648 = tpu.memref_slice %arg8[%dma_start3A_642, %dma_start3A_647] : memref<6x80xi32, #tpu.memory_space<vmem>> -> memref<1x80xi32, #tpu.memory_space<vmem>>
    %dma_start3A_649 = tpu.memref_squeeze %dma_start3A_648 : memref<1x80xi32, #tpu.memory_space<vmem>> -> memref<80xi32, #tpu.memory_space<vmem>>
    %dma_start3A_650 = arith.constant 0 : i32
    %dma_start3A_651 = arith.constant 0 : i32
    %dma_start3A_652 = tpu.memref_slice %arg10[%dma_start3A_650, %dma_start3A_651] : memref<10016x128xf32, #tpu.memory_space<vmem_shared>> -> memref<10016x128xf32, #tpu.memory_space<vmem_shared>>
    tpu.enqueue_indirect_dma source(%dma_start3A_646 : memref<80x128xf32, #tpu.memory_space<vmem>>) target(%dma_start3A_652 : memref<10016x128xf32, #tpu.memory_space<vmem_shared>>) offsets(%dma_start3A_649 : memref<80xi32, #tpu.memory_space<vmem>>) semaphore(%arg16 : memref<!tpu.dma_semaphore, #tpu.memory_space<semaphore_mem>>) {add = true}
    %dma_wait3A_653 = arith.constant 2 : i32
    %dma_wait3A_654 = arith.constant 2 : i32
    %dma_wait3A_655 = arith.constant 0 : i32
    %dma_wait3A_656 = arith.constant 0 : i32
    %dma_wait3A_657 = tpu.memref_slice %arg9[%dma_wait3A_653, %dma_wait3A_655, %dma_wait3A_656] : memref<3x80x128xf32, #tpu.memory_space<vmem>> -> memref<1x80x128xf32, #tpu.memory_space<vmem>>
    %dma_wait3A_658 = tpu.memref_squeeze %dma_wait3A_657 : memref<1x80x128xf32, #tpu.memory_space<vmem>> -> memref<80x128xf32, #tpu.memory_space<vmem>>
    %dma_wait3A_659 = arith.constant 0 : i32
    %dma_wait3A_660 = tpu.memref_slice %arg8[%dma_wait3A_654, %dma_wait3A_659] : memref<6x80xi32, #tpu.memory_space<vmem>> -> memref<1x80xi32, #tpu.memory_space<vmem>>
    %dma_wait3A_661 = tpu.memref_squeeze %dma_wait3A_660 : memref<1x80xi32, #tpu.memory_space<vmem>> -> memref<80xi32, #tpu.memory_space<vmem>>
    %dma_wait3A_662 = arith.constant 0 : i32
    %dma_wait3A_663 = arith.constant 0 : i32
    %dma_wait3A_664 = tpu.memref_slice %arg10[%dma_wait3A_662, %dma_wait3A_663] : memref<10016x128xf32, #tpu.memory_space<vmem_shared>> -> memref<10016x128xf32, #tpu.memory_space<vmem_shared>>
    tpu.wait_indirect_dma semaphore(%arg18 : memref<!tpu.dma_semaphore, #tpu.memory_space<semaphore_mem>>) src(%dma_wait3A_658 : memref<80x128xf32, #tpu.memory_space<vmem>>) dst(%dma_wait3A_664 : memref<10016x128xf32, #tpu.memory_space<vmem_shared>>)
    %dma_wait3A_665 = arith.constant 1 : i32
    %dma_wait3A_666 = arith.constant 0 : i32
    %dma_wait3A_667 = arith.constant 0 : i32
    %dma_wait3A_668 = tpu.memref_slice %arg9[%dma_wait3A_665, %dma_wait3A_666, %dma_wait3A_667] : memref<3x80x128xf32, #tpu.memory_space<vmem>> -> memref<1x80x128xf32, #tpu.memory_space<vmem>>
    %dma_wait3A_669 = tpu.memref_squeeze %dma_wait3A_668 : memref<1x80x128xf32, #tpu.memory_space<vmem>> -> memref<80x128xf32, #tpu.memory_space<vmem>>
    %dma_wait3A_670 = arith.constant 9920 : i32
    %dma_wait3A_671 = tpu.memref_slice %arg7[%dma_wait3A_670] : memref<10000xi32, #tpu.memory_space<vmem>> -> memref<80xi32, #tpu.memory_space<vmem>>
    %dma_wait3A_672 = arith.constant 0 : i32
    %dma_wait3A_673 = arith.constant 0 : i32
    %dma_wait3A_674 = tpu.memref_slice %arg2[%dma_wait3A_672, %dma_wait3A_673] : memref<50000x128xf32, #tpu.memory_space<hbm>> -> memref<50000x128xf32, #tpu.memory_space<hbm>>
    tpu.wait_indirect_dma semaphore(%arg14 : memref<!tpu.dma_semaphore, #tpu.memory_space<semaphore_mem>>) src(%dma_wait3A_674 : memref<50000x128xf32, #tpu.memory_space<hbm>>) dst(%dma_wait3A_669 : memref<80x128xf32, #tpu.memory_space<vmem>>)
    %dma_wait3A_675 = arith.constant 0 : i32
    %dma_wait3A_676 = arith.constant 0 : i32
    %dma_wait3A_677 = tpu.memref_slice %arg8[%dma_wait3A_675, %dma_wait3A_676] : memref<6x80xi32, #tpu.memory_space<vmem>> -> memref<1x80xi32, #tpu.memory_space<vmem>>
    %dma_wait3A_678 = tpu.memref_squeeze %dma_wait3A_677 : memref<1x80xi32, #tpu.memory_space<vmem>> -> memref<80xi32, #tpu.memory_space<vmem>>
    %dma_wait3A_679 = tpu.memref_slice %arg4[%mul3A_2] : memref<320000xi32, #tpu.memory_space<hbm>> -> memref<80xi32, #tpu.memory_space<hbm>>
    %dma_wait3A_680 = arith.constant 0 : i32
    %dma_wait3A_681 = tpu.memref_slice %arg8[%dma_wait3A_675, %dma_wait3A_680] : memref<6x80xi32, #tpu.memory_space<vmem>> -> memref<1x80xi32, #tpu.memory_space<vmem>>
    %dma_wait3A_682 = tpu.memref_squeeze %dma_wait3A_681 : memref<1x80xi32, #tpu.memory_space<vmem>> -> memref<80xi32, #tpu.memory_space<vmem>>
    %dma_wait3A_683 = tpu.memref_slice %arg4[%mul3A_2] : memref<320000xi32, #tpu.memory_space<hbm>> -> memref<80xi32, #tpu.memory_space<hbm>>
    tpu.wait_dma2 semaphore(%arg12 : memref<!tpu.dma_semaphore, #tpu.memory_space<semaphore_mem>>) src(%dma_wait3A_683 : memref<80xi32, #tpu.memory_space<hbm>>) dst(%dma_wait3A_682 : memref<80xi32, #tpu.memory_space<vmem>>)
    %dma_start3A_684 = arith.constant 1 : i32
    %dma_start3A_685 = arith.constant 4 : i32
    %dma_start3A_686 = arith.constant 0 : i32
    %dma_start3A_687 = arith.constant 0 : i32
    %dma_start3A_688 = tpu.memref_slice %arg9[%dma_start3A_684, %dma_start3A_686, %dma_start3A_687] : memref<3x80x128xf32, #tpu.memory_space<vmem>> -> memref<1x80x128xf32, #tpu.memory_space<vmem>>
    %dma_start3A_689 = tpu.memref_squeeze %dma_start3A_688 : memref<1x80x128xf32, #tpu.memory_space<vmem>> -> memref<80x128xf32, #tpu.memory_space<vmem>>
    %dma_start3A_690 = arith.constant 0 : i32
    %dma_start3A_691 = tpu.memref_slice %arg8[%dma_start3A_685, %dma_start3A_690] : memref<6x80xi32, #tpu.memory_space<vmem>> -> memref<1x80xi32, #tpu.memory_space<vmem>>
    %dma_start3A_692 = tpu.memref_squeeze %dma_start3A_691 : memref<1x80xi32, #tpu.memory_space<vmem>> -> memref<80xi32, #tpu.memory_space<vmem>>
    %dma_start3A_693 = arith.constant 0 : i32
    %dma_start3A_694 = arith.constant 0 : i32
    %dma_start3A_695 = tpu.memref_slice %arg10[%dma_start3A_693, %dma_start3A_694] : memref<10016x128xf32, #tpu.memory_space<vmem_shared>> -> memref<10016x128xf32, #tpu.memory_space<vmem_shared>>
    tpu.enqueue_indirect_dma source(%dma_start3A_689 : memref<80x128xf32, #tpu.memory_space<vmem>>) target(%dma_start3A_695 : memref<10016x128xf32, #tpu.memory_space<vmem_shared>>) offsets(%dma_start3A_692 : memref<80xi32, #tpu.memory_space<vmem>>) semaphore(%arg17 : memref<!tpu.dma_semaphore, #tpu.memory_space<semaphore_mem>>) {add = true}
    %dma_wait3A_696 = arith.constant 0 : i32
    %dma_wait3A_697 = arith.constant 3 : i32
    %dma_wait3A_698 = arith.constant 0 : i32
    %dma_wait3A_699 = arith.constant 0 : i32
    %dma_wait3A_700 = tpu.memref_slice %arg9[%dma_wait3A_696, %dma_wait3A_698, %dma_wait3A_699] : memref<3x80x128xf32, #tpu.memory_space<vmem>> -> memref<1x80x128xf32, #tpu.memory_space<vmem>>
    %dma_wait3A_701 = tpu.memref_squeeze %dma_wait3A_700 : memref<1x80x128xf32, #tpu.memory_space<vmem>> -> memref<80x128xf32, #tpu.memory_space<vmem>>
    %dma_wait3A_702 = arith.constant 0 : i32
    %dma_wait3A_703 = tpu.memref_slice %arg8[%dma_wait3A_697, %dma_wait3A_702] : memref<6x80xi32, #tpu.memory_space<vmem>> -> memref<1x80xi32, #tpu.memory_space<vmem>>
    %dma_wait3A_704 = tpu.memref_squeeze %dma_wait3A_703 : memref<1x80xi32, #tpu.memory_space<vmem>> -> memref<80xi32, #tpu.memory_space<vmem>>
    %dma_wait3A_705 = arith.constant 0 : i32
    %dma_wait3A_706 = arith.constant 0 : i32
    %dma_wait3A_707 = tpu.memref_slice %arg10[%dma_wait3A_705, %dma_wait3A_706] : memref<10016x128xf32, #tpu.memory_space<vmem_shared>> -> memref<10016x128xf32, #tpu.memory_space<vmem_shared>>
    tpu.wait_indirect_dma semaphore(%arg16 : memref<!tpu.dma_semaphore, #tpu.memory_space<semaphore_mem>>) src(%dma_wait3A_701 : memref<80x128xf32, #tpu.memory_space<vmem>>) dst(%dma_wait3A_707 : memref<10016x128xf32, #tpu.memory_space<vmem_shared>>)
    %dma_wait3A_708 = arith.constant 1 : i32
    %dma_wait3A_709 = arith.constant 4 : i32
    %dma_wait3A_710 = arith.constant 0 : i32
    %dma_wait3A_711 = arith.constant 0 : i32
    %dma_wait3A_712 = tpu.memref_slice %arg9[%dma_wait3A_708, %dma_wait3A_710, %dma_wait3A_711] : memref<3x80x128xf32, #tpu.memory_space<vmem>> -> memref<1x80x128xf32, #tpu.memory_space<vmem>>
    %dma_wait3A_713 = tpu.memref_squeeze %dma_wait3A_712 : memref<1x80x128xf32, #tpu.memory_space<vmem>> -> memref<80x128xf32, #tpu.memory_space<vmem>>
    %dma_wait3A_714 = arith.constant 0 : i32
    %dma_wait3A_715 = tpu.memref_slice %arg8[%dma_wait3A_709, %dma_wait3A_714] : memref<6x80xi32, #tpu.memory_space<vmem>> -> memref<1x80xi32, #tpu.memory_space<vmem>>
    %dma_wait3A_716 = tpu.memref_squeeze %dma_wait3A_715 : memref<1x80xi32, #tpu.memory_space<vmem>> -> memref<80xi32, #tpu.memory_space<vmem>>
    %dma_wait3A_717 = arith.constant 0 : i32
    %dma_wait3A_718 = arith.constant 0 : i32
    %dma_wait3A_719 = tpu.memref_slice %arg10[%dma_wait3A_717, %dma_wait3A_718] : memref<10016x128xf32, #tpu.memory_space<vmem_shared>> -> memref<10016x128xf32, #tpu.memory_space<vmem_shared>>
    tpu.wait_indirect_dma semaphore(%arg17 : memref<!tpu.dma_semaphore, #tpu.memory_space<semaphore_mem>>) src(%dma_wait3A_713 : memref<80x128xf32, #tpu.memory_space<vmem>>) dst(%dma_wait3A_719 : memref<10016x128xf32, #tpu.memory_space<vmem_shared>>)
    %barrier3A_720 = arith.constant 0 : index
    tpu.barrier barrier_id(%barrier3A_720)
    %lt3A_721 = arith.constant 15 : i32
    %lt3A_722 = arith.cmpi slt, %arg1, %lt3A_721 : i32
    %convert_element_type3A_723 = arith.extui %lt3A_722 : i1 to i32
    %cond3A_724 = arith.constant 0 : i32
    %cond3A_725 = arith.cmpi ne, %convert_element_type3A_723, %cond3A_724 : i32
    scf.if %cond3A_725 {
      %mul3A_731 = arith.constant 624 : i32
      %mul3A_732 = arith.muli %arg1, %mul3A_731 : i32
      %mul3A_733 = arith.constant 624 : i32
      %mul3A_734 = arith.muli %arg1, %mul3A_733 : i32
      "tpu.region"() ({
        %run_scoped3A = tpu.sem_alloc : memref<!tpu.dma_semaphore, #tpu.memory_space<semaphore_mem>>
        %dma_start3A_735 = arith.constant 0 : i32
        %dma_start3A_736 = tpu.memref_slice %arg6[%arg0, %mul3A_734, %dma_start3A_735] : memref<2x10000x128xf32, #tpu.memory_space<hbm>> -> memref<1x624x128xf32, #tpu.memory_space<hbm>>
        %dma_start3A_737 = tpu.memref_squeeze %dma_start3A_736 : memref<1x624x128xf32, #tpu.memory_space<hbm>> -> memref<624x128xf32, #tpu.memory_space<hbm>>
        %dma_start3A_738 = arith.constant 0 : i32
        %dma_start3A_739 = tpu.memref_slice %arg10[%mul3A_732, %dma_start3A_738] : memref<10016x128xf32, #tpu.memory_space<vmem_shared>> -> memref<624x128xf32, #tpu.memory_space<vmem_shared>>
        tpu.enqueue_dma source(%dma_start3A_739 : memref<624x128xf32, #tpu.memory_space<vmem_shared>>) target(%dma_start3A_737 : memref<624x128xf32, #tpu.memory_space<hbm>>) target_semaphore(%run_scoped3A : memref<!tpu.dma_semaphore, #tpu.memory_space<semaphore_mem>>)
        %dma_wait3A_740 = arith.constant 0 : i32
        %dma_wait3A_741 = tpu.memref_slice %arg6[%arg0, %mul3A_734, %dma_wait3A_740] : memref<2x10000x128xf32, #tpu.memory_space<hbm>> -> memref<1x624x128xf32, #tpu.memory_space<hbm>>
        %dma_wait3A_742 = tpu.memref_squeeze %dma_wait3A_741 : memref<1x624x128xf32, #tpu.memory_space<hbm>> -> memref<624x128xf32, #tpu.memory_space<hbm>>
        %dma_wait3A_743 = arith.constant 0 : i32
        %dma_wait3A_744 = tpu.memref_slice %arg10[%mul3A_732, %dma_wait3A_743] : memref<10016x128xf32, #tpu.memory_space<vmem_shared>> -> memref<624x128xf32, #tpu.memory_space<vmem_shared>>
        tpu.wait_dma2 semaphore(%run_scoped3A : memref<!tpu.dma_semaphore, #tpu.memory_space<semaphore_mem>>) src(%dma_wait3A_744 : memref<624x128xf32, #tpu.memory_space<vmem_shared>>) dst(%dma_wait3A_742 : memref<624x128xf32, #tpu.memory_space<hbm>>)
        tpu.yield
      }) : () -> ()
    } else {
    }
    %eq3A_726 = arith.constant 15 : i32
    %eq3A_727 = arith.cmpi eq, %arg1, %eq3A_726 : i32
    %convert_element_type3A_728 = arith.extui %eq3A_727 : i1 to i32
    %cond3A_729 = arith.constant 0 : i32
    %cond3A_730 = arith.cmpi ne, %convert_element_type3A_728, %cond3A_729 : i32
    scf.if %cond3A_730 {
      "tpu.region"() ({
        %run_scoped3A = tpu.sem_alloc : memref<!tpu.dma_semaphore, #tpu.memory_space<semaphore_mem>>
        %dma_start3A_731 = arith.constant 9360 : i32
        %dma_start3A_732 = arith.constant 0 : i32
        %dma_start3A_733 = tpu.memref_slice %arg6[%arg0, %dma_start3A_731, %dma_start3A_732] : memref<2x10000x128xf32, #tpu.memory_space<hbm>> -> memref<1x640x128xf32, #tpu.memory_space<hbm>>
        %dma_start3A_734 = tpu.memref_squeeze %dma_start3A_733 : memref<1x640x128xf32, #tpu.memory_space<hbm>> -> memref<640x128xf32, #tpu.memory_space<hbm>>
        %dma_start3A_735 = arith.constant 9360 : i32
        %dma_start3A_736 = arith.constant 0 : i32
        %dma_start3A_737 = tpu.memref_slice %arg10[%dma_start3A_735, %dma_start3A_736] : memref<10016x128xf32, #tpu.memory_space<vmem_shared>> -> memref<640x128xf32, #tpu.memory_space<vmem_shared>>
        tpu.enqueue_dma source(%dma_start3A_737 : memref<640x128xf32, #tpu.memory_space<vmem_shared>>) target(%dma_start3A_734 : memref<640x128xf32, #tpu.memory_space<hbm>>) target_semaphore(%run_scoped3A : memref<!tpu.dma_semaphore, #tpu.memory_space<semaphore_mem>>)
        %dma_wait3A_738 = arith.constant 9360 : i32
        %dma_wait3A_739 = arith.constant 0 : i32
        %dma_wait3A_740 = tpu.memref_slice %arg6[%arg0, %dma_wait3A_738, %dma_wait3A_739] : memref<2x10000x128xf32, #tpu.memory_space<hbm>> -> memref<1x640x128xf32, #tpu.memory_space<hbm>>
        %dma_wait3A_741 = tpu.memref_squeeze %dma_wait3A_740 : memref<1x640x128xf32, #tpu.memory_space<hbm>> -> memref<640x128xf32, #tpu.memory_space<hbm>>
        %dma_wait3A_742 = arith.constant 9360 : i32
        %dma_wait3A_743 = arith.constant 0 : i32
        %dma_wait3A_744 = tpu.memref_slice %arg10[%dma_wait3A_742, %dma_wait3A_743] : memref<10016x128xf32, #tpu.memory_space<vmem_shared>> -> memref<640x128xf32, #tpu.memory_space<vmem_shared>>
        tpu.wait_dma2 semaphore(%run_scoped3A : memref<!tpu.dma_semaphore, #tpu.memory_space<semaphore_mem>>) src(%dma_wait3A_744 : memref<640x128xf32, #tpu.memory_space<vmem_shared>>) dst(%dma_wait3A_741 : memref<640x128xf32, #tpu.memory_space<hbm>>)
        tpu.yield
      }) : () -> ()
    } else {
    }
    return
  }
}

module attributes {stable_mosaic.version = 14 : i64} {
  func.func @_gemm_gid_body(%arg0: i32, %arg1: i32, %arg2: memref<10000x128xf32, #tpu.memory_space<vmem>>, %arg3: memref<1x128x128xf32, #tpu.memory_space<vmem>>, %arg4: memref<320000xi32, #tpu.memory_space<vmem>>, %arg5: memref<320000xi32, #tpu.memory_space<vmem>>, %arg6: memref<10000x128xf32, #tpu.memory_space<vmem>>, %arg7: memref<320000xi32, #tpu.memory_space<vmem>>) attributes {dimension_semantics = [#tpu.dimension_semantics<arbitrary>, #tpu.dimension_semantics<arbitrary>], iteration_bounds = array<i64: 1, 5>, scalar_prefetch = 0 : i64, scratch_operands = 0 : i64, tpu.core_type = #tpu.core_type<tc>, window_params = [{transform_indices = @transform_0, window_bounds = array<i64: 10000, 128>}, {transform_indices = @transform_1, window_bounds = array<i64: 1, 128, 128>}, {pipeline_mode = #tpu.pipeline_mode<synchronous>, transform_indices = @transform_2, window_bounds = array<i64: 320000>}, {pipeline_mode = #tpu.pipeline_mode<synchronous>, transform_indices = @transform_3, window_bounds = array<i64: 320000>}, {transform_indices = @transform_4, window_bounds = array<i64: 10000, 128>}, {pipeline_mode = #tpu.pipeline_mode<synchronous>, transform_indices = @transform_5, window_bounds = array<i64: 320000>}]} {
    %get3A = arith.constant 0 : index
    %get3A_0 = arith.constant 0 : index
    %get3A_1 = vector.load %arg2[%get3A, %get3A_0] : memref<10000x128xf32, #tpu.memory_space<vmem>>, vector<10000x128xf32>
    %get3A_2 = arith.constant 0 : index
    %get3A_3 = arith.constant 0 : index
    %get3A_4 = arith.constant 0 : index
    %get3A_5 = vector.load %arg3[%get3A_2, %get3A_3, %get3A_4] : memref<1x128x128xf32, #tpu.memory_space<vmem>>, vector<1x128x128xf32>
    %get3A_6 = vector.shape_cast %get3A_5 : vector<1x128x128xf32> to vector<128x128xf32>
    %dot_general3A = arith.constant dense<0.000000e+00> : vector<10000x128xf32>
    %dot_general3A_7 = tpu.matmul %get3A_1, %get3A_6, %dot_general3A {dimension_numbers = #tpu.dot_dimension_numbers<[1], [0], [0], [1], [0, 0, 1, 1], [], []>, transpose_lhs_hint = false} : vector<10000x128xf32>, vector<128x128xf32>, vector<10000x128xf32> -> vector<10000x128xf32>
    %swap3A = arith.constant 0 : index
    %swap3A_8 = arith.constant 0 : index
    %swap3A_9 = vector.load %arg6[%swap3A, %swap3A_8] : memref<10000x128xf32, #tpu.memory_space<vmem>>, vector<10000x128xf32>
    tpu.vector_store %arg6[%swap3A, %swap3A_8], %dot_general3A_7 {strides = array<i32>} : memref<10000x128xf32, #tpu.memory_space<vmem>>, vector<10000x128xf32>,
    %eq3A = arith.constant 0 : i32
    %eq3A_10 = arith.cmpi eq, %arg0, %eq3A : i32
    %eq3A_11 = arith.constant 0 : i32
    %eq3A_12 = arith.cmpi eq, %arg1, %eq3A_11 : i32
    %and3A = arith.andi %eq3A_10, %eq3A_12 : i1
    %convert_element_type3A = arith.extui %and3A : i1 to i32
    %cond3A = arith.constant 0 : i32
    %cond3A_13 = arith.cmpi ne, %convert_element_type3A, %cond3A : i32
    scf.if %cond3A_13 {
      %get3A_14 = arith.constant 0 : index
      %get3A_15 = vector.load %arg5[%get3A_14] : memref<320000xi32, #tpu.memory_space<vmem>>, vector<320000xi32>
      %mul3A = arith.constant 10000 : i32
      %mul3A_16 = vector.broadcast %mul3A : i32 to vector<320000xi32>
      %mul3A_17 = arith.muli %get3A_15, %mul3A_16 : vector<320000xi32>
      %get3A_18 = arith.constant 0 : index
      %get3A_19 = vector.load %arg4[%get3A_18] : memref<320000xi32, #tpu.memory_space<vmem>>, vector<320000xi32>
      %add3A = arith.addi %mul3A_17, %get3A_19 : vector<320000xi32>
      %swap3A_20 = arith.constant 0 : index
      %swap3A_21 = vector.load %arg7[%swap3A_20] : memref<320000xi32, #tpu.memory_space<vmem>>, vector<320000xi32>
      tpu.vector_store %arg7[%swap3A_20], %add3A {strides = array<i32>} : memref<320000xi32, #tpu.memory_space<vmem>>, vector<320000xi32>,
    } else {
    }
    return
  }
  func.func @transform_0(%arg0: i32, %arg1: i32) -> (i32, i32) {
    %c0_i32 = arith.constant 0 : i32
    %c0_i32_0 = arith.constant 0 : i32
    return %arg0, %c0_i32 : i32, i32
  }
  func.func @transform_1(%arg0: i32, %arg1: i32) -> (i32, i32, i32) {
    %c0_i32 = arith.constant 0 : i32
    %c0_i32_0 = arith.constant 0 : i32
    %c0_i32_1 = arith.constant 0 : i32
    return %arg1, %c0_i32, %c0_i32_0 : i32, i32, i32
  }
  func.func @transform_2(%arg0: i32, %arg1: i32) -> i32 {
    %c0_i32 = arith.constant 0 : i32
    %c0_i32_0 = arith.constant 0 : i32
    return %c0_i32 : i32
  }
  func.func @transform_3(%arg0: i32, %arg1: i32) -> i32 {
    %c0_i32 = arith.constant 0 : i32
    %c0_i32_0 = arith.constant 0 : i32
    return %c0_i32 : i32
  }
  func.func @transform_4(%arg0: i32, %arg1: i32) -> (i32, i32) {
    %mul3A = arith.constant 1 : i32
    %mul3A_0 = arith.muli %arg1, %mul3A : i32
    %add3A = arith.addi %mul3A_0, %arg0 : i32
    %c0_i32 = arith.constant 0 : i32
    %c0_i32_1 = arith.constant 0 : i32
    return %add3A, %c0_i32 : i32, i32
  }
  func.func @transform_5(%arg0: i32, %arg1: i32) -> i32 {
    %c0_i32 = arith.constant 0 : i32
    %c0_i32_0 = arith.constant 0 : i32
    return %c0_i32 : i32
  }
}

module attributes {stable_mosaic.version = 14 : i64} {
  func.func @_add_body(%arg0: i32, %arg1: memref<2x2000x128xf32, #tpu.memory_space<vmem>>, %arg2: memref<2000x128xf32, #tpu.memory_space<vmem>>) attributes {dimension_semantics = [#tpu.dimension_semantics<arbitrary>], iteration_bounds = array<i64: 5>, scalar_prefetch = 0 : i64, scratch_operands = 0 : i64, tpu.core_type = #tpu.core_type<tc>, window_params = [{transform_indices = @transform_0, window_bounds = array<i64: 2, 2000, 128>}, {transform_indices = @transform_1, window_bounds = array<i64: 2000, 128>}]} {
    %get3A = arith.constant 0 : index
    %get3A_0 = arith.constant 0 : index
    %get3A_1 = arith.constant 0 : index
    %get3A_2 = vector.load %arg1[%get3A, %get3A_0, %get3A_1] : memref<2x2000x128xf32, #tpu.memory_space<vmem>>, vector<1x2000x128xf32>
    %get3A_3 = vector.shape_cast %get3A_2 : vector<1x2000x128xf32> to vector<2000x128xf32>
    %get3A_4 = arith.constant 1 : index
    %get3A_5 = arith.constant 0 : index
    %get3A_6 = arith.constant 0 : index
    %get3A_7 = vector.load %arg1[%get3A_4, %get3A_5, %get3A_6] : memref<2x2000x128xf32, #tpu.memory_space<vmem>>, vector<1x2000x128xf32>
    %get3A_8 = vector.shape_cast %get3A_7 : vector<1x2000x128xf32> to vector<2000x128xf32>
    %add3A = arith.addf %get3A_3, %get3A_8 : vector<2000x128xf32>
    %swap3A = arith.constant 0 : index
    %swap3A_9 = arith.constant 0 : index
    %swap3A_10 = vector.load %arg2[%swap3A, %swap3A_9] : memref<2000x128xf32, #tpu.memory_space<vmem>>, vector<2000x128xf32>
    tpu.vector_store %arg2[%swap3A, %swap3A_9], %add3A {strides = array<i32>} : memref<2000x128xf32, #tpu.memory_space<vmem>>, vector<2000x128xf32>,
    return
  }
  func.func @transform_0(%arg0: i32) -> (i32, i32, i32) {
    %c0_i32 = arith.constant 0 : i32
    %c0_i32_0 = arith.constant 0 : i32
    %c0_i32_1 = arith.constant 0 : i32
    return %c0_i32, %arg0, %c0_i32_0 : i32, i32, i32
  }
  func.func @transform_1(%arg0: i32) -> (i32, i32) {
    %c0_i32 = arith.constant 0 : i32
    %c0_i32_0 = arith.constant 0 : i32
    return %arg0, %c0_i32 : i32, i32
  }
}

</mosaic_0001>

<sc_bundles>
// kernel: kernel.5.cloned.1.call-start
scs
__scs_entry_jumppad:
0x0: {  	(pc) =	sbr.rel $0x88, $3  }
0x1: {  	(tag) =	ssettag $0x0;
	lr =	simm.s32 $0x1  }
0x2: {  	[smem:$0x3F9D] =	sst lr;
	_ =	strace $0xD0000000  }
0x3: {  	_ = 	snop  }
0x4: {  	_ = 	snop  }
0x5: {  	_ = 	snop  }
0x6: {  	_ = 	snop  }
0x7: {  	_ = 	snop  }
__scs_overlays_trampoline_lowered:
0x8: {  	[smem:$0x3FAC] =	sst s0  }
0x9: {  	[smem:$0x3FAD] =	sst s1  }
0xa: {  	[smem:$0x3FAE] =	sst s2  }
0xb: {  	[smem:$0x3FAF] =	sst s3  }
0xc: {  	[smem:$0x3FB0] =	sst s4  }
0xd: {  	[smem:$0x3FB1] =	sst s5  }
0xe: {  	[smem:$0x3FB2] =	sst s6  }
0xf: {  	[smem:$0x3FB3] =	sst s7  }
0x10: {  	[smem:$0x3FB4] =	sst s8  }
0x11: {  	[smem:$0x3FB5] =	sst s9;
	s0 =	simm.s32 @!p0 $0x0  }
0x12: {  	s1 =	sld [smem:$0x3F9B];
	s0 =	simm.s32 @p0 $0x1  }
0x13: {  	[smem:$0x3FB6] =	sst s0;
	s0 =	simm.s32 @!p1 $0x0  }
0x14: {  	s2 =	sld [smem:$0x3F9A];
	s0 =	simm.s32 @p1 $0x1  }
0x15: {  	[smem:$0x3FB7] =	sst s0;
	s0 =	simm.s32 @!p2 $0x0  }
0x16: {  	s3 =	sld [smem:$0x3FDB];
	s0 =	simm.s32 @p2 $0x1  }
0x17: {  	s4 =	simm.s32 $0x1BF5;
	[smem:$0x3FB9] =	sst s0  }
0x18: {  	s0 =	sld [smem:$0x3F9C];
	_ =	swait.ge [sflag:s4], $0x0  }
0x19: {  	s7 =	sld [smem:$0x3F9D]  }
0x1a: {  	s8 =	sadd.s32 $0xFFFFE003, lr  }
0x1b: {  	s9 =	sadd.s32 $0xFFFFFEF7, lr;
	s5 =	simm.s32 $0xFFFFFFFF;
	p2 =	slt.u32 s8, $0xFFFFF086  }
0x1c: {  	p1 =	slt.u32 s9, $0xF7A;
	s5 =	simm.s32 @!p2 $0x0  }
0x1d: {  	s5 =	simm.s32 @p1 $0x1;
	p0 =	seq.s32 s7, s2  }
0x1e: {  	s7 =	smul.u32 @!p0 $0xF7A, s2;
	p2 =	seq.s32 @!p0 s5, $0x0  }
0x1f: {  	s9 =	smul.u32 $0xF7A, s1;
	s8 =	simm.s32 @!p0 $0x1BF5;
	p2 =	por !p2, p0  }
0x20: {  	[sflag:s8] =	ssyncset.s32 @!p0 $0xFFFFF086;
	s6 =	sadd.s32 @!p0 s3, s7;
	s7 =	simm.s32 @!p0 $0x108  }
0x21: {  	s3 =	sadd.s32 s3, s9;
	s6 =	sadd.s32 @!p0 $0x88, s6;
	s7 =	simm.s32 @p2 $0x1082  }
0x22: {  	[simem:s7], [sflag:s8] =	dma.local @!p0 [hbm:s6], $0xF7A  }
0x23: {  	s9 =	sor.u32 $0xD0000000, s2;
	s6 =	simm.s32 $0x108;
	_ =	swait.ge @!p0 [sflag:s8], $0x0  }
0x24: {  	s3 =	sadd.s32 $0x88, s3;
	s6 =	simm.s32 @!p1 $0x1082;
	[sflag:s4] =	ssyncset.s32 $0xFFFFF086  }
0x25: {  	[simem:s6], [sflag:s4] =	dma.local [hbm:s3], $0xF7A  }
0x26: {  	[smem:$0x3F9D] =	sst s1;
	(tag) =	ssettag s2;
	_ =	strace s9  }
0x27: {  	s1 =	sld [smem:$0x3FAD]  }
0x28: {  	s2 =	sld [smem:$0x3FAE]  }
0x29: {  	s4 =	sld [smem:$0x3FB0]  }
0x2a: {  	p0 =	seq.s32 s5, $0x0;
	s5 =	sld [smem:$0x3FB1]  }
0x2b: {  	s6 =	sld [smem:$0x3FB2]  }
0x2c: {  	s7 =	sld [smem:$0x3FB3]  }
0x2d: {  	s3 =	simm.s32 $0x108;
	s8 =	sld [smem:$0x3FB4]  }
0x2e: {  	s3 =	simm.s32 @!p0 $0x1082;
	s9 =	sld [smem:$0x3FB5]  }
0x2f: {  	lr =	sadd.s32 s0, s3;
	s0 =	sld [smem:$0x3FAC]  }
0x30: {  	s3 =	sld [smem:$0x3FAF]  }
0x31: {  	[smem:$0x3FB8] =	sst s10  }
0x32: {  	s10 =	sld [smem:$0x3FB6];
	_ =	sdelay $0x3  }
0x33: {  	p0 =	seq.s32 s10, $0x1;
	s10 =	sld [smem:$0x3FB8];
	_ =	sdelay $0x3  }
0x34: {  	[smem:$0x3FB8] =	sst s10  }
0x35: {  	s10 =	sld [smem:$0x3FB7];
	_ =	sdelay $0x3  }
0x36: {  	p1 =	seq.s32 s10, $0x1;
	s10 =	sld [smem:$0x3FB8];
	_ =	sdelay $0x3  }
0x37: {  	[smem:$0x3FB8] =	sst s10  }
0x38: {  	s10 =	sld [smem:$0x3FB9]  }
0x39: {  	_ = 	snop;
	(pc) =	sbr.ind lr, $3  }
0x3a: {  	_ = 	snop  }
0x3b: {  	_ = 	snop  }
0x3c: {  	p2 =	seq.s32 s10, $0x1;
	s10 =	sld [smem:$0x3FB8]  }
0x3d: {  	_ =	shalt  }
0x3e: {  	_ =	shalt  }
0x3f: {  	_ =	shalt  }
0x40: {  	_ =	shalt  }
0x41: {  	_ =	shalt  }
0x42: {  	_ =	shalt  }
0x43: {  	_ =	shalt  }
0x44: {  	_ =	shalt  }
0x45: {  	_ =	shalt  }
0x46: {  	_ =	shalt  }
0x47: {  	_ =	shalt  }
0x48: {  	_ =	shalt  }
0x49: {  	_ =	shalt  }
0x4a: {  	_ =	shalt  }
0x4b: {  	_ =	shalt  }
0x4c: {  	_ =	shalt  }
0x4d: {  	_ =	shalt  }
0x4e: {  	_ =	shalt  }
0x4f: {  	_ =	shalt  }
0x50: {  	_ =	shalt  }
0x51: {  	_ =	shalt  }
0x52: {  	_ =	shalt  }
0x53: {  	_ =	shalt  }
0x54: {  	_ =	shalt  }
0x55: {  	_ =	shalt  }
0x56: {  	_ =	shalt  }
0x57: {  	_ =	shalt  }
0x58: {  	_ =	shalt  }
0x59: {  	_ =	shalt  }
0x5a: {  	_ =	shalt  }
0x5b: {  	_ =	shalt  }
0x5c: {  	_ =	shalt  }
0x5d: {  	_ =	shalt  }
0x5e: {  	_ =	shalt  }
0x5f: {  	_ =	shalt  }
0x60: {  	_ =	shalt  }
0x61: {  	_ =	shalt  }
0x62: {  	_ =	shalt  }
0x63: {  	_ =	shalt  }
0x64: {  	_ =	shalt  }
0x65: {  	_ =	shalt  }
0x66: {  	_ =	shalt  }
0x67: {  	_ =	shalt  }
0x68: {  	_ =	shalt  }
0x69: {  	_ =	shalt  }
0x6a: {  	_ =	shalt  }
0x6b: {  	_ =	shalt  }
0x6c: {  	_ =	shalt  }
0x6d: {  	_ =	shalt  }
0x6e: {  	_ =	shalt  }
0x6f: {  	_ =	shalt  }
0x70: {  	_ =	shalt  }
0x71: {  	_ =	shalt  }
0x72: {  	_ =	shalt  }
0x73: {  	_ =	shalt  }
0x74: {  	_ =	shalt  }
0x75: {  	_ =	shalt  }
0x76: {  	_ =	shalt  }
0x77: {  	_ =	shalt  }
0x78: {  	_ =	shalt  }
0x79: {  	_ =	shalt  }
0x7a: {  	_ =	shalt  }
0x7b: {  	_ =	shalt  }
0x7c: {  	_ =	shalt  }
0x7d: {  	_ =	shalt  }
0x7e: {  	_ =	shalt  }
0x7f: {  	_ =	shalt  }
0x80: {  	_ =	shalt  }
0x81: {  	_ =	shalt  }
0x82: {  	_ =	shalt  }
0x83: {  	_ =	shalt  }
0x84: {  	_ =	shalt  }
0x85: {  	_ =	shalt  }
0x86: {  	_ =	shalt  }
0x87: {  	_ =	shalt  }
.Lfunc_end0:
.L_simem_size_0:
called_computation_lowered:
.L_overlay_start_0:
0x88: {  	s2 =	sld [smem:$0x3FD9]  }
0x89: {  	s3 =	sld [smem:$0x3FFE];
	_ =	sdelay $0x1  }
0x8a: {  	s1 =	srdreg.scid  }
0x8b: {  	s0 =	sand.u32 $0x1, s1  }
0x8c: {  	s17 =	sshll.u32 s0, $0xA;
	s2 =	sadd.s32 s3, s2  }
0x8d: {  	s2 =	sadd.s32 s2, s17  }
0x8e: {  	[smem:$0x3FC4] =	sst s2  }
0x8f: {  	_ = 	snop  }
0x90: {  	s2 =	sld [smem:$0x3FD0];
	(tm) =	ssettm $0x1  }
0x91: {  	s18 =	sld [smem:$0x3FFB];
	_ =	sdelay $0x3  }
0x92: {  	_ =	strace s18  }
0x93: {  	s3 =	sld [smem:$0x3FFC];
	_ =	sdelay $0x3  }
0x94: {  	_ =	strace s3  }
0x95: {  	s3 =	sld [smem:$0x3FFD];
	_ =	sdelay $0x3  }
0x96: {  	_ =	strace s3  }
0x97: {  	_ =	strace $0x8FFFFFFF  }
0x98: {  	s19 =	sld [smem:$0x3FDB];
	_ =	sdelay $0x1  }
0x99: {  	s4 =	simm.s32 $_scs_section_size  }
0x9a: {  	s5 =	simm.s32 $_size__tile_overlayer_lowered;
	s6 =	simm.s32 $_tile_overlayer_lowered  }
0x9b: {  	s22 =	simm.s32 $0x1BFF;
	s21 =	sshll.u32 s6, $0x1;
	s3 =	sadd.s32 s4, s19  }
0x9c: {  	s7 =	simm.s32 $0x0;
	s20 =	sshll.u32 s5, $0x1;
	s5 =	sadd.s32 s21, s3  }
0x9d: {  	[timem:s7], [sflag:s22] =	dma.local [hbm:s5], s20  }
0x9e: {  	_ =	swait.ge [sflag:s22], s20  }
0x9f: {  	s4 =	ssub.s32 $0x0, s20;
	[sflag:s22] =	ssyncset.done $0x0  }
0xa0: {  	[sflag:s22] =	ssyncadd.s32 s4;
	_ =	sdelay $0x1  }
0xa1: {  	s23 =	simm.s32 $0x1B8B  }
0xa2: {  	_ =	swait.ge [sflag:s23], $0x1  }
0xa3: {  	[sflag:s23] =	ssyncset.done $0x0  }
0xa4: {  	s25 =	simm.s32 $0x1B8E;
	s24 =	sld [smem:$0x3FFE];
	[sflag:s23] =	ssyncadd.s32 $0xFFFFFFFF  }
0xa5: {  	s26 =	simm.s32 $execute0_lowered;
	[smem:$0x3FD2] =	sst s25  }
0xa6: {  	s5 =	sshll.u32 s26, $0x1;
	_ =	strace $0x80000046;
	[dreg:$0x1] =	wrdreg $0xFFFFFFFF  }
0xa7: {  	s28 =	simm.s32 $_size_execute0_lowered;
	s3 =	sadd.s32 s3, s5;
	[dreg:$0x0] =	wrdreg $0x0  }
0xa8: {  	s5 =	sshll.u32 s28, $0x1;
	[dreg:$0x2] =	wrdreg s3  }
0xa9: {  	[dreg:$0x3] =	wrdreg s5  }
0xaa: {  	[dreg:$0x4] =	wrdreg $0xC0  }
0xab: {  	_ =	task [dreg:s7], $0x5FFFF  }
0xac: {  	[dreg:$0x1] =	wrdreg $0xFFFFFFFF  }
0xad: {  	[dreg:$0x0] =	wrdreg $0x60  }
0xae: {  	[dreg:$0x2] =	wrdreg s24  }
0xaf: {  	[dreg:$0x3] =	wrdreg s2  }
0xb0: {  	[dreg:$0x4] =	wrdreg $0xA3800  }
0xb1: {  	[dreg:$0x5] =	wrdreg $0x9  }
0xb2: {  	_ =	task.clear_ibuf [dreg:s7], $0x6FFFF;
	_ =	strace $0x90000046  }
0xb3: {  	s29 =	simm.s32 $0x9;
	_ =	strace $0x80000048  }
0xb4: {  	_ =	swait.ge [sflag:s29], $0x1  }
0xb5: {  	[sflag:s29] =	ssyncadd.s32 $0xFFFFFFFF  }
0xb6: {  	_ =	strace $0x90000048  }
0xb7: {  	_ =	sfence  }
0xb8: {  	s30 =	sld [smem:$0x0];
	_ =	sdelay $0x2  }
0xb9: {  	s31 =	sshll.u32 s1, $0xD;
	s1 =	sshrl.u32 s1, $0x2  }
0xba: {  	s3 =	sand.u32 $0x4000, s31;
	s1 =	sadd.s32 s1, s30  }
0xbb: {  	s0 =	sor.u32 s3, s0;
	s1 =	sshll.u32 s1, $0x11  }
0xbc: {  	s0 =	sor.u32 s1, s0  }
0xbd: {  	s0 =	sadd.s32 $0x8F2B, s0  }
0xbe: {  	[sflag:s0] =	ssyncadd.remote.s32 $0x1  }
0xbf: {  	_ =	sfence.sel $0xFFFF  }
0xc0: {  	[dreg:$0x0] =	wrdreg $0xFFFFFFFF;
	(pc) =	sbr.abs _section_cstart, $3  }
0xc1: {  	[dreg:$0x1] =	wrdreg $0xFFFFFFFF  }
0xc2: {  	_ =	task.clear_ibuf [dreg:s7], $0x2FFFF;
	_ =	strace $0x9FFFFFFF  }
0xc3: {  	(tm) =	ssettm $0x7FFFFFFF  }
tec
execute0_lowered:
.L_overlay_start_1:
0x0: {  	(tag) =	ssettag $0x1  }
0x1: {  	s0 =	srdreg.scid  }
0x2: {  	s1 =	rddreg [dreg:$0x0];
	s13 =	stileid.u32  }
0x3: {  	s5 =	rddreg [dreg:$0x1];
	s9 =	smul.u32 $0x4E000, s13  }
0x4: {  	s2 =	rddreg [dreg:$0x2];
	s28 =	simm.s32 $0x0;
	s12 =	smul.u32 $0x2700, s13  }
0x5: {  	s0 =	sand.u32 $0x1, s0;
	s10 =	sadd.s32 $0x800, s1;
	s30 =	smul.u32 $0x13800, s13  }
0x6: {  	s25 =	sadd.s32 $0x124800, s2;
	s14 =	smul.u32 $0x2710, s13;
	p0 =	seq.s32 s13, $0xF  }
0x7: {  	s3 =	sshll.u32 s0, $0x4;
	s8 =	ssub.s32 $0x2, s0;
	s26 =	smul.u32 $0x138800, s0  }
0x8: {  	s0 =	smul.u32 $0x27100, s0;
	s4 =	sor.u32 s13, s3;
	s3 =	simm.s32 $0x0  }
0x9: {  	s11 =	sshrl.u32 s8, $0x1;
	s9 =	sshrl.u32 s9, $0x2;
	s24 =	sadd.s32 s5, s12  }
0xa: {  	s5 =	sadd.s32 $0x24900, s5;
	[smem:$0x7FF] =	sst s3;
	s23 =	sadd.s32 s9, s2  }
0xb: {  	s13 =	simm.s32 $0x2980;
	_ =	strace $0x80000047;
	[dreg:$0x5] =	wrdreg s23  }
0xc: {  	s6 =	smul.u32 $0x2710, s4;
	s4 =	sadd.s32 $0xA600, s1;
	[dreg:$0x6] =	wrdreg s24  }
0xd: {  	s8 =	ssub.s32 s8, s11;
	s0 =	sadd.s32 s14, s0;
	[dreg:$0x7] =	wrdreg s25  }
0xe: {  	s14 =	simm.s32 $0x7B80;
	[dreg:$0x9] =	wrdreg s5;
	s5 =	sadd.s32 s30, s26  }
0xf: {  	s16 =	sadd.s32 $0x4B0, s0;
	s17 =	sadd.s32 $0x460, s0;
	s20 =	sadd.s32 $0x3C0, s0  }
0x10: {  	s21 =	sadd.s32 $0x370, s0;
	s25 =	smax.u32 s8, $0x1;
	s8 =	simm.s32 $0x2B80  }
0x11: {  	s6 =	sshrl.u32 s6, $0x3;
	s5 =	sshrl.u32 s5, $0x3;
	[dreg:$0x18] =	wrdreg s25  }
0x12: {  	s25 =	simm.s32 $0x7;
	s7 =	sadd.s32 s6, s1;
	s9 =	sadd.s32 s10, s6  }
0x13: {  	s1 =	sadd.s32 $0xD7A00, s1;
	s7 =	sadd.s32 $0xCDC00, s7;
	[dreg:$0x8] =	wrdreg s9  }
0x14: {  	s6 =	sshrl.u32 s26, $0x3;
	s29 =	sadd.s32 $0xA, s9;
	[dreg:$0x4] =	wrdreg s7  }
0x15: {  	s31 =	sadd.s32 $0x14, s9;
	s11 =	sadd.s32 $0x1E, s9;
	[dreg:$0xa] =	wrdreg s29  }
0x16: {  	s12 =	sadd.s32 $0x28, s9;
	s15 =	sadd.s32 $0x32, s9;
	[dreg:$0xb] =	wrdreg s31  }
0x17: {  	s5 =	sadd.s32 s1, s5;
	s1 =	sadd.s32 s1, s6;
	[dreg:$0xc] =	wrdreg s11  }
0x18: {  	s6 =	sshrl.u32 s17, $0x3;
	s23 =	sadd.s32 $0x3C, s9;
	[dreg:$0xd] =	wrdreg s12  }
0x19: {  	s26 =	sadd.s32 $0x46, s9;
	s30 =	sadd.s32 $0x5A, s9;
	[dreg:$0xe] =	wrdreg s15  }
0x1a: {  	[dreg:$0xf] =	wrdreg s5;
	s7 =	sadd.s32 $0x410, s0;
	s5 =	sshrl.u32 s16, $0x3  }
0x1b: {  	s18 =	sadd.s32 s6, s10;
	s0 =	sadd.s32 $0x320, s0;
	[dreg:$0x16] =	wrdreg s23  }
0x1c: {  	s6 =	sshrl.u32 s21, $0x3;
	s24 =	sadd.s32 $0x24900, s1;
	[dreg:$0x19] =	wrdreg s26  }
0x1d: {  	s29 =	sadd.s32 $0x50, s9;
	[dreg:$0x1b] =	wrdreg s30;
	s31 =	sadd.s32 $0x4D8, s9  }
0x1e: {  	s1 =	simm.s32 $0x2780;
	s11 =	simm.s32 $0x3;
	s12 =	simm.s32 $0x2  }
0x1f: {  	s15 =	simm.s32 $0x4;
	s16 =	simm.s32 $0x6;
	[dreg:$0x11] =	wrdreg s18  }
0x20: {  	s23 =	simm.s32 $0x2A00;
	s26 =	simm.s32 $0x8;
	[dreg:$0x17] =	wrdreg s24  }
0x21: {  	s7 =	sshrl.u32 s7, $0x3;
	s5 =	sadd.s32 s5, s10;
	[dreg:$0x1a] =	wrdreg s29  }
0x22: {  	s0 =	sshrl.u32 s0, $0x3;
	s22 =	sadd.s32 s6, s10;
	[dreg:$0x1c] =	wrdreg s31  }
0x23: {  	s6 =	simm.s32 $0x2900;
	s24 =	simm.s32 $0x5;
	[dreg:$0x10] =	wrdreg s5  }
0x24: {  	s19 =	sadd.s32 s7, s10;
	s5 =	sshrl.u32 s20, $0x3;
	[dreg:$0x14] =	wrdreg s22  }
0x25: {  	s0 =	sadd.s32 s0, s10;
	s7 =	simm.s32 $0x50;
	[dreg:$0x12] =	wrdreg s19  }
0x26: {  	s5 =	sadd.s32 s5, s10;
	[dreg:$0x15] =	wrdreg s0;
	s0 =	simm.s32 $0x2800  }
0x27: {  	s10 =	simm.s32 $0x5380;
	[dreg:$0x13] =	wrdreg s5;
	s5 =	simm.s32 $0x2880  }
.LBB2_1:
0x28: {  	s9 =	rddreg [dreg:$0x4]  }
0x29: {  	[tilespmem:s3], [sflag:$0x1] =	stream.linear.gather [hbm4b:s9+s3], $0x2710, $0x38;
	[tilespmem:$0x1DC80] =	vst v63  }
0x2a: {  	s9 =	rddreg [dreg:$0x7]  }
0x2b: {  	s17 =	rddreg [dreg:$0x9];
	s18 =	sshrl.u32 @p0 s9, $0x3  }
0x2c: {  	s9 =	simm.s32 @p0 $0x1FC9;
	[dreg:$0x1d] =	wrdreg s18  }
0x2d: {  	[spmem:s18], [sflag:s9] =	dma.local @p0 [hbm:s17], $0x2800  }
0x2e: {  	s9 =	simm.s32 @p0 $0x9;
	s17 =	stileid.u32  }
0x2f: {  	_ =	swait.ge @p0 [sflag:s9], $0x2800;
	s17 =	sshll.u32 @!p0 s17, $0x6  }
0x30: {  	[sflag:s9] =	ssyncset.done @p0 $0x0;
	s18 =	sor.u32 @!p0 $0x1C09, s17;
	s17 =	rddreg [dreg:$0x6]  }
0x31: {  	[sflag:s9] =	ssyncadd.s32 @p0 $0xFFFFD800;
	s9 =	rddreg [dreg:$0x5]  }
0x32: {  	[dreg:$0x1e] =	wrdreg s18;
	s9 =	sshrl.u32 @!p0 s9, $0x3  }
0x33: {  	[spmem:s9], [sflag:s18] =	dma.local @!p0 [hbm:s17], $0x2700  }
0x34: {  	s17 =	simm.s32 @!p0 $0x9  }
0x35: {  	_ =	swait.ge @!p0 [sflag:s17], $0x2700  }
0x36: {  	[sflag:s17] =	ssyncset.done @!p0 $0x0  }
0x37: {  	s20 =	simm.s32 $0x1;
	[sflag:s17] =	ssyncadd.s32 @!p0 $0xFFFFD900  }
0x38: {  	_ =	swait.ge [sflag:s20], $0x2710  }
0x39: {  	[sflag:s20] =	ssyncset.done $0x0  }
0x3a: {  	[sflag:s20] =	ssyncadd.s32 $0xFFFFD8F0  }
0x3b: {  	[bflag:$0x0] =	sbarrier.arrive $0xFFFF  }
0x3c: {  	s21 =	rddreg [dreg:$0x8]  }
0x3d: {  	[tilespmem:s1], [sflag:$0x2] =	stream.linear.gather [hbm4b:s21+s3], $0x50, $0x38;
	[tilespmem:$0x1DC80] =	vst v63  }
0x3e: {  	s22 =	rddreg [dreg:$0xa]  }
0x3f: {  	[tilespmem:s0], [sflag:$0x2] =	stream.linear.gather [hbm4b:s22+s3], $0x50, $0x38;
	[tilespmem:$0x1DC80] =	vst v63  }
0x40: {  	s30 =	rddreg [dreg:$0xb]  }
0x41: {  	[tilespmem:s5], [sflag:$0x2] =	stream.linear.gather [hbm4b:s30+s3], $0x50, $0x38;
	[tilespmem:$0x1DC80] =	vst v63  }
0x42: {  	s18 =	rddreg [dreg:$0xc]  }
0x43: {  	[tilespmem:s6], [sflag:$0x2] =	stream.linear.gather [hbm4b:s18+s3], $0x50, $0x38;
	[tilespmem:$0x1DC80] =	vst v63  }
0x44: {  	_ = 	snop  }
0x45: {  	[tilespmem:s8], [sflag:$0x3] =	stream.indirect.gather [hbm4b:s4+s7], $0x80, s3, s7, $0xb8;
	[tilespmem:$0x1DC80] =	vst v63  }
0x46: {  	_ = 	snop  }
0x47: {  	[tilespmem:s10], [sflag:$0x4] =	stream.indirect.gather [hbm4b:s4+s7], $0x80, s7, s7, $0xb8;
	[tilespmem:$0x1DC80] =	vst v63  }
0x48: {  	_ =	swait.ge [sflag:s11], $0x2800  }
0x49: {  	[sflag:s11] =	ssyncset.done $0x0  }
0x4a: {  	[sflag:s11] =	ssyncadd.s32 $0xFFFFD800  }
0x4b: {  	_ =	swait.ge [sflag:s12], $0x50  }
0x4c: {  	[sflag:s12] =	ssyncset.done $0x0  }
0x4d: {  	[sflag:s12] =	ssyncadd.s32 $0xFFFFFFB0  }
0x4e: {  	[spmem:s2] =	stream.indirect.scatter.add.f32 [tilespmem:s8], [sflag:$0x6], $0x80, s1, s7, $0xb8;
	[tilespmem:$0x1DC80] =	vst v63  }
0x4f: {  	s19 =	rddreg [dreg:$0xd]  }
0x50: {  	[tilespmem:s13], [sflag:$0x2] =	stream.linear.gather [hbm4b:s19+s3], $0x50, $0x38;
	[tilespmem:$0x1DC80] =	vst v63  }
0x51: {  	s20 =	simm.s32 $0xA0  }
0x52: {  	[tilespmem:s14], [sflag:$0x5] =	stream.indirect.gather [hbm4b:s4+s7], $0x80, s20, s7, $0xb8;
	[tilespmem:$0x1DC80] =	vst v63  }
0x53: {  	_ =	swait.ge [sflag:s15], $0x2800  }
0x54: {  	[sflag:s15] =	ssyncset.done $0x0  }
0x55: {  	[sflag:s15] =	ssyncadd.s32 $0xFFFFD800  }
0x56: {  	_ =	swait.ge [sflag:s12], $0x50  }
0x57: {  	[sflag:s12] =	ssyncset.done $0x0  }
0x58: {  	[sflag:s12] =	ssyncadd.s32 $0xFFFFFFB0  }
0x59: {  	[spmem:s2] =	stream.indirect.scatter.add.f32 [tilespmem:s10], [sflag:$0x7], $0x80, s0, s7, $0xb8;
	[tilespmem:$0x1DC80] =	vst v63  }
0x5a: {  	_ =	swait.ge [sflag:s16], $0x2800  }
0x5b: {  	[sflag:s16] =	ssyncset.done $0x0  }
0x5c: {  	s21 =	rddreg [dreg:$0xe];
	[sflag:s16] =	ssyncadd.s32 $0xFFFFD800  }
0x5d: {  	[tilespmem:s23], [sflag:$0x2] =	stream.linear.gather [hbm4b:s21+s3], $0x50, $0x38;
	[tilespmem:$0x1DC80] =	vst v63  }
0x5e: {  	s22 =	simm.s32 $0xF0  }
0x5f: {  	[tilespmem:s8], [sflag:$0x3] =	stream.indirect.gather [hbm4b:s4+s7], $0x80, s22, s7, $0xb8;
	[tilespmem:$0x1DC80] =	vst v63  }
0x60: {  	_ =	swait.ge [sflag:s24], $0x2800  }
0x61: {  	[sflag:s24] =	ssyncset.done $0x0  }
0x62: {  	[sflag:s24] =	ssyncadd.s32 $0xFFFFD800  }
0x63: {  	_ =	swait.ge [sflag:s12], $0x50  }
0x64: {  	[sflag:s12] =	ssyncset.done $0x0  }
0x65: {  	[sflag:s12] =	ssyncadd.s32 $0xFFFFFFB0  }
0x66: {  	[spmem:s2] =	stream.indirect.scatter.add.f32 [tilespmem:s14], [sflag:$0x8], $0x80, s5, s7, $0xb8;
	[tilespmem:$0x1DC80] =	vst v63  }
0x67: {  	_ =	swait.ge [sflag:s25], $0x2800  }
0x68: {  	[sflag:s25] =	ssyncset.done $0x0  }
0x69: {  	s30 =	rddreg [dreg:$0x16];
	[sflag:s25] =	ssyncadd.s32 $0xFFFFD800  }
0x6a: {  	[tilespmem:s1], [sflag:$0x2] =	stream.linear.gather [hbm4b:s30+s3], $0x50, $0x38;
	[tilespmem:$0x1DC80] =	vst v63  }
0x6b: {  	s18 =	simm.s32 $0x140  }
0x6c: {  	[tilespmem:s10], [sflag:$0x4] =	stream.indirect.gather [hbm4b:s4+s7], $0x80, s18, s7, $0xb8;
	[tilespmem:$0x1DC80] =	vst v63  }
0x6d: {  	_ =	swait.ge [sflag:s11], $0x2800  }
0x6e: {  	[sflag:s11] =	ssyncset.done $0x0  }
0x6f: {  	[sflag:s11] =	ssyncadd.s32 $0xFFFFD800  }
0x70: {  	_ =	swait.ge [sflag:s12], $0x50  }
0x71: {  	[sflag:s12] =	ssyncset.done $0x0  }
0x72: {  	[sflag:s12] =	ssyncadd.s32 $0xFFFFFFB0  }
0x73: {  	[spmem:s2] =	stream.indirect.scatter.add.f32 [tilespmem:s8], [sflag:$0x6], $0x80, s6, s7, $0xb8;
	[tilespmem:$0x1DC80] =	vst v63  }
0x74: {  	_ =	swait.ge [sflag:s26], $0x2800  }
0x75: {  	[sflag:s26] =	ssyncset.done $0x0  }
0x76: {  	s19 =	rddreg [dreg:$0x19];
	[sflag:s26] =	ssyncadd.s32 $0xFFFFD800  }
0x77: {  	[tilespmem:s0], [sflag:$0x2] =	stream.linear.gather [hbm4b:s19+s3], $0x50, $0x38;
	[tilespmem:$0x1DC80] =	vst v63  }
0x78: {  	s20 =	simm.s32 $0x190  }
0x79: {  	[tilespmem:s14], [sflag:$0x5] =	stream.indirect.gather [hbm4b:s4+s7], $0x80, s20, s7, $0xb8;
	[tilespmem:$0x1DC80] =	vst v63  }
0x7a: {  	_ =	swait.ge [sflag:s15], $0x2800  }
0x7b: {  	[sflag:s15] =	ssyncset.done $0x0  }
0x7c: {  	[sflag:s15] =	ssyncadd.s32 $0xFFFFD800  }
0x7d: {  	_ =	swait.ge [sflag:s12], $0x50  }
0x7e: {  	[sflag:s12] =	ssyncset.done $0x0  }
0x7f: {  	[sflag:s12] =	ssyncadd.s32 $0xFFFFFFB0  }
0x80: {  	[spmem:s2] =	stream.indirect.scatter.add.f32 [tilespmem:s10], [sflag:$0x7], $0x80, s13, s7, $0xb8;
	[tilespmem:$0x1DC80] =	vst v63  }
0x81: {  	_ =	swait.ge [sflag:s16], $0x2800  }
0x82: {  	[sflag:s16] =	ssyncset.done $0x0  }
0x83: {  	s21 =	rddreg [dreg:$0x1a];
	[sflag:s16] =	ssyncadd.s32 $0xFFFFD800  }
0x84: {  	[tilespmem:s5], [sflag:$0x2] =	stream.linear.gather [hbm4b:s21+s3], $0x50, $0x38;
	[tilespmem:$0x1DC80] =	vst v63  }
0x85: {  	s22 =	simm.s32 $0x1E0  }
0x86: {  	[tilespmem:s8], [sflag:$0x3] =	stream.indirect.gather [hbm4b:s4+s7], $0x80, s22, s7, $0xb8;
	[tilespmem:$0x1DC80] =	vst v63  }
0x87: {  	_ =	swait.ge [sflag:s24], $0x2800  }
0x88: {  	[sflag:s24] =	ssyncset.done $0x0  }
0x89: {  	[sflag:s24] =	ssyncadd.s32 $0xFFFFD800  }
0x8a: {  	_ =	swait.ge [sflag:s12], $0x50  }
0x8b: {  	[sflag:s12] =	ssyncset.done $0x0  }
0x8c: {  	[sflag:s12] =	ssyncadd.s32 $0xFFFFFFB0  }
0x8d: {  	[spmem:s2] =	stream.indirect.scatter.add.f32 [tilespmem:s14], [sflag:$0x8], $0x80, s23, s7, $0xb8;
	[tilespmem:$0x1DC80] =	vst v63  }
0x8e: {  	_ =	swait.ge [sflag:s25], $0x2800  }
0x8f: {  	[sflag:s25] =	ssyncset.done $0x0  }
0x90: {  	s30 =	rddreg [dreg:$0x1b];
	[sflag:s25] =	ssyncadd.s32 $0xFFFFD800  }
0x91: {  	[tilespmem:s6], [sflag:$0x2] =	stream.linear.gather [hbm4b:s30+s3], $0x50, $0x38;
	[tilespmem:$0x1DC80] =	vst v63  }
0x92: {  	s18 =	simm.s32 $0x230  }
0x93: {  	[tilespmem:s10], [sflag:$0x4] =	stream.indirect.gather [hbm4b:s4+s7], $0x80, s18, s7, $0xb8;
	[tilespmem:$0x1DC80] =	vst v63  }
0x94: {  	_ =	swait.ge [sflag:s11], $0x2800  }
0x95: {  	[sflag:s11] =	ssyncset.done $0x0  }
0x96: {  	[sflag:s11] =	ssyncadd.s32 $0xFFFFD800  }
0x97: {  	_ =	swait.ge [sflag:s12], $0x50  }
0x98: {  	[sflag:s12] =	ssyncset.done $0x0  }
0x99: {  	[sflag:s12] =	ssyncadd.s32 $0xFFFFFFB0  }
0x9a: {  	[spmem:s2] =	stream.indirect.scatter.add.f32 [tilespmem:s8], [sflag:$0x6], $0x80, s1, s7, $0xb8;
	[tilespmem:$0x1DC80] =	vst v63  }
0x9b: {  	_ =	swait.ge [sflag:s26], $0x2800  }
0x9c: {  	[sflag:s26] =	ssyncset.done $0x0  }
0x9d: {  	s29 =	rddreg [dreg:$0x15];
	[sflag:s26] =	ssyncadd.s32 $0xFFFFD800  }
0x9e: {  	[tilespmem:s13], [sflag:$0x2] =	stream.linear.gather [hbm4b:s29+s3], $0x50, $0x38;
	[tilespmem:$0x1DC80] =	vst v63  }
0x9f: {  	s19 =	simm.s32 $0x280  }
0xa0: {  	[tilespmem:s14], [sflag:$0x5] =	stream.indirect.gather [hbm4b:s4+s7], $0x80, s19, s7, $0xb8;
	[tilespmem:$0x1DC80] =	vst v63  }
0xa1: {  	_ =	swait.ge [sflag:s15], $0x2800  }
0xa2: {  	[sflag:s15] =	ssyncset.done $0x0  }
0xa3: {  	[sflag:s15] =	ssyncadd.s32 $0xFFFFD800  }
0xa4: {  	_ =	swait.ge [sflag:s12], $0x50  }
0xa5: {  	[sflag:s12] =	ssyncset.done $0x0  }
0xa6: {  	[sflag:s12] =	ssyncadd.s32 $0xFFFFFFB0  }
0xa7: {  	[spmem:s2] =	stream.indirect.scatter.add.f32 [tilespmem:s10], [sflag:$0x7], $0x80, s0, s7, $0xb8;
	[tilespmem:$0x1DC80] =	vst v63  }
0xa8: {  	_ =	swait.ge [sflag:s16], $0x2800  }
0xa9: {  	[sflag:s16] =	ssyncset.done $0x0  }
0xaa: {  	s18 =	rddreg [dreg:$0x14];
	[sflag:s16] =	ssyncadd.s32 $0xFFFFD800  }
0xab: {  	[tilespmem:s23], [sflag:$0x2] =	stream.linear.gather [hbm4b:s18+s3], $0x50, $0x38;
	[tilespmem:$0x1DC80] =	vst v63  }
0xac: {  	s20 =	simm.s32 $0x2D0  }
0xad: {  	[tilespmem:s8], [sflag:$0x3] =	stream.indirect.gather [hbm4b:s4+s7], $0x80, s20, s7, $0xb8;
	[tilespmem:$0x1DC80] =	vst v63  }
0xae: {  	_ =	swait.ge [sflag:s24], $0x2800  }
0xaf: {  	[sflag:s24] =	ssyncset.done $0x0  }
0xb0: {  	[sflag:s24] =	ssyncadd.s32 $0xFFFFD800  }
0xb1: {  	_ =	swait.ge [sflag:s12], $0x50  }
0xb2: {  	[sflag:s12] =	ssyncset.done $0x0  }
0xb3: {  	[sflag:s12] =	ssyncadd.s32 $0xFFFFFFB0  }
0xb4: {  	[spmem:s2] =	stream.indirect.scatter.add.f32 [tilespmem:s14], [sflag:$0x8], $0x80, s5, s7, $0xb8;
	[tilespmem:$0x1DC80] =	vst v63  }
0xb5: {  	_ =	swait.ge [sflag:s25], $0x2800  }
0xb6: {  	[sflag:s25] =	ssyncset.done $0x0  }
0xb7: {  	s20 =	rddreg [dreg:$0x13];
	[sflag:s25] =	ssyncadd.s32 $0xFFFFD800  }
0xb8: {  	[tilespmem:s1], [sflag:$0x2] =	stream.linear.gather [hbm4b:s20+s3], $0x50, $0x38;
	[tilespmem:$0x1DC80] =	vst v63  }
0xb9: {  	s21 =	simm.s32 $0x320  }
0xba: {  	[tilespmem:s10], [sflag:$0x4] =	stream.indirect.gather [hbm4b:s4+s7], $0x80, s21, s7, $0xb8;
	[tilespmem:$0x1DC80] =	vst v63  }
0xbb: {  	_ =	swait.ge [sflag:s11], $0x2800  }
0xbc: {  	[sflag:s11] =	ssyncset.done $0x0  }
0xbd: {  	[sflag:s11] =	ssyncadd.s32 $0xFFFFD800  }
0xbe: {  	_ =	swait.ge [sflag:s12], $0x50  }
0xbf: {  	[sflag:s12] =	ssyncset.done $0x0  }
0xc0: {  	[sflag:s12] =	ssyncadd.s32 $0xFFFFFFB0  }
0xc1: {  	[spmem:s2] =	stream.indirect.scatter.add.f32 [tilespmem:s8], [sflag:$0x6], $0x80, s6, s7, $0xb8;
	[tilespmem:$0x1DC80] =	vst v63  }
0xc2: {  	_ =	swait.ge [sflag:s26], $0x2800  }
0xc3: {  	[sflag:s26] =	ssyncset.done $0x0  }
0xc4: {  	s19 =	rddreg [dreg:$0x12];
	[sflag:s26] =	ssyncadd.s32 $0xFFFFD800  }
0xc5: {  	[tilespmem:s0], [sflag:$0x2] =	stream.linear.gather [hbm4b:s19+s3], $0x50, $0x38;
	[tilespmem:$0x1DC80] =	vst v63  }
0xc6: {  	s22 =	simm.s32 $0x370  }
0xc7: {  	[tilespmem:s14], [sflag:$0x5] =	stream.indirect.gather [hbm4b:s4+s7], $0x80, s22, s7, $0xb8;
	[tilespmem:$0x1DC80] =	vst v63  }
0xc8: {  	_ =	swait.ge [sflag:s15], $0x2800  }
0xc9: {  	[sflag:s15] =	ssyncset.done $0x0  }
0xca: {  	[sflag:s15] =	ssyncadd.s32 $0xFFFFD800  }
0xcb: {  	_ =	swait.ge [sflag:s12], $0x50  }
0xcc: {  	[sflag:s12] =	ssyncset.done $0x0  }
0xcd: {  	[sflag:s12] =	ssyncadd.s32 $0xFFFFFFB0  }
0xce: {  	[spmem:s2] =	stream.indirect.scatter.add.f32 [tilespmem:s10], [sflag:$0x7], $0x80, s13, s7, $0xb8;
	[tilespmem:$0x1DC80] =	vst v63  }
0xcf: {  	_ =	swait.ge [sflag:s16], $0x2800  }
0xd0: {  	[sflag:s16] =	ssyncset.done $0x0  }
0xd1: {  	s22 =	rddreg [dreg:$0x11];
	[sflag:s16] =	ssyncadd.s32 $0xFFFFD800  }
0xd2: {  	[tilespmem:s5], [sflag:$0x2] =	stream.linear.gather [hbm4b:s22+s3], $0x50, $0x38;
	[tilespmem:$0x1DC80] =	vst v63  }
0xd3: {  	s30 =	simm.s32 $0x3C0  }
0xd4: {  	[tilespmem:s8], [sflag:$0x3] =	stream.indirect.gather [hbm4b:s4+s7], $0x80, s30, s7, $0xb8;
	[tilespmem:$0x1DC80] =	vst v63  }
0xd5: {  	_ =	swait.ge [sflag:s24], $0x2800  }
0xd6: {  	[sflag:s24] =	ssyncset.done $0x0  }
0xd7: {  	[sflag:s24] =	ssyncadd.s32 $0xFFFFD800  }
0xd8: {  	_ =	swait.ge [sflag:s12], $0x50  }
0xd9: {  	[sflag:s12] =	ssyncset.done $0x0  }
0xda: {  	[sflag:s12] =	ssyncadd.s32 $0xFFFFFFB0  }
0xdb: {  	[spmem:s2] =	stream.indirect.scatter.add.f32 [tilespmem:s14], [sflag:$0x8], $0x80, s23, s7, $0xb8;
	[tilespmem:$0x1DC80] =	vst v63  }
0xdc: {  	s31 =	simm.s32 $0x780;
	s17 =	sadd.s32 $0x3C, s18;
	_ =	swait.ge [sflag:s25], $0x2800  }
0xdd: {  	s18 =	sadd.s32 $0x3C, s29;
	s29 =	simm.s32 $0x410;
	[sflag:s25] =	ssyncset.done $0x0  }
0xde: {  	s20 =	sadd.s32 $0x3C, s20;
	s21 =	rddreg [dreg:$0x10];
	[sflag:s25] =	ssyncadd.s32 $0xFFFFD800  }
0xdf: {  	[tilespmem:s6], [sflag:$0x2] =	stream.linear.gather [hbm4b:s21+s3], $0x50, $0x38;
	[tilespmem:$0x1DC80] =	vst v63  }
0xe0: {  	s19 =	sadd.s32 $0x3C, s19;
	s22 =	sadd.s32 $0x3C, s22;
	s21 =	sadd.s32 $0x3C, s21  }
.LBB2_2:
0xe1: {  	[tilespmem:s10], [sflag:$0x4] =	stream.indirect.gather [hbm4b:s4+s7], $0x80, s29, s7, $0xb8;
	[tilespmem:$0x1DC80] =	vst v63  }
0xe2: {  	s29 =	smov.u32 s31  }
0xe3: {  	p1 =	sne.s32 s31, $0x8700;
	s31 =	sadd.s32 $0x780, s31;
	_ =	swait.ge [sflag:s11], $0x2800  }
0xe4: {  	[sflag:s11] =	ssyncset.done $0x0  }
0xe5: {  	[sflag:s11] =	ssyncadd.s32 $0xFFFFD800  }
0xe6: {  	_ =	swait.ge [sflag:s12], $0x50  }
0xe7: {  	[sflag:s12] =	ssyncset.done $0x0  }
0xe8: {  	[sflag:s12] =	ssyncadd.s32 $0xFFFFFFB0  }
0xe9: {  	[spmem:s2] =	stream.indirect.scatter.add.f32 [tilespmem:s8], [sflag:$0x6], $0x80, s1, s7, $0xb8;
	[tilespmem:$0x1DC80] =	vst v63  }
0xea: {  	_ =	swait.ge [sflag:s26], $0x2800  }
0xeb: {  	[sflag:s26] =	ssyncset.done $0x0  }
0xec: {  	s29 =	sshra.s32 s29, $0x2;
	[sflag:s26] =	ssyncadd.s32 $0xFFFFD800  }
0xed: {  	[tilespmem:s13], [sflag:$0x2] =	stream.linear.gather [hbm4b:s18+s3], $0x50, $0x38;
	[tilespmem:$0x1DC80] =	vst v63  }
0xee: {  	s30 =	sadd.s32 $0x280, s29  }
0xef: {  	[tilespmem:s14], [sflag:$0x5] =	stream.indirect.gather [hbm4b:s4+s7], $0x80, s30, s7, $0xb8;
	[tilespmem:$0x1DC80] =	vst v63  }
0xf0: {  	_ =	swait.ge [sflag:s15], $0x2800  }
0xf1: {  	[sflag:s15] =	ssyncset.done $0x0  }
0xf2: {  	[sflag:s15] =	ssyncadd.s32 $0xFFFFD800  }
0xf3: {  	_ =	swait.ge [sflag:s12], $0x50  }
0xf4: {  	[sflag:s12] =	ssyncset.done $0x0  }
0xf5: {  	[sflag:s12] =	ssyncadd.s32 $0xFFFFFFB0  }
0xf6: {  	[spmem:s2] =	stream.indirect.scatter.add.f32 [tilespmem:s10], [sflag:$0x7], $0x80, s0, s7, $0xb8;
	[tilespmem:$0x1DC80] =	vst v63  }
0xf7: {  	_ =	swait.ge [sflag:s16], $0x2800  }
0xf8: {  	[sflag:s16] =	ssyncset.done $0x0  }
0xf9: {  	[sflag:s16] =	ssyncadd.s32 $0xFFFFD800  }
0xfa: {  	[tilespmem:s23], [sflag:$0x2] =	stream.linear.gather [hbm4b:s17+s3], $0x50, $0x38;
	[tilespmem:$0x1DC80] =	vst v63  }
0xfb: {  	s30 =	sadd.s32 $0x2D0, s29  }
0xfc: {  	[tilespmem:s8], [sflag:$0x3] =	stream.indirect.gather [hbm4b:s4+s7], $0x80, s30, s7, $0xb8;
	[tilespmem:$0x1DC80] =	vst v63  }
0xfd: {  	_ =	swait.ge [sflag:s24], $0x2800  }
0xfe: {  	[sflag:s24] =	ssyncset.done $0x0  }
0xff: {  	[sflag:s24] =	ssyncadd.s32 $0xFFFFD800  }
0x100: {  	_ =	swait.ge [sflag:s12], $0x50  }
0x101: {  	[sflag:s12] =	ssyncset.done $0x0  }
0x102: {  	[sflag:s12] =	ssyncadd.s32 $0xFFFFFFB0  }
0x103: {  	[spmem:s2] =	stream.indirect.scatter.add.f32 [tilespmem:s14], [sflag:$0x8], $0x80, s5, s7, $0xb8;
	[tilespmem:$0x1DC80] =	vst v63  }
0x104: {  	_ =	swait.ge [sflag:s25], $0x2800  }
0x105: {  	[sflag:s25] =	ssyncset.done $0x0  }
0x106: {  	[sflag:s25] =	ssyncadd.s32 $0xFFFFD800  }
0x107: {  	[tilespmem:s1], [sflag:$0x2] =	stream.linear.gather [hbm4b:s20+s3], $0x50, $0x38;
	[tilespmem:$0x1DC80] =	vst v63  }
0x108: {  	s30 =	sadd.s32 $0x320, s29  }
0x109: {  	[tilespmem:s10], [sflag:$0x4] =	stream.indirect.gather [hbm4b:s4+s7], $0x80, s30, s7, $0xb8;
	[tilespmem:$0x1DC80] =	vst v63  }
0x10a: {  	_ =	swait.ge [sflag:s11], $0x2800  }
0x10b: {  	[sflag:s11] =	ssyncset.done $0x0  }
0x10c: {  	[sflag:s11] =	ssyncadd.s32 $0xFFFFD800  }
0x10d: {  	_ =	swait.ge [sflag:s12], $0x50  }
0x10e: {  	[sflag:s12] =	ssyncset.done $0x0  }
0x10f: {  	[sflag:s12] =	ssyncadd.s32 $0xFFFFFFB0  }
0x110: {  	[spmem:s2] =	stream.indirect.scatter.add.f32 [tilespmem:s8], [sflag:$0x6], $0x80, s6, s7, $0xb8;
	[tilespmem:$0x1DC80] =	vst v63  }
0x111: {  	_ =	swait.ge [sflag:s26], $0x2800  }
0x112: {  	[sflag:s26] =	ssyncset.done $0x0  }
0x113: {  	[sflag:s26] =	ssyncadd.s32 $0xFFFFD800  }
0x114: {  	[tilespmem:s0], [sflag:$0x2] =	stream.linear.gather [hbm4b:s19+s3], $0x50, $0x38;
	[tilespmem:$0x1DC80] =	vst v63  }
0x115: {  	s30 =	sadd.s32 $0x370, s29  }
0x116: {  	[tilespmem:s14], [sflag:$0x5] =	stream.indirect.gather [hbm4b:s4+s7], $0x80, s30, s7, $0xb8;
	[tilespmem:$0x1DC80] =	vst v63  }
0x117: {  	_ =	swait.ge [sflag:s15], $0x2800  }
0x118: {  	[sflag:s15] =	ssyncset.done $0x0  }
0x119: {  	[sflag:s15] =	ssyncadd.s32 $0xFFFFD800  }
0x11a: {  	_ =	swait.ge [sflag:s12], $0x50  }
0x11b: {  	[sflag:s12] =	ssyncset.done $0x0  }
0x11c: {  	[sflag:s12] =	ssyncadd.s32 $0xFFFFFFB0  }
0x11d: {  	[spmem:s2] =	stream.indirect.scatter.add.f32 [tilespmem:s10], [sflag:$0x7], $0x80, s13, s7, $0xb8;
	[tilespmem:$0x1DC80] =	vst v63  }
0x11e: {  	_ =	swait.ge [sflag:s16], $0x2800  }
0x11f: {  	[sflag:s16] =	ssyncset.done $0x0  }
0x120: {  	[sflag:s16] =	ssyncadd.s32 $0xFFFFD800  }
0x121: {  	[tilespmem:s5], [sflag:$0x2] =	stream.linear.gather [hbm4b:s22+s3], $0x50, $0x38;
	[tilespmem:$0x1DC80] =	vst v63  }
0x122: {  	s30 =	sadd.s32 $0x3C0, s29  }
0x123: {  	[tilespmem:s8], [sflag:$0x3] =	stream.indirect.gather [hbm4b:s4+s7], $0x80, s30, s7, $0xb8;
	[tilespmem:$0x1DC80] =	vst v63  }
0x124: {  	_ =	swait.ge [sflag:s24], $0x2800  }
0x125: {  	[sflag:s24] =	ssyncset.done $0x0  }
0x126: {  	[sflag:s24] =	ssyncadd.s32 $0xFFFFD800  }
0x127: {  	_ =	swait.ge [sflag:s12], $0x50  }
0x128: {  	[sflag:s12] =	ssyncset.done $0x0  }
0x129: {  	[sflag:s12] =	ssyncadd.s32 $0xFFFFFFB0  }
0x12a: {  	[spmem:s2] =	stream.indirect.scatter.add.f32 [tilespmem:s14], [sflag:$0x8], $0x80, s23, s7, $0xb8;
	[tilespmem:$0x1DC80] =	vst v63  }
.Ltmp0:
0x12b: {  	_ =	swait.ge [sflag:s25], $0x2800;
	(pc) =	sbr.rel @p1 .LBB2_2-.Ltmp0, $4  }
0x12c: {  	s18 =	sadd.s32 $0x3C, s18;
	s17 =	sadd.s32 $0x3C, s17;
	[sflag:s25] =	ssyncset.done $0x0  }
0x12d: {  	s20 =	sadd.s32 $0x3C, s20;
	s19 =	sadd.s32 $0x3C, s19;
	[sflag:s25] =	ssyncadd.s32 $0xFFFFD800  }
0x12e: {  	[tilespmem:s6], [sflag:$0x2] =	stream.linear.gather [hbm4b:s21+s3], $0x50, $0x38;
	[tilespmem:$0x1DC80] =	vst v63  }
0x12f: {  	s29 =	sadd.s32 $0x410, s29;
	s22 =	sadd.s32 $0x3C, s22;
	s21 =	sadd.s32 $0x3C, s21  }
0x130: {  	[tilespmem:s10], [sflag:$0x4] =	stream.indirect.gather [hbm4b:s4+s7], $0x80, s29, s7, $0xb8;
	[tilespmem:$0x1DC80] =	vst v63  }
0x131: {  	_ =	swait.ge [sflag:s11], $0x2800  }
0x132: {  	[sflag:s11] =	ssyncset.done $0x0  }
0x133: {  	[sflag:s11] =	ssyncadd.s32 $0xFFFFD800  }
0x134: {  	_ =	swait.ge [sflag:s12], $0x50  }
0x135: {  	[sflag:s12] =	ssyncset.done $0x0  }
0x136: {  	[sflag:s12] =	ssyncadd.s32 $0xFFFFFFB0  }
0x137: {  	[spmem:s2] =	stream.indirect.scatter.add.f32 [tilespmem:s8], [sflag:$0x6], $0x80, s1, s7, $0xb8;
	[tilespmem:$0x1DC80] =	vst v63  }
0x138: {  	_ =	swait.ge [sflag:s26], $0x2800  }
0x139: {  	[sflag:s26] =	ssyncset.done $0x0  }
0x13a: {  	s17 =	rddreg [dreg:$0x1c];
	[sflag:s26] =	ssyncadd.s32 $0xFFFFD800  }
0x13b: {  	[tilespmem:s13], [sflag:$0x2] =	stream.linear.gather [hbm4b:s17+s3], $0x50, $0x38;
	[tilespmem:$0x1DC80] =	vst v63  }
0x13c: {  	s22 =	simm.s32 $0x2620  }
0x13d: {  	[tilespmem:s14], [sflag:$0x5] =	stream.indirect.gather [hbm4b:s4+s7], $0x80, s22, s7, $0xb8;
	[tilespmem:$0x1DC80] =	vst v63  }
0x13e: {  	_ =	swait.ge [sflag:s15], $0x2800  }
0x13f: {  	[sflag:s15] =	ssyncset.done $0x0  }
0x140: {  	[sflag:s15] =	ssyncadd.s32 $0xFFFFD800  }
0x141: {  	_ =	swait.ge [sflag:s12], $0x50  }
0x142: {  	[sflag:s12] =	ssyncset.done $0x0  }
0x143: {  	[sflag:s12] =	ssyncadd.s32 $0xFFFFFFB0  }
0x144: {  	[spmem:s2] =	stream.indirect.scatter.add.f32 [tilespmem:s10], [sflag:$0x7], $0x80, s0, s7, $0xb8;
	[tilespmem:$0x1DC80] =	vst v63  }
0x145: {  	_ =	swait.ge [sflag:s16], $0x2800  }
0x146: {  	[sflag:s16] =	ssyncset.done $0x0  }
0x147: {  	s29 =	simm.s32 $0x2670;
	[sflag:s16] =	ssyncadd.s32 $0xFFFFD800  }
0x148: {  	[tilespmem:s8], [sflag:$0x3] =	stream.indirect.gather [hbm4b:s4+s7], $0x80, s29, s7, $0xb8;
	[tilespmem:$0x1DC80] =	vst v63  }
0x149: {  	_ =	swait.ge [sflag:s24], $0x2800  }
0x14a: {  	[sflag:s24] =	ssyncset.done $0x0  }
0x14b: {  	[sflag:s24] =	ssyncadd.s32 $0xFFFFD800  }
0x14c: {  	_ =	swait.ge [sflag:s12], $0x50  }
0x14d: {  	[sflag:s12] =	ssyncset.done $0x0  }
0x14e: {  	[sflag:s12] =	ssyncadd.s32 $0xFFFFFFB0  }
0x14f: {  	[spmem:s2] =	stream.indirect.scatter.add.f32 [tilespmem:s14], [sflag:$0x8], $0x80, s5, s7, $0xb8;
	[tilespmem:$0x1DC80] =	vst v63  }
0x150: {  	_ =	swait.ge [sflag:s25], $0x2800  }
0x151: {  	[sflag:s25] =	ssyncset.done $0x0  }
0x152: {  	s30 =	simm.s32 $0x26C0;
	[sflag:s25] =	ssyncadd.s32 $0xFFFFD800  }
0x153: {  	[tilespmem:s10], [sflag:$0x4] =	stream.indirect.gather [hbm4b:s4+s7], $0x80, s30, s7, $0xb8;
	[tilespmem:$0x1DC80] =	vst v63  }
0x154: {  	_ =	swait.ge [sflag:s11], $0x2800  }
0x155: {  	[sflag:s11] =	ssyncset.done $0x0  }
0x156: {  	[sflag:s11] =	ssyncadd.s32 $0xFFFFD800  }
0x157: {  	_ =	swait.ge [sflag:s12], $0x50  }
0x158: {  	[sflag:s12] =	ssyncset.done $0x0  }
0x159: {  	[sflag:s12] =	ssyncadd.s32 $0xFFFFFFB0  }
0x15a: {  	[spmem:s2] =	stream.indirect.scatter.add.f32 [tilespmem:s8], [sflag:$0x6], $0x80, s6, s7, $0xb8;
	[tilespmem:$0x1DC80] =	vst v63  }
0x15b: {  	_ =	swait.ge [sflag:s26], $0x2800  }
0x15c: {  	[sflag:s26] =	ssyncset.done $0x0  }
0x15d: {  	[sflag:s26] =	ssyncadd.s32 $0xFFFFD800  }
0x15e: {  	_ =	swait.ge [sflag:s15], $0x2800  }
0x15f: {  	[sflag:s15] =	ssyncset.done $0x0  }
0x160: {  	[sflag:s15] =	ssyncadd.s32 $0xFFFFD800  }
0x161: {  	_ =	swait.ge [sflag:s12], $0x50  }
0x162: {  	[sflag:s12] =	ssyncset.done $0x0  }
0x163: {  	[sflag:s12] =	ssyncadd.s32 $0xFFFFFFB0  }
0x164: {  	[spmem:s2] =	stream.indirect.scatter.add.f32 [tilespmem:s10], [sflag:$0x7], $0x80, s13, s7, $0xb8;
	[tilespmem:$0x1DC80] =	vst v63  }
0x165: {  	_ =	swait.ge [sflag:s16], $0x2800  }
0x166: {  	[sflag:s16] =	ssyncset.done $0x0  }
0x167: {  	[sflag:s16] =	ssyncadd.s32 $0xFFFFD800  }
0x168: {  	_ =	swait.ge [sflag:s25], $0x2800  }
0x169: {  	[sflag:s25] =	ssyncset.done $0x0  }
0x16a: {  	[sflag:s25] =	ssyncadd.s32 $0xFFFFD800  }
0x16b: {  	[bflag:$0x0] =	sbarrier.arrive $0xFFFF  }
0x16c: {  	s18 =	rddreg [dreg:$0x17]  }
0x16d: {  	s17 =	simm.s32 @p0 $0x1FC9;
	s19 =	rddreg [dreg:$0x1d]  }
0x16e: {  	[hbm:s18], [sflag:s17] =	dma.local @p0 [spmem:s19], $0x2800  }
0x16f: {  	s17 =	simm.s32 @p0 $0x9  }
0x170: {  	_ =	swait.ge @p0 [sflag:s17], $0x2800  }
0x171: {  	[sflag:s17] =	ssyncset.done @p0 $0x0;
	s18 =	rddreg [dreg:$0x1e]  }
0x172: {  	[sflag:s17] =	ssyncadd.s32 @p0 $0xFFFFD800;
	s17 =	rddreg [dreg:$0xf]  }
0x173: {  	[hbm:s17], [sflag:s18] =	dma.local @!p0 [spmem:s9], $0x2700  }
0x174: {  	s9 =	simm.s32 @!p0 $0x9  }
0x175: {  	_ =	swait.ge @!p0 [sflag:s9], $0x2700  }
0x176: {  	s28 =	sadd.s32 $0x1, s28;
	s31 =	rddreg [dreg:$0x18]  }
0x177: {  	p1 =	sne.s32 s28, s31  }
.Ltmp1:
0x178: {  	_ = 	snop;
	(pc) =	sbr.rel @p1 .LBB2_1-.Ltmp1, $3  }
0x179: {  	_ =	sdelay $0x1  }
0x17a: {  	[sflag:s9] =	ssyncset.done @!p0 $0x0  }
0x17b: {  	[sflag:s9] =	ssyncadd.s32 @!p0 $0xFFFFD900  }
0x17c: {  	_ =	sfence.sel $0x180000  }
0x17d: {  	[bflag:$0x0] =	sbarrier.arrive $0xFFFF  }
0x17e: {  	_ =	strace $0x90000047  }
0x17f: {  	s0 =	stileid.u32;
	[bflag:$0x2] =	sbarrier.arrive $0xFFFF  }
0x180: {  	p0 =	sne.s32 s0, $0x0;
	s0 =	rddreg [dreg:$0x3]  }
0x181: {  	s0 =	sadd.s32 @!p0 $0x100000, s0  }
0x182: {  	[sflag:s0] =	ssyncadd.tile.s32 @!p0 $0x1;
	_ =	shalt  }
.Lfunc_end2:
_tile_overlayer_lowered:
.L_overlay_start_2:
0x183: {  	(tag) =	ssettag $0x2  }
0x184: {  	s0 =	rddreg [dreg:$0x0];
	s2 =	stileid.u32  }
0x185: {  	s1 =	rddreg [dreg:$0x1];
	p0 =	sne.s32 s2, $0x0  }
0x186: {  	s3 =	rddreg [dreg:$0x2];
	[bflag:$0x3] =	sbarrier.arrive $0xFFFF;
	s2 =	simm.s32 @!p0 $0x1C09  }
0x187: {  	[timem:s3], [sflag:s2] =	dma.local @!p0 [hbm:s0], s1  }
0x188: {  	s0 =	simm.s32 @!p0 $0x9  }
0x189: {  	_ =	swait.ge @!p0 [sflag:s0], s1  }
0x18a: {  	s1 =	ssub.s32 @!p0 $0x0, s1;
	[sflag:s0] =	ssyncset.done @!p0 $0x0  }
0x18b: {  	[sflag:s0] =	ssyncadd.s32 @!p0 s1  }
0x18c: {  	[bflag:$0x3] =	sbarrier.arrive $0xFFFF  }
0x18d: {  	_ =	shalt  }

</sc_bundles>
